<compile_context>
chip_gen: v7x
topology: tpu7x:2x2x1
jax: 0.10.2.dev20260603
libtpu: 0.0.44.dev20260713+nightly
codegen_flags: <defaults>
</compile_context>

<pallas_src>
import functools

import jax
import jax.numpy as jnp
from jax import lax
from jax.experimental import pallas as pl
from jax.experimental.pallas import tpu as pltpu
from jax.experimental.pallas import tpu_sc as plsc

MAXLEN = 200
EMBED_DIM = 128
NC = 2
NS = 16
NW = NC * NS
LANES = 16
COLS = EMBED_DIM // LANES


def _make_sc_kernel(batch):
    n = batch // NW
    mesh = plsc.VectorSubcoreMesh(core_axis_name="c", subcore_axis_name="s")

    @functools.partial(
        pl.kernel,
        mesh=mesh,
        out_type=jax.ShapeDtypeStruct((batch, MAXLEN, EMBED_DIM), jnp.float32),
        compiler_params=pltpu.CompilerParams(use_tc_tiling_on_sc=True),
        scratch_types=[
            pltpu.VMEM((MAXLEN, EMBED_DIM), jnp.float32),
            pltpu.VMEM((MAXLEN, EMBED_DIM), jnp.float32),
            pltpu.VMEM((MAXLEN, EMBED_DIM), jnp.float32),
            pltpu.VMEM((MAXLEN, EMBED_DIM), jnp.float32),
            pltpu.VMEM((MAXLEN, EMBED_DIM), jnp.float32),
            pltpu.SemaphoreType.DMA,
            pltpu.SemaphoreType.DMA,
            pltpu.SemaphoreType.DMA,
            pltpu.SemaphoreType.DMA,
        ],
    )
    def sc_add(x_hbm, pos_hbm, out_hbm, pos_v, xb0, xb1, ob0, ob1,
               sin0, sin1, sout0, sout1):
        wid = lax.axis_index("s") * NC + lax.axis_index("c")
        base = wid * n
        pltpu.sync_copy(pos_hbm, pos_v)

        def in_copy(row, buf, sem):
            return pltpu.make_async_copy(x_hbm.at[row], buf, sem)

        def out_copy(buf, row, sem):
            return pltpu.make_async_copy(buf, out_hbm.at[row], sem)

        def compute(src, dst):
            @plsc.parallel_loop(0, MAXLEN, step=1, unroll=4)
            def body(r):
                for u in range(COLS):
                    dst[r, pl.ds(u * LANES, LANES)] = (
                        src[r, pl.ds(u * LANES, LANES)]
                        + pos_v[r, pl.ds(u * LANES, LANES)]
                    )

        in_copy(base + 0, xb0, sin0).start()
        in_copy(base + 1, xb1, sin1).start()

        in_copy(base + 0, xb0, sin0).wait()
        compute(xb0, ob0)
        out_copy(ob0, base + 0, sout0).start()
        in_copy(base + 2, xb0, sin0).start()

        in_copy(base + 1, xb1, sin1).wait()
        compute(xb1, ob1)
        out_copy(ob1, base + 1, sout1).start()
        in_copy(base + 3, xb1, sin1).start()

        def main_body(k, c):
            re = base + 2 + 2 * k
            in_copy(re, xb0, sin0).wait()
            out_copy(ob0, re, sout0).wait()
            compute(xb0, ob0)
            out_copy(ob0, re, sout0).start()
            in_copy(re + 2, xb0, sin0).start()

            ro = re + 1
            in_copy(ro, xb1, sin1).wait()
            out_copy(ob1, ro, sout1).wait()
            compute(xb1, ob1)
            out_copy(ob1, ro, sout1).start()
            in_copy(ro + 2, xb1, sin1).start()
            return c

        lax.fori_loop(0, (n - 4) // 2, main_body, 0)

        re = base + n - 2
        in_copy(re, xb0, sin0).wait()
        out_copy(ob0, re, sout0).wait()
        compute(xb0, ob0)
        out_copy(ob0, re, sout0).start()

        ro = base + n - 1
        in_copy(ro, xb1, sin1).wait()
        out_copy(ob1, ro, sout1).wait()
        compute(xb1, ob1)
        out_copy(ob1, ro, sout1).start()

        out_copy(ob0, re, sout0).wait()
        out_copy(ob1, ro, sout1).wait()

    return sc_add


def kernel(x, pos_table):
    return _make_sc_kernel(x.shape[0])(x, pos_table)

# --- scband reference (transcript-rebuilt; emitter-appended) ---
"""Pipeline reference for scband-token-and-position-embedding-11493332484127 (READ-ONLY COPY).

The authoritative reference and input builder live on the scoring server;
editing this copy changes nothing except your own understanding.
"""

import jax, jax.numpy as jnp
import numpy as np

MAXLEN = 200
EMBED_DIM = 128
BATCH = 4096

def setup_inputs(seed: int = 0) -> dict:
    key = jax.random.key(seed)
    k1, k2 = jax.random.split(key)
    x = jax.random.normal(k1, (BATCH, MAXLEN, EMBED_DIM), dtype=jnp.float32)
    pos_table = jax.random.normal(k2, (MAXLEN, EMBED_DIM), dtype=jnp.float32) * 0.02
    return {"x": x, "pos_table": pos_table}

def reference(x, pos_table):
    # positions = tf.range(0, maxlen)
    positions = jnp.arange(0, MAXLEN)
    # positional embedding lookup (gather)
    pos = jnp.take(pos_table, positions, axis=0)
    # x = tf.reshape(x, [-1, maxlen, embed_dim])
    xr = jnp.reshape(x, (-1, MAXLEN, EMBED_DIM))
    out = xr + pos
    return out

if __name__ == "__main__":
    import jax
    _d = setup_inputs()
    print(jax.jit(kernel)(*tuple(_d.values())))

</pallas_src>

<mosaic_0001>
#map = affine_map<(d0, d1) -> (0, 0, 0)>
#map1 = affine_map<(d0, d1) -> (0, 0)>
module attributes {stable_mosaic.version = 14 : i64} {
  func.func @sc_add(%arg0: i32, %arg1: i32, %arg2: memref<4096x200x128xf32, #tpu.memory_space<hbm>>, %arg3: memref<200x128xf32, #tpu.memory_space<hbm>>, %arg4: memref<4096x200x128xf32, #tpu.memory_space<hbm>>, %arg5: memref<200x128xf32, #tpu.memory_space<vmem>>, %arg6: memref<200x128xf32, #tpu.memory_space<vmem>>, %arg7: memref<200x128xf32, #tpu.memory_space<vmem>>, %arg8: memref<200x128xf32, #tpu.memory_space<vmem>>, %arg9: memref<200x128xf32, #tpu.memory_space<vmem>>, %arg10: memref<!tpu.dma_semaphore, #tpu.memory_space<semaphore_mem>>, %arg11: memref<!tpu.dma_semaphore, #tpu.memory_space<semaphore_mem>>, %arg12: memref<!tpu.dma_semaphore, #tpu.memory_space<semaphore_mem>>, %arg13: memref<!tpu.dma_semaphore, #tpu.memory_space<semaphore_mem>>) attributes {dimension_semantics = [#tpu.dimension_semantics<core_parallel>, #tpu.dimension_semantics<subcore_parallel>], iteration_bounds = array<i64: 2, 16>, scalar_prefetch = 0 : i64, scratch_operands = 9 : i64, tpu.core_type = #tpu.core_type<sc_vector_subcore>, window_params = [{transform_indices = #map}, {transform_indices = #map1}, {transform_indices = #map}]} {
    %mul3A = arith.constant 2 : i32
    %mul3A_0 = arith.muli %arg1, %mul3A : i32
    %add3A = arith.addi %mul3A_0, %arg0 : i32
    %mul3A_1 = arith.constant 128 : i32
    %mul3A_2 = arith.muli %add3A, %mul3A_1 : i32
    "tpu.region"() ({
      %run_scoped3A = tpu.sem_alloc : memref<!tpu.dma_semaphore, #tpu.memory_space<semaphore_mem>>
      tpu.enqueue_dma source(%arg3 : memref<200x128xf32, #tpu.memory_space<hbm>>) target(%arg5 : memref<200x128xf32, #tpu.memory_space<vmem>>) target_semaphore(%run_scoped3A : memref<!tpu.dma_semaphore, #tpu.memory_space<semaphore_mem>>)
      tpu.wait_dma2 semaphore(%run_scoped3A : memref<!tpu.dma_semaphore, #tpu.memory_space<semaphore_mem>>) src(%arg3 : memref<200x128xf32, #tpu.memory_space<hbm>>) dst(%arg5 : memref<200x128xf32, #tpu.memory_space<vmem>>)
      tpu.yield
    }) : () -> ()
    %add3A_3 = arith.constant 0 : i32
    %add3A_4 = arith.addi %mul3A_2, %add3A_3 : i32
    %dma_start3A = arith.constant 0 : i32
    %dma_start3A_5 = arith.constant 0 : i32
    %dma_start3A_6 = tpu.memref_slice %arg2[%add3A_4, %dma_start3A, %dma_start3A_5] : memref<4096x200x128xf32, #tpu.memory_space<hbm>> -> memref<1x200x128xf32, #tpu.memory_space<hbm>>
    %dma_start3A_7 = tpu.memref_squeeze %dma_start3A_6 : memref<1x200x128xf32, #tpu.memory_space<hbm>> -> memref<200x128xf32, #tpu.memory_space<hbm>>
    %dma_start3A_8 = arith.constant 0 : i32
    %dma_start3A_9 = arith.constant 0 : i32
    %dma_start3A_10 = tpu.memref_slice %arg2[%add3A_4, %dma_start3A_8, %dma_start3A_9] : memref<4096x200x128xf32, #tpu.memory_space<hbm>> -> memref<1x200x128xf32, #tpu.memory_space<hbm>>
    %dma_start3A_11 = tpu.memref_squeeze %dma_start3A_10 : memref<1x200x128xf32, #tpu.memory_space<hbm>> -> memref<200x128xf32, #tpu.memory_space<hbm>>
    tpu.enqueue_dma source(%dma_start3A_11 : memref<200x128xf32, #tpu.memory_space<hbm>>) target(%arg6 : memref<200x128xf32, #tpu.memory_space<vmem>>) target_semaphore(%arg10 : memref<!tpu.dma_semaphore, #tpu.memory_space<semaphore_mem>>)
    %add3A_12 = arith.constant 1 : i32
    %add3A_13 = arith.addi %mul3A_2, %add3A_12 : i32
    %dma_start3A_14 = arith.constant 0 : i32
    %dma_start3A_15 = arith.constant 0 : i32
    %dma_start3A_16 = tpu.memref_slice %arg2[%add3A_13, %dma_start3A_14, %dma_start3A_15] : memref<4096x200x128xf32, #tpu.memory_space<hbm>> -> memref<1x200x128xf32, #tpu.memory_space<hbm>>
    %dma_start3A_17 = tpu.memref_squeeze %dma_start3A_16 : memref<1x200x128xf32, #tpu.memory_space<hbm>> -> memref<200x128xf32, #tpu.memory_space<hbm>>
    %dma_start3A_18 = arith.constant 0 : i32
    %dma_start3A_19 = arith.constant 0 : i32
    %dma_start3A_20 = tpu.memref_slice %arg2[%add3A_13, %dma_start3A_18, %dma_start3A_19] : memref<4096x200x128xf32, #tpu.memory_space<hbm>> -> memref<1x200x128xf32, #tpu.memory_space<hbm>>
    %dma_start3A_21 = tpu.memref_squeeze %dma_start3A_20 : memref<1x200x128xf32, #tpu.memory_space<hbm>> -> memref<200x128xf32, #tpu.memory_space<hbm>>
    tpu.enqueue_dma source(%dma_start3A_21 : memref<200x128xf32, #tpu.memory_space<hbm>>) target(%arg7 : memref<200x128xf32, #tpu.memory_space<vmem>>) target_semaphore(%arg11 : memref<!tpu.dma_semaphore, #tpu.memory_space<semaphore_mem>>)
    %add3A_22 = arith.constant 0 : i32
    %add3A_23 = arith.addi %mul3A_2, %add3A_22 : i32
    %dma_wait3A = arith.constant 0 : i32
    %dma_wait3A_24 = arith.constant 0 : i32
    %dma_wait3A_25 = tpu.memref_slice %arg2[%add3A_23, %dma_wait3A, %dma_wait3A_24] : memref<4096x200x128xf32, #tpu.memory_space<hbm>> -> memref<1x200x128xf32, #tpu.memory_space<hbm>>
    %dma_wait3A_26 = tpu.memref_squeeze %dma_wait3A_25 : memref<1x200x128xf32, #tpu.memory_space<hbm>> -> memref<200x128xf32, #tpu.memory_space<hbm>>
    %dma_wait3A_27 = arith.constant 0 : i32
    %dma_wait3A_28 = arith.constant 0 : i32
    %dma_wait3A_29 = tpu.memref_slice %arg2[%add3A_23, %dma_wait3A_27, %dma_wait3A_28] : memref<4096x200x128xf32, #tpu.memory_space<hbm>> -> memref<1x200x128xf32, #tpu.memory_space<hbm>>
    %dma_wait3A_30 = tpu.memref_squeeze %dma_wait3A_29 : memref<1x200x128xf32, #tpu.memory_space<hbm>> -> memref<200x128xf32, #tpu.memory_space<hbm>>
    tpu.wait_dma2 semaphore(%arg10 : memref<!tpu.dma_semaphore, #tpu.memory_space<semaphore_mem>>) src(%dma_wait3A_30 : memref<200x128xf32, #tpu.memory_space<hbm>>) dst(%arg6 : memref<200x128xf32, #tpu.memory_space<vmem>>)
    %parallel_loop3A = arith.constant 0 : i32
    %parallel_loop3A_31 = arith.constant 200 : i32
    %parallel_loop3A_32 = arith.constant 1 : i32
    scf.for %parallel_loop3A_168 = %parallel_loop3A to %parallel_loop3A_31 step %parallel_loop3A_32  : i32 {
      %parallel_loop3A_169 = arith.index_cast %parallel_loop3A_168 : i32 to index
      %parallel_loop3A_170 = arith.constant 0 : index
      %parallel_loop3A_171 = tpu.vector_load %arg6[%parallel_loop3A_169, %parallel_loop3A_170] {strides = array<i32>} : memref<200x128xf32, #tpu.memory_space<vmem>>, vector<1x16xf32>,
      %parallel_loop3A_172 = vector.shape_cast %parallel_loop3A_171 : vector<1x16xf32> to vector<16xf32>
      %parallel_loop3A_173 = arith.index_cast %parallel_loop3A_168 : i32 to index
      %parallel_loop3A_174 = arith.constant 0 : index
      %parallel_loop3A_175 = tpu.vector_load %arg5[%parallel_loop3A_173, %parallel_loop3A_174] {strides = array<i32>} : memref<200x128xf32, #tpu.memory_space<vmem>>, vector<1x16xf32>,
      %parallel_loop3A_176 = vector.shape_cast %parallel_loop3A_175 : vector<1x16xf32> to vector<16xf32>
      %parallel_loop3A_177 = arith.addf %parallel_loop3A_172, %parallel_loop3A_176 : vector<16xf32>
      %parallel_loop3A_178 = arith.index_cast %parallel_loop3A_168 : i32 to index
      %parallel_loop3A_179 = arith.constant 0 : index
      %parallel_loop3A_180 = tpu.vector_load %arg8[%parallel_loop3A_178, %parallel_loop3A_179] {strides = array<i32>} : memref<200x128xf32, #tpu.memory_space<vmem>>, vector<1x16xf32>,
      %parallel_loop3A_181 = vector.shape_cast %parallel_loop3A_180 : vector<1x16xf32> to vector<16xf32>
      %parallel_loop3A_182 = vector.shape_cast %parallel_loop3A_177 : vector<16xf32> to vector<1x16xf32>
      tpu.vector_store %arg8[%parallel_loop3A_178, %parallel_loop3A_179], %parallel_loop3A_182 {strides = array<i32>} : memref<200x128xf32, #tpu.memory_space<vmem>>, vector<1x16xf32>,
      %parallel_loop3A_183 = arith.index_cast %parallel_loop3A_168 : i32 to index
      %parallel_loop3A_184 = arith.constant 16 : index
      %parallel_loop3A_185 = tpu.vector_load %arg6[%parallel_loop3A_183, %parallel_loop3A_184] {strides = array<i32>} : memref<200x128xf32, #tpu.memory_space<vmem>>, vector<1x16xf32>,
      %parallel_loop3A_186 = vector.shape_cast %parallel_loop3A_185 : vector<1x16xf32> to vector<16xf32>
      %parallel_loop3A_187 = arith.index_cast %parallel_loop3A_168 : i32 to index
      %parallel_loop3A_188 = arith.constant 16 : index
      %parallel_loop3A_189 = tpu.vector_load %arg5[%parallel_loop3A_187, %parallel_loop3A_188] {strides = array<i32>} : memref<200x128xf32, #tpu.memory_space<vmem>>, vector<1x16xf32>,
      %parallel_loop3A_190 = vector.shape_cast %parallel_loop3A_189 : vector<1x16xf32> to vector<16xf32>
      %parallel_loop3A_191 = arith.addf %parallel_loop3A_186, %parallel_loop3A_190 : vector<16xf32>
      %parallel_loop3A_192 = arith.index_cast %parallel_loop3A_168 : i32 to index
      %parallel_loop3A_193 = arith.constant 16 : index
      %parallel_loop3A_194 = tpu.vector_load %arg8[%parallel_loop3A_192, %parallel_loop3A_193] {strides = array<i32>} : memref<200x128xf32, #tpu.memory_space<vmem>>, vector<1x16xf32>,
      %parallel_loop3A_195 = vector.shape_cast %parallel_loop3A_194 : vector<1x16xf32> to vector<16xf32>
      %parallel_loop3A_196 = vector.shape_cast %parallel_loop3A_191 : vector<16xf32> to vector<1x16xf32>
      tpu.vector_store %arg8[%parallel_loop3A_192, %parallel_loop3A_193], %parallel_loop3A_196 {strides = array<i32>} : memref<200x128xf32, #tpu.memory_space<vmem>>, vector<1x16xf32>,
      %parallel_loop3A_197 = arith.index_cast %parallel_loop3A_168 : i32 to index
      %parallel_loop3A_198 = arith.constant 32 : index
      %parallel_loop3A_199 = tpu.vector_load %arg6[%parallel_loop3A_197, %parallel_loop3A_198] {strides = array<i32>} : memref<200x128xf32, #tpu.memory_space<vmem>>, vector<1x16xf32>,
      %parallel_loop3A_200 = vector.shape_cast %parallel_loop3A_199 : vector<1x16xf32> to vector<16xf32>
      %parallel_loop3A_201 = arith.index_cast %parallel_loop3A_168 : i32 to index
      %parallel_loop3A_202 = arith.constant 32 : index
      %parallel_loop3A_203 = tpu.vector_load %arg5[%parallel_loop3A_201, %parallel_loop3A_202] {strides = array<i32>} : memref<200x128xf32, #tpu.memory_space<vmem>>, vector<1x16xf32>,
      %parallel_loop3A_204 = vector.shape_cast %parallel_loop3A_203 : vector<1x16xf32> to vector<16xf32>
      %parallel_loop3A_205 = arith.addf %parallel_loop3A_200, %parallel_loop3A_204 : vector<16xf32>
      %parallel_loop3A_206 = arith.index_cast %parallel_loop3A_168 : i32 to index
      %parallel_loop3A_207 = arith.constant 32 : index
      %parallel_loop3A_208 = tpu.vector_load %arg8[%parallel_loop3A_206, %parallel_loop3A_207] {strides = array<i32>} : memref<200x128xf32, #tpu.memory_space<vmem>>, vector<1x16xf32>,
      %parallel_loop3A_209 = vector.shape_cast %parallel_loop3A_208 : vector<1x16xf32> to vector<16xf32>
      %parallel_loop3A_210 = vector.shape_cast %parallel_loop3A_205 : vector<16xf32> to vector<1x16xf32>
      tpu.vector_store %arg8[%parallel_loop3A_206, %parallel_loop3A_207], %parallel_loop3A_210 {strides = array<i32>} : memref<200x128xf32, #tpu.memory_space<vmem>>, vector<1x16xf32>,
      %parallel_loop3A_211 = arith.index_cast %parallel_loop3A_168 : i32 to index
      %parallel_loop3A_212 = arith.constant 48 : index
      %parallel_loop3A_213 = tpu.vector_load %arg6[%parallel_loop3A_211, %parallel_loop3A_212] {strides = array<i32>} : memref<200x128xf32, #tpu.memory_space<vmem>>, vector<1x16xf32>,
      %parallel_loop3A_214 = vector.shape_cast %parallel_loop3A_213 : vector<1x16xf32> to vector<16xf32>
      %parallel_loop3A_215 = arith.index_cast %parallel_loop3A_168 : i32 to index
      %parallel_loop3A_216 = arith.constant 48 : index
      %parallel_loop3A_217 = tpu.vector_load %arg5[%parallel_loop3A_215, %parallel_loop3A_216] {strides = array<i32>} : memref<200x128xf32, #tpu.memory_space<vmem>>, vector<1x16xf32>,
      %parallel_loop3A_218 = vector.shape_cast %parallel_loop3A_217 : vector<1x16xf32> to vector<16xf32>
      %parallel_loop3A_219 = arith.addf %parallel_loop3A_214, %parallel_loop3A_218 : vector<16xf32>
      %parallel_loop3A_220 = arith.index_cast %parallel_loop3A_168 : i32 to index
      %parallel_loop3A_221 = arith.constant 48 : index
      %parallel_loop3A_222 = tpu.vector_load %arg8[%parallel_loop3A_220, %parallel_loop3A_221] {strides = array<i32>} : memref<200x128xf32, #tpu.memory_space<vmem>>, vector<1x16xf32>,
      %parallel_loop3A_223 = vector.shape_cast %parallel_loop3A_222 : vector<1x16xf32> to vector<16xf32>
      %parallel_loop3A_224 = vector.shape_cast %parallel_loop3A_219 : vector<16xf32> to vector<1x16xf32>
      tpu.vector_store %arg8[%parallel_loop3A_220, %parallel_loop3A_221], %parallel_loop3A_224 {strides = array<i32>} : memref<200x128xf32, #tpu.memory_space<vmem>>, vector<1x16xf32>,
      %parallel_loop3A_225 = arith.index_cast %parallel_loop3A_168 : i32 to index
      %parallel_loop3A_226 = arith.constant 64 : index
      %parallel_loop3A_227 = tpu.vector_load %arg6[%parallel_loop3A_225, %parallel_loop3A_226] {strides = array<i32>} : memref<200x128xf32, #tpu.memory_space<vmem>>, vector<1x16xf32>,
      %parallel_loop3A_228 = vector.shape_cast %parallel_loop3A_227 : vector<1x16xf32> to vector<16xf32>
      %parallel_loop3A_229 = arith.index_cast %parallel_loop3A_168 : i32 to index
      %parallel_loop3A_230 = arith.constant 64 : index
      %parallel_loop3A_231 = tpu.vector_load %arg5[%parallel_loop3A_229, %parallel_loop3A_230] {strides = array<i32>} : memref<200x128xf32, #tpu.memory_space<vmem>>, vector<1x16xf32>,
      %parallel_loop3A_232 = vector.shape_cast %parallel_loop3A_231 : vector<1x16xf32> to vector<16xf32>
      %parallel_loop3A_233 = arith.addf %parallel_loop3A_228, %parallel_loop3A_232 : vector<16xf32>
      %parallel_loop3A_234 = arith.index_cast %parallel_loop3A_168 : i32 to index
      %parallel_loop3A_235 = arith.constant 64 : index
      %parallel_loop3A_236 = tpu.vector_load %arg8[%parallel_loop3A_234, %parallel_loop3A_235] {strides = array<i32>} : memref<200x128xf32, #tpu.memory_space<vmem>>, vector<1x16xf32>,
      %parallel_loop3A_237 = vector.shape_cast %parallel_loop3A_236 : vector<1x16xf32> to vector<16xf32>
      %parallel_loop3A_238 = vector.shape_cast %parallel_loop3A_233 : vector<16xf32> to vector<1x16xf32>
      tpu.vector_store %arg8[%parallel_loop3A_234, %parallel_loop3A_235], %parallel_loop3A_238 {strides = array<i32>} : memref<200x128xf32, #tpu.memory_space<vmem>>, vector<1x16xf32>,
      %parallel_loop3A_239 = arith.index_cast %parallel_loop3A_168 : i32 to index
      %parallel_loop3A_240 = arith.constant 80 : index
      %parallel_loop3A_241 = tpu.vector_load %arg6[%parallel_loop3A_239, %parallel_loop3A_240] {strides = array<i32>} : memref<200x128xf32, #tpu.memory_space<vmem>>, vector<1x16xf32>,
      %parallel_loop3A_242 = vector.shape_cast %parallel_loop3A_241 : vector<1x16xf32> to vector<16xf32>
      %parallel_loop3A_243 = arith.index_cast %parallel_loop3A_168 : i32 to index
      %parallel_loop3A_244 = arith.constant 80 : index
      %parallel_loop3A_245 = tpu.vector_load %arg5[%parallel_loop3A_243, %parallel_loop3A_244] {strides = array<i32>} : memref<200x128xf32, #tpu.memory_space<vmem>>, vector<1x16xf32>,
      %parallel_loop3A_246 = vector.shape_cast %parallel_loop3A_245 : vector<1x16xf32> to vector<16xf32>
      %parallel_loop3A_247 = arith.addf %parallel_loop3A_242, %parallel_loop3A_246 : vector<16xf32>
      %parallel_loop3A_248 = arith.index_cast %parallel_loop3A_168 : i32 to index
      %parallel_loop3A_249 = arith.constant 80 : index
      %parallel_loop3A_250 = tpu.vector_load %arg8[%parallel_loop3A_248, %parallel_loop3A_249] {strides = array<i32>} : memref<200x128xf32, #tpu.memory_space<vmem>>, vector<1x16xf32>,
      %parallel_loop3A_251 = vector.shape_cast %parallel_loop3A_250 : vector<1x16xf32> to vector<16xf32>
      %parallel_loop3A_252 = vector.shape_cast %parallel_loop3A_247 : vector<16xf32> to vector<1x16xf32>
      tpu.vector_store %arg8[%parallel_loop3A_248, %parallel_loop3A_249], %parallel_loop3A_252 {strides = array<i32>} : memref<200x128xf32, #tpu.memory_space<vmem>>, vector<1x16xf32>,
      %parallel_loop3A_253 = arith.index_cast %parallel_loop3A_168 : i32 to index
      %parallel_loop3A_254 = arith.constant 96 : index
      %parallel_loop3A_255 = tpu.vector_load %arg6[%parallel_loop3A_253, %parallel_loop3A_254] {strides = array<i32>} : memref<200x128xf32, #tpu.memory_space<vmem>>, vector<1x16xf32>,
      %parallel_loop3A_256 = vector.shape_cast %parallel_loop3A_255 : vector<1x16xf32> to vector<16xf32>
      %parallel_loop3A_257 = arith.index_cast %parallel_loop3A_168 : i32 to index
      %parallel_loop3A_258 = arith.constant 96 : index
      %parallel_loop3A_259 = tpu.vector_load %arg5[%parallel_loop3A_257, %parallel_loop3A_258] {strides = array<i32>} : memref<200x128xf32, #tpu.memory_space<vmem>>, vector<1x16xf32>,
      %parallel_loop3A_260 = vector.shape_cast %parallel_loop3A_259 : vector<1x16xf32> to vector<16xf32>
      %parallel_loop3A_261 = arith.addf %parallel_loop3A_256, %parallel_loop3A_260 : vector<16xf32>
      %parallel_loop3A_262 = arith.index_cast %parallel_loop3A_168 : i32 to index
      %parallel_loop3A_263 = arith.constant 96 : index
      %parallel_loop3A_264 = tpu.vector_load %arg8[%parallel_loop3A_262, %parallel_loop3A_263] {strides = array<i32>} : memref<200x128xf32, #tpu.memory_space<vmem>>, vector<1x16xf32>,
      %parallel_loop3A_265 = vector.shape_cast %parallel_loop3A_264 : vector<1x16xf32> to vector<16xf32>
      %parallel_loop3A_266 = vector.shape_cast %parallel_loop3A_261 : vector<16xf32> to vector<1x16xf32>
      tpu.vector_store %arg8[%parallel_loop3A_262, %parallel_loop3A_263], %parallel_loop3A_266 {strides = array<i32>} : memref<200x128xf32, #tpu.memory_space<vmem>>, vector<1x16xf32>,
      %parallel_loop3A_267 = arith.index_cast %parallel_loop3A_168 : i32 to index
      %parallel_loop3A_268 = arith.constant 112 : index
      %parallel_loop3A_269 = tpu.vector_load %arg6[%parallel_loop3A_267, %parallel_loop3A_268] {strides = array<i32>} : memref<200x128xf32, #tpu.memory_space<vmem>>, vector<1x16xf32>,
      %parallel_loop3A_270 = vector.shape_cast %parallel_loop3A_269 : vector<1x16xf32> to vector<16xf32>
      %parallel_loop3A_271 = arith.index_cast %parallel_loop3A_168 : i32 to index
      %parallel_loop3A_272 = arith.constant 112 : index
      %parallel_loop3A_273 = tpu.vector_load %arg5[%parallel_loop3A_271, %parallel_loop3A_272] {strides = array<i32>} : memref<200x128xf32, #tpu.memory_space<vmem>>, vector<1x16xf32>,
      %parallel_loop3A_274 = vector.shape_cast %parallel_loop3A_273 : vector<1x16xf32> to vector<16xf32>
      %parallel_loop3A_275 = arith.addf %parallel_loop3A_270, %parallel_loop3A_274 : vector<16xf32>
      %parallel_loop3A_276 = arith.index_cast %parallel_loop3A_168 : i32 to index
      %parallel_loop3A_277 = arith.constant 112 : index
      %parallel_loop3A_278 = tpu.vector_load %arg8[%parallel_loop3A_276, %parallel_loop3A_277] {strides = array<i32>} : memref<200x128xf32, #tpu.memory_space<vmem>>, vector<1x16xf32>,
      %parallel_loop3A_279 = vector.shape_cast %parallel_loop3A_278 : vector<1x16xf32> to vector<16xf32>
      %parallel_loop3A_280 = vector.shape_cast %parallel_loop3A_275 : vector<16xf32> to vector<1x16xf32>
      tpu.vector_store %arg8[%parallel_loop3A_276, %parallel_loop3A_277], %parallel_loop3A_280 {strides = array<i32>} : memref<200x128xf32, #tpu.memory_space<vmem>>, vector<1x16xf32>,
    } {sc.loop_unroll_factor = 4 : i64, sc.parallel_access}
    %add3A_33 = arith.constant 0 : i32
    %add3A_34 = arith.addi %mul3A_2, %add3A_33 : i32
    %dma_start3A_35 = arith.constant 0 : i32
    %dma_start3A_36 = arith.constant 0 : i32
    %dma_start3A_37 = tpu.memref_slice %arg4[%add3A_34, %dma_start3A_35, %dma_start3A_36] : memref<4096x200x128xf32, #tpu.memory_space<hbm>> -> memref<1x200x128xf32, #tpu.memory_space<hbm>>
    %dma_start3A_38 = tpu.memref_squeeze %dma_start3A_37 : memref<1x200x128xf32, #tpu.memory_space<hbm>> -> memref<200x128xf32, #tpu.memory_space<hbm>>
    %dma_start3A_39 = arith.constant 0 : i32
    %dma_start3A_40 = arith.constant 0 : i32
    %dma_start3A_41 = tpu.memref_slice %arg4[%add3A_34, %dma_start3A_39, %dma_start3A_40] : memref<4096x200x128xf32, #tpu.memory_space<hbm>> -> memref<1x200x128xf32, #tpu.memory_space<hbm>>
    %dma_start3A_42 = tpu.memref_squeeze %dma_start3A_41 : memref<1x200x128xf32, #tpu.memory_space<hbm>> -> memref<200x128xf32, #tpu.memory_space<hbm>>
    tpu.enqueue_dma source(%arg8 : memref<200x128xf32, #tpu.memory_space<vmem>>) target(%dma_start3A_42 : memref<200x128xf32, #tpu.memory_space<hbm>>) target_semaphore(%arg12 : memref<!tpu.dma_semaphore, #tpu.memory_space<semaphore_mem>>)
    %add3A_43 = arith.constant 2 : i32
    %add3A_44 = arith.addi %mul3A_2, %add3A_43 : i32
    %dma_start3A_45 = arith.constant 0 : i32
    %dma_start3A_46 = arith.constant 0 : i32
    %dma_start3A_47 = tpu.memref_slice %arg2[%add3A_44, %dma_start3A_45, %dma_start3A_46] : memref<4096x200x128xf32, #tpu.memory_space<hbm>> -> memref<1x200x128xf32, #tpu.memory_space<hbm>>
    %dma_start3A_48 = tpu.memref_squeeze %dma_start3A_47 : memref<1x200x128xf32, #tpu.memory_space<hbm>> -> memref<200x128xf32, #tpu.memory_space<hbm>>
    %dma_start3A_49 = arith.constant 0 : i32
    %dma_start3A_50 = arith.constant 0 : i32
    %dma_start3A_51 = tpu.memref_slice %arg2[%add3A_44, %dma_start3A_49, %dma_start3A_50] : memref<4096x200x128xf32, #tpu.memory_space<hbm>> -> memref<1x200x128xf32, #tpu.memory_space<hbm>>
    %dma_start3A_52 = tpu.memref_squeeze %dma_start3A_51 : memref<1x200x128xf32, #tpu.memory_space<hbm>> -> memref<200x128xf32, #tpu.memory_space<hbm>>
    tpu.enqueue_dma source(%dma_start3A_52 : memref<200x128xf32, #tpu.memory_space<hbm>>) target(%arg6 : memref<200x128xf32, #tpu.memory_space<vmem>>) target_semaphore(%arg10 : memref<!tpu.dma_semaphore, #tpu.memory_space<semaphore_mem>>)
    %add3A_53 = arith.constant 1 : i32
    %add3A_54 = arith.addi %mul3A_2, %add3A_53 : i32
    %dma_wait3A_55 = arith.constant 0 : i32
    %dma_wait3A_56 = arith.constant 0 : i32
    %dma_wait3A_57 = tpu.memref_slice %arg2[%add3A_54, %dma_wait3A_55, %dma_wait3A_56] : memref<4096x200x128xf32, #tpu.memory_space<hbm>> -> memref<1x200x128xf32, #tpu.memory_space<hbm>>
    %dma_wait3A_58 = tpu.memref_squeeze %dma_wait3A_57 : memref<1x200x128xf32, #tpu.memory_space<hbm>> -> memref<200x128xf32, #tpu.memory_space<hbm>>
    %dma_wait3A_59 = arith.constant 0 : i32
    %dma_wait3A_60 = arith.constant 0 : i32
    %dma_wait3A_61 = tpu.memref_slice %arg2[%add3A_54, %dma_wait3A_59, %dma_wait3A_60] : memref<4096x200x128xf32, #tpu.memory_space<hbm>> -> memref<1x200x128xf32, #tpu.memory_space<hbm>>
    %dma_wait3A_62 = tpu.memref_squeeze %dma_wait3A_61 : memref<1x200x128xf32, #tpu.memory_space<hbm>> -> memref<200x128xf32, #tpu.memory_space<hbm>>
    tpu.wait_dma2 semaphore(%arg11 : memref<!tpu.dma_semaphore, #tpu.memory_space<semaphore_mem>>) src(%dma_wait3A_62 : memref<200x128xf32, #tpu.memory_space<hbm>>) dst(%arg7 : memref<200x128xf32, #tpu.memory_space<vmem>>)
    %parallel_loop3A_63 = arith.constant 0 : i32
    %parallel_loop3A_64 = arith.constant 200 : i32
    %parallel_loop3A_65 = arith.constant 1 : i32
    scf.for %parallel_loop3A_168 = %parallel_loop3A_63 to %parallel_loop3A_64 step %parallel_loop3A_65  : i32 {
      %parallel_loop3A_169 = arith.index_cast %parallel_loop3A_168 : i32 to index
      %parallel_loop3A_170 = arith.constant 0 : index
      %parallel_loop3A_171 = tpu.vector_load %arg7[%parallel_loop3A_169, %parallel_loop3A_170] {strides = array<i32>} : memref<200x128xf32, #tpu.memory_space<vmem>>, vector<1x16xf32>,
      %parallel_loop3A_172 = vector.shape_cast %parallel_loop3A_171 : vector<1x16xf32> to vector<16xf32>
      %parallel_loop3A_173 = arith.index_cast %parallel_loop3A_168 : i32 to index
      %parallel_loop3A_174 = arith.constant 0 : index
      %parallel_loop3A_175 = tpu.vector_load %arg5[%parallel_loop3A_173, %parallel_loop3A_174] {strides = array<i32>} : memref<200x128xf32, #tpu.memory_space<vmem>>, vector<1x16xf32>,
      %parallel_loop3A_176 = vector.shape_cast %parallel_loop3A_175 : vector<1x16xf32> to vector<16xf32>
      %parallel_loop3A_177 = arith.addf %parallel_loop3A_172, %parallel_loop3A_176 : vector<16xf32>
      %parallel_loop3A_178 = arith.index_cast %parallel_loop3A_168 : i32 to index
      %parallel_loop3A_179 = arith.constant 0 : index
      %parallel_loop3A_180 = tpu.vector_load %arg9[%parallel_loop3A_178, %parallel_loop3A_179] {strides = array<i32>} : memref<200x128xf32, #tpu.memory_space<vmem>>, vector<1x16xf32>,
      %parallel_loop3A_181 = vector.shape_cast %parallel_loop3A_180 : vector<1x16xf32> to vector<16xf32>
      %parallel_loop3A_182 = vector.shape_cast %parallel_loop3A_177 : vector<16xf32> to vector<1x16xf32>
      tpu.vector_store %arg9[%parallel_loop3A_178, %parallel_loop3A_179], %parallel_loop3A_182 {strides = array<i32>} : memref<200x128xf32, #tpu.memory_space<vmem>>, vector<1x16xf32>,
      %parallel_loop3A_183 = arith.index_cast %parallel_loop3A_168 : i32 to index
      %parallel_loop3A_184 = arith.constant 16 : index
      %parallel_loop3A_185 = tpu.vector_load %arg7[%parallel_loop3A_183, %parallel_loop3A_184] {strides = array<i32>} : memref<200x128xf32, #tpu.memory_space<vmem>>, vector<1x16xf32>,
      %parallel_loop3A_186 = vector.shape_cast %parallel_loop3A_185 : vector<1x16xf32> to vector<16xf32>
      %parallel_loop3A_187 = arith.index_cast %parallel_loop3A_168 : i32 to index
      %parallel_loop3A_188 = arith.constant 16 : index
      %parallel_loop3A_189 = tpu.vector_load %arg5[%parallel_loop3A_187, %parallel_loop3A_188] {strides = array<i32>} : memref<200x128xf32, #tpu.memory_space<vmem>>, vector<1x16xf32>,
      %parallel_loop3A_190 = vector.shape_cast %parallel_loop3A_189 : vector<1x16xf32> to vector<16xf32>
      %parallel_loop3A_191 = arith.addf %parallel_loop3A_186, %parallel_loop3A_190 : vector<16xf32>
      %parallel_loop3A_192 = arith.index_cast %parallel_loop3A_168 : i32 to index
      %parallel_loop3A_193 = arith.constant 16 : index
      %parallel_loop3A_194 = tpu.vector_load %arg9[%parallel_loop3A_192, %parallel_loop3A_193] {strides = array<i32>} : memref<200x128xf32, #tpu.memory_space<vmem>>, vector<1x16xf32>,
      %parallel_loop3A_195 = vector.shape_cast %parallel_loop3A_194 : vector<1x16xf32> to vector<16xf32>
      %parallel_loop3A_196 = vector.shape_cast %parallel_loop3A_191 : vector<16xf32> to vector<1x16xf32>
      tpu.vector_store %arg9[%parallel_loop3A_192, %parallel_loop3A_193], %parallel_loop3A_196 {strides = array<i32>} : memref<200x128xf32, #tpu.memory_space<vmem>>, vector<1x16xf32>,
      %parallel_loop3A_197 = arith.index_cast %parallel_loop3A_168 : i32 to index
      %parallel_loop3A_198 = arith.constant 32 : index
      %parallel_loop3A_199 = tpu.vector_load %arg7[%parallel_loop3A_197, %parallel_loop3A_198] {strides = array<i32>} : memref<200x128xf32, #tpu.memory_space<vmem>>, vector<1x16xf32>,
      %parallel_loop3A_200 = vector.shape_cast %parallel_loop3A_199 : vector<1x16xf32> to vector<16xf32>
      %parallel_loop3A_201 = arith.index_cast %parallel_loop3A_168 : i32 to index
      %parallel_loop3A_202 = arith.constant 32 : index
      %parallel_loop3A_203 = tpu.vector_load %arg5[%parallel_loop3A_201, %parallel_loop3A_202] {strides = array<i32>} : memref<200x128xf32, #tpu.memory_space<vmem>>, vector<1x16xf32>,
      %parallel_loop3A_204 = vector.shape_cast %parallel_loop3A_203 : vector<1x16xf32> to vector<16xf32>
      %parallel_loop3A_205 = arith.addf %parallel_loop3A_200, %parallel_loop3A_204 : vector<16xf32>
      %parallel_loop3A_206 = arith.index_cast %parallel_loop3A_168 : i32 to index
      %parallel_loop3A_207 = arith.constant 32 : index
      %parallel_loop3A_208 = tpu.vector_load %arg9[%parallel_loop3A_206, %parallel_loop3A_207] {strides = array<i32>} : memref<200x128xf32, #tpu.memory_space<vmem>>, vector<1x16xf32>,
      %parallel_loop3A_209 = vector.shape_cast %parallel_loop3A_208 : vector<1x16xf32> to vector<16xf32>
      %parallel_loop3A_210 = vector.shape_cast %parallel_loop3A_205 : vector<16xf32> to vector<1x16xf32>
      tpu.vector_store %arg9[%parallel_loop3A_206, %parallel_loop3A_207], %parallel_loop3A_210 {strides = array<i32>} : memref<200x128xf32, #tpu.memory_space<vmem>>, vector<1x16xf32>,
      %parallel_loop3A_211 = arith.index_cast %parallel_loop3A_168 : i32 to index
      %parallel_loop3A_212 = arith.constant 48 : index
      %parallel_loop3A_213 = tpu.vector_load %arg7[%parallel_loop3A_211, %parallel_loop3A_212] {strides = array<i32>} : memref<200x128xf32, #tpu.memory_space<vmem>>, vector<1x16xf32>,
      %parallel_loop3A_214 = vector.shape_cast %parallel_loop3A_213 : vector<1x16xf32> to vector<16xf32>
      %parallel_loop3A_215 = arith.index_cast %parallel_loop3A_168 : i32 to index
      %parallel_loop3A_216 = arith.constant 48 : index
      %parallel_loop3A_217 = tpu.vector_load %arg5[%parallel_loop3A_215, %parallel_loop3A_216] {strides = array<i32>} : memref<200x128xf32, #tpu.memory_space<vmem>>, vector<1x16xf32>,
      %parallel_loop3A_218 = vector.shape_cast %parallel_loop3A_217 : vector<1x16xf32> to vector<16xf32>
      %parallel_loop3A_219 = arith.addf %parallel_loop3A_214, %parallel_loop3A_218 : vector<16xf32>
      %parallel_loop3A_220 = arith.index_cast %parallel_loop3A_168 : i32 to index
      %parallel_loop3A_221 = arith.constant 48 : index
      %parallel_loop3A_222 = tpu.vector_load %arg9[%parallel_loop3A_220, %parallel_loop3A_221] {strides = array<i32>} : memref<200x128xf32, #tpu.memory_space<vmem>>, vector<1x16xf32>,
      %parallel_loop3A_223 = vector.shape_cast %parallel_loop3A_222 : vector<1x16xf32> to vector<16xf32>
      %parallel_loop3A_224 = vector.shape_cast %parallel_loop3A_219 : vector<16xf32> to vector<1x16xf32>
      tpu.vector_store %arg9[%parallel_loop3A_220, %parallel_loop3A_221], %parallel_loop3A_224 {strides = array<i32>} : memref<200x128xf32, #tpu.memory_space<vmem>>, vector<1x16xf32>,
      %parallel_loop3A_225 = arith.index_cast %parallel_loop3A_168 : i32 to index
      %parallel_loop3A_226 = arith.constant 64 : index
      %parallel_loop3A_227 = tpu.vector_load %arg7[%parallel_loop3A_225, %parallel_loop3A_226] {strides = array<i32>} : memref<200x128xf32, #tpu.memory_space<vmem>>, vector<1x16xf32>,
      %parallel_loop3A_228 = vector.shape_cast %parallel_loop3A_227 : vector<1x16xf32> to vector<16xf32>
      %parallel_loop3A_229 = arith.index_cast %parallel_loop3A_168 : i32 to index
      %parallel_loop3A_230 = arith.constant 64 : index
      %parallel_loop3A_231 = tpu.vector_load %arg5[%parallel_loop3A_229, %parallel_loop3A_230] {strides = array<i32>} : memref<200x128xf32, #tpu.memory_space<vmem>>, vector<1x16xf32>,
      %parallel_loop3A_232 = vector.shape_cast %parallel_loop3A_231 : vector<1x16xf32> to vector<16xf32>
      %parallel_loop3A_233 = arith.addf %parallel_loop3A_228, %parallel_loop3A_232 : vector<16xf32>
      %parallel_loop3A_234 = arith.index_cast %parallel_loop3A_168 : i32 to index
      %parallel_loop3A_235 = arith.constant 64 : index
      %parallel_loop3A_236 = tpu.vector_load %arg9[%parallel_loop3A_234, %parallel_loop3A_235] {strides = array<i32>} : memref<200x128xf32, #tpu.memory_space<vmem>>, vector<1x16xf32>,
      %parallel_loop3A_237 = vector.shape_cast %parallel_loop3A_236 : vector<1x16xf32> to vector<16xf32>
      %parallel_loop3A_238 = vector.shape_cast %parallel_loop3A_233 : vector<16xf32> to vector<1x16xf32>
      tpu.vector_store %arg9[%parallel_loop3A_234, %parallel_loop3A_235], %parallel_loop3A_238 {strides = array<i32>} : memref<200x128xf32, #tpu.memory_space<vmem>>, vector<1x16xf32>,
      %parallel_loop3A_239 = arith.index_cast %parallel_loop3A_168 : i32 to index
      %parallel_loop3A_240 = arith.constant 80 : index
      %parallel_loop3A_241 = tpu.vector_load %arg7[%parallel_loop3A_239, %parallel_loop3A_240] {strides = array<i32>} : memref<200x128xf32, #tpu.memory_space<vmem>>, vector<1x16xf32>,
      %parallel_loop3A_242 = vector.shape_cast %parallel_loop3A_241 : vector<1x16xf32> to vector<16xf32>
      %parallel_loop3A_243 = arith.index_cast %parallel_loop3A_168 : i32 to index
      %parallel_loop3A_244 = arith.constant 80 : index
      %parallel_loop3A_245 = tpu.vector_load %arg5[%parallel_loop3A_243, %parallel_loop3A_244] {strides = array<i32>} : memref<200x128xf32, #tpu.memory_space<vmem>>, vector<1x16xf32>,
      %parallel_loop3A_246 = vector.shape_cast %parallel_loop3A_245 : vector<1x16xf32> to vector<16xf32>
      %parallel_loop3A_247 = arith.addf %parallel_loop3A_242, %parallel_loop3A_246 : vector<16xf32>
      %parallel_loop3A_248 = arith.index_cast %parallel_loop3A_168 : i32 to index
      %parallel_loop3A_249 = arith.constant 80 : index
      %parallel_loop3A_250 = tpu.vector_load %arg9[%parallel_loop3A_248, %parallel_loop3A_249] {strides = array<i32>} : memref<200x128xf32, #tpu.memory_space<vmem>>, vector<1x16xf32>,
      %parallel_loop3A_251 = vector.shape_cast %parallel_loop3A_250 : vector<1x16xf32> to vector<16xf32>
      %parallel_loop3A_252 = vector.shape_cast %parallel_loop3A_247 : vector<16xf32> to vector<1x16xf32>
      tpu.vector_store %arg9[%parallel_loop3A_248, %parallel_loop3A_249], %parallel_loop3A_252 {strides = array<i32>} : memref<200x128xf32, #tpu.memory_space<vmem>>, vector<1x16xf32>,
      %parallel_loop3A_253 = arith.index_cast %parallel_loop3A_168 : i32 to index
      %parallel_loop3A_254 = arith.constant 96 : index
      %parallel_loop3A_255 = tpu.vector_load %arg7[%parallel_loop3A_253, %parallel_loop3A_254] {strides = array<i32>} : memref<200x128xf32, #tpu.memory_space<vmem>>, vector<1x16xf32>,
      %parallel_loop3A_256 = vector.shape_cast %parallel_loop3A_255 : vector<1x16xf32> to vector<16xf32>
      %parallel_loop3A_257 = arith.index_cast %parallel_loop3A_168 : i32 to index
      %parallel_loop3A_258 = arith.constant 96 : index
      %parallel_loop3A_259 = tpu.vector_load %arg5[%parallel_loop3A_257, %parallel_loop3A_258] {strides = array<i32>} : memref<200x128xf32, #tpu.memory_space<vmem>>, vector<1x16xf32>,
      %parallel_loop3A_260 = vector.shape_cast %parallel_loop3A_259 : vector<1x16xf32> to vector<16xf32>
      %parallel_loop3A_261 = arith.addf %parallel_loop3A_256, %parallel_loop3A_260 : vector<16xf32>
      %parallel_loop3A_262 = arith.index_cast %parallel_loop3A_168 : i32 to index
      %parallel_loop3A_263 = arith.constant 96 : index
      %parallel_loop3A_264 = tpu.vector_load %arg9[%parallel_loop3A_262, %parallel_loop3A_263] {strides = array<i32>} : memref<200x128xf32, #tpu.memory_space<vmem>>, vector<1x16xf32>,
      %parallel_loop3A_265 = vector.shape_cast %parallel_loop3A_264 : vector<1x16xf32> to vector<16xf32>
      %parallel_loop3A_266 = vector.shape_cast %parallel_loop3A_261 : vector<16xf32> to vector<1x16xf32>
      tpu.vector_store %arg9[%parallel_loop3A_262, %parallel_loop3A_263], %parallel_loop3A_266 {strides = array<i32>} : memref<200x128xf32, #tpu.memory_space<vmem>>, vector<1x16xf32>,
      %parallel_loop3A_267 = arith.index_cast %parallel_loop3A_168 : i32 to index
      %parallel_loop3A_268 = arith.constant 112 : index
      %parallel_loop3A_269 = tpu.vector_load %arg7[%parallel_loop3A_267, %parallel_loop3A_268] {strides = array<i32>} : memref<200x128xf32, #tpu.memory_space<vmem>>, vector<1x16xf32>,
      %parallel_loop3A_270 = vector.shape_cast %parallel_loop3A_269 : vector<1x16xf32> to vector<16xf32>
      %parallel_loop3A_271 = arith.index_cast %parallel_loop3A_168 : i32 to index
      %parallel_loop3A_272 = arith.constant 112 : index
      %parallel_loop3A_273 = tpu.vector_load %arg5[%parallel_loop3A_271, %parallel_loop3A_272] {strides = array<i32>} : memref<200x128xf32, #tpu.memory_space<vmem>>, vector<1x16xf32>,
      %parallel_loop3A_274 = vector.shape_cast %parallel_loop3A_273 : vector<1x16xf32> to vector<16xf32>
      %parallel_loop3A_275 = arith.addf %parallel_loop3A_270, %parallel_loop3A_274 : vector<16xf32>
      %parallel_loop3A_276 = arith.index_cast %parallel_loop3A_168 : i32 to index
      %parallel_loop3A_277 = arith.constant 112 : index
      %parallel_loop3A_278 = tpu.vector_load %arg9[%parallel_loop3A_276, %parallel_loop3A_277] {strides = array<i32>} : memref<200x128xf32, #tpu.memory_space<vmem>>, vector<1x16xf32>,
      %parallel_loop3A_279 = vector.shape_cast %parallel_loop3A_278 : vector<1x16xf32> to vector<16xf32>
      %parallel_loop3A_280 = vector.shape_cast %parallel_loop3A_275 : vector<16xf32> to vector<1x16xf32>
      tpu.vector_store %arg9[%parallel_loop3A_276, %parallel_loop3A_277], %parallel_loop3A_280 {strides = array<i32>} : memref<200x128xf32, #tpu.memory_space<vmem>>, vector<1x16xf32>,
    } {sc.loop_unroll_factor = 4 : i64, sc.parallel_access}
    %add3A_66 = arith.constant 1 : i32
    %add3A_67 = arith.addi %mul3A_2, %add3A_66 : i32
    %dma_start3A_68 = arith.constant 0 : i32
    %dma_start3A_69 = arith.constant 0 : i32
    %dma_start3A_70 = tpu.memref_slice %arg4[%add3A_67, %dma_start3A_68, %dma_start3A_69] : memref<4096x200x128xf32, #tpu.memory_space<hbm>> -> memref<1x200x128xf32, #tpu.memory_space<hbm>>
    %dma_start3A_71 = tpu.memref_squeeze %dma_start3A_70 : memref<1x200x128xf32, #tpu.memory_space<hbm>> -> memref<200x128xf32, #tpu.memory_space<hbm>>
    %dma_start3A_72 = arith.constant 0 : i32
    %dma_start3A_73 = arith.constant 0 : i32
    %dma_start3A_74 = tpu.memref_slice %arg4[%add3A_67, %dma_start3A_72, %dma_start3A_73] : memref<4096x200x128xf32, #tpu.memory_space<hbm>> -> memref<1x200x128xf32, #tpu.memory_space<hbm>>
    %dma_start3A_75 = tpu.memref_squeeze %dma_start3A_74 : memref<1x200x128xf32, #tpu.memory_space<hbm>> -> memref<200x128xf32, #tpu.memory_space<hbm>>
    tpu.enqueue_dma source(%arg9 : memref<200x128xf32, #tpu.memory_space<vmem>>) target(%dma_start3A_75 : memref<200x128xf32, #tpu.memory_space<hbm>>) target_semaphore(%arg13 : memref<!tpu.dma_semaphore, #tpu.memory_space<semaphore_mem>>)
    %add3A_76 = arith.constant 3 : i32
    %add3A_77 = arith.addi %mul3A_2, %add3A_76 : i32
    %dma_start3A_78 = arith.constant 0 : i32
    %dma_start3A_79 = arith.constant 0 : i32
    %dma_start3A_80 = tpu.memref_slice %arg2[%add3A_77, %dma_start3A_78, %dma_start3A_79] : memref<4096x200x128xf32, #tpu.memory_space<hbm>> -> memref<1x200x128xf32, #tpu.memory_space<hbm>>
    %dma_start3A_81 = tpu.memref_squeeze %dma_start3A_80 : memref<1x200x128xf32, #tpu.memory_space<hbm>> -> memref<200x128xf32, #tpu.memory_space<hbm>>
    %dma_start3A_82 = arith.constant 0 : i32
    %dma_start3A_83 = arith.constant 0 : i32
    %dma_start3A_84 = tpu.memref_slice %arg2[%add3A_77, %dma_start3A_82, %dma_start3A_83] : memref<4096x200x128xf32, #tpu.memory_space<hbm>> -> memref<1x200x128xf32, #tpu.memory_space<hbm>>
    %dma_start3A_85 = tpu.memref_squeeze %dma_start3A_84 : memref<1x200x128xf32, #tpu.memory_space<hbm>> -> memref<200x128xf32, #tpu.memory_space<hbm>>
    tpu.enqueue_dma source(%dma_start3A_85 : memref<200x128xf32, #tpu.memory_space<hbm>>) target(%arg7 : memref<200x128xf32, #tpu.memory_space<vmem>>) target_semaphore(%arg11 : memref<!tpu.dma_semaphore, #tpu.memory_space<semaphore_mem>>)
    %scan3A = arith.constant 0 : i32
    %scan3A_86 = arith.constant 0 : i32
    %scan3A_87 = arith.constant 62 : i32
    %scan3A_88 = arith.addi %scan3A_86, %scan3A_87 : i32
    %scan3A_89 = arith.constant 1 : i32
    scf.for %scan3A_168 = %scan3A_86 to %scan3A_88 step %scan3A_89  : i32 {
      %add3A_169 = arith.constant 2 : i32
      %add3A_170 = arith.addi %mul3A_2, %add3A_169 : i32
      %mul3A_171 = arith.constant 2 : i32
      %mul3A_172 = arith.muli %mul3A_171, %scan3A_168 : i32
      %add3A_173 = arith.addi %add3A_170, %mul3A_172 : i32
      %dma_wait3A_174 = arith.constant 0 : i32
      %dma_wait3A_175 = arith.constant 0 : i32
      %dma_wait3A_176 = tpu.memref_slice %arg2[%add3A_173, %dma_wait3A_174, %dma_wait3A_175] : memref<4096x200x128xf32, #tpu.memory_space<hbm>> -> memref<1x200x128xf32, #tpu.memory_space<hbm>>
      %dma_wait3A_177 = tpu.memref_squeeze %dma_wait3A_176 : memref<1x200x128xf32, #tpu.memory_space<hbm>> -> memref<200x128xf32, #tpu.memory_space<hbm>>
      %dma_wait3A_178 = arith.constant 0 : i32
      %dma_wait3A_179 = arith.constant 0 : i32
      %dma_wait3A_180 = tpu.memref_slice %arg2[%add3A_173, %dma_wait3A_178, %dma_wait3A_179] : memref<4096x200x128xf32, #tpu.memory_space<hbm>> -> memref<1x200x128xf32, #tpu.memory_space<hbm>>
      %dma_wait3A_181 = tpu.memref_squeeze %dma_wait3A_180 : memref<1x200x128xf32, #tpu.memory_space<hbm>> -> memref<200x128xf32, #tpu.memory_space<hbm>>
      tpu.wait_dma2 semaphore(%arg10 : memref<!tpu.dma_semaphore, #tpu.memory_space<semaphore_mem>>) src(%dma_wait3A_181 : memref<200x128xf32, #tpu.memory_space<hbm>>) dst(%arg6 : memref<200x128xf32, #tpu.memory_space<vmem>>)
      %dma_wait3A_182 = arith.constant 0 : i32
      %dma_wait3A_183 = arith.constant 0 : i32
      %dma_wait3A_184 = tpu.memref_slice %arg4[%add3A_173, %dma_wait3A_182, %dma_wait3A_183] : memref<4096x200x128xf32, #tpu.memory_space<hbm>> -> memref<1x200x128xf32, #tpu.memory_space<hbm>>
      %dma_wait3A_185 = tpu.memref_squeeze %dma_wait3A_184 : memref<1x200x128xf32, #tpu.memory_space<hbm>> -> memref<200x128xf32, #tpu.memory_space<hbm>>
      %dma_wait3A_186 = arith.constant 0 : i32
      %dma_wait3A_187 = arith.constant 0 : i32
      %dma_wait3A_188 = tpu.memref_slice %arg4[%add3A_173, %dma_wait3A_186, %dma_wait3A_187] : memref<4096x200x128xf32, #tpu.memory_space<hbm>> -> memref<1x200x128xf32, #tpu.memory_space<hbm>>
      %dma_wait3A_189 = tpu.memref_squeeze %dma_wait3A_188 : memref<1x200x128xf32, #tpu.memory_space<hbm>> -> memref<200x128xf32, #tpu.memory_space<hbm>>
      tpu.wait_dma2 semaphore(%arg12 : memref<!tpu.dma_semaphore, #tpu.memory_space<semaphore_mem>>) src(%arg8 : memref<200x128xf32, #tpu.memory_space<vmem>>) dst(%dma_wait3A_189 : memref<200x128xf32, #tpu.memory_space<hbm>>)
      %parallel_loop3A_190 = arith.constant 0 : i32
      %parallel_loop3A_191 = arith.constant 200 : i32
      %parallel_loop3A_192 = arith.constant 1 : i32
      scf.for %parallel_loop3A_250 = %parallel_loop3A_190 to %parallel_loop3A_191 step %parallel_loop3A_192  : i32 {
        %parallel_loop3A_251 = arith.index_cast %parallel_loop3A_250 : i32 to index
        %parallel_loop3A_252 = arith.constant 0 : index
        %parallel_loop3A_253 = tpu.vector_load %arg6[%parallel_loop3A_251, %parallel_loop3A_252] {strides = array<i32>} : memref<200x128xf32, #tpu.memory_space<vmem>>, vector<1x16xf32>,
        %parallel_loop3A_254 = vector.shape_cast %parallel_loop3A_253 : vector<1x16xf32> to vector<16xf32>
        %parallel_loop3A_255 = arith.index_cast %parallel_loop3A_250 : i32 to index
        %parallel_loop3A_256 = arith.constant 0 : index
        %parallel_loop3A_257 = tpu.vector_load %arg5[%parallel_loop3A_255, %parallel_loop3A_256] {strides = array<i32>} : memref<200x128xf32, #tpu.memory_space<vmem>>, vector<1x16xf32>,
        %parallel_loop3A_258 = vector.shape_cast %parallel_loop3A_257 : vector<1x16xf32> to vector<16xf32>
        %parallel_loop3A_259 = arith.addf %parallel_loop3A_254, %parallel_loop3A_258 : vector<16xf32>
        %parallel_loop3A_260 = arith.index_cast %parallel_loop3A_250 : i32 to index
        %parallel_loop3A_261 = arith.constant 0 : index
        %parallel_loop3A_262 = tpu.vector_load %arg8[%parallel_loop3A_260, %parallel_loop3A_261] {strides = array<i32>} : memref<200x128xf32, #tpu.memory_space<vmem>>, vector<1x16xf32>,
        %parallel_loop3A_263 = vector.shape_cast %parallel_loop3A_262 : vector<1x16xf32> to vector<16xf32>
        %parallel_loop3A_264 = vector.shape_cast %parallel_loop3A_259 : vector<16xf32> to vector<1x16xf32>
        tpu.vector_store %arg8[%parallel_loop3A_260, %parallel_loop3A_261], %parallel_loop3A_264 {strides = array<i32>} : memref<200x128xf32, #tpu.memory_space<vmem>>, vector<1x16xf32>,
        %parallel_loop3A_265 = arith.index_cast %parallel_loop3A_250 : i32 to index
        %parallel_loop3A_266 = arith.constant 16 : index
        %parallel_loop3A_267 = tpu.vector_load %arg6[%parallel_loop3A_265, %parallel_loop3A_266] {strides = array<i32>} : memref<200x128xf32, #tpu.memory_space<vmem>>, vector<1x16xf32>,
        %parallel_loop3A_268 = vector.shape_cast %parallel_loop3A_267 : vector<1x16xf32> to vector<16xf32>
        %parallel_loop3A_269 = arith.index_cast %parallel_loop3A_250 : i32 to index
        %parallel_loop3A_270 = arith.constant 16 : index
        %parallel_loop3A_271 = tpu.vector_load %arg5[%parallel_loop3A_269, %parallel_loop3A_270] {strides = array<i32>} : memref<200x128xf32, #tpu.memory_space<vmem>>, vector<1x16xf32>,
        %parallel_loop3A_272 = vector.shape_cast %parallel_loop3A_271 : vector<1x16xf32> to vector<16xf32>
        %parallel_loop3A_273 = arith.addf %parallel_loop3A_268, %parallel_loop3A_272 : vector<16xf32>
        %parallel_loop3A_274 = arith.index_cast %parallel_loop3A_250 : i32 to index
        %parallel_loop3A_275 = arith.constant 16 : index
        %parallel_loop3A_276 = tpu.vector_load %arg8[%parallel_loop3A_274, %parallel_loop3A_275] {strides = array<i32>} : memref<200x128xf32, #tpu.memory_space<vmem>>, vector<1x16xf32>,
        %parallel_loop3A_277 = vector.shape_cast %parallel_loop3A_276 : vector<1x16xf32> to vector<16xf32>
        %parallel_loop3A_278 = vector.shape_cast %parallel_loop3A_273 : vector<16xf32> to vector<1x16xf32>
        tpu.vector_store %arg8[%parallel_loop3A_274, %parallel_loop3A_275], %parallel_loop3A_278 {strides = array<i32>} : memref<200x128xf32, #tpu.memory_space<vmem>>, vector<1x16xf32>,
        %parallel_loop3A_279 = arith.index_cast %parallel_loop3A_250 : i32 to index
        %parallel_loop3A_280 = arith.constant 32 : index
        %parallel_loop3A_281 = tpu.vector_load %arg6[%parallel_loop3A_279, %parallel_loop3A_280] {strides = array<i32>} : memref<200x128xf32, #tpu.memory_space<vmem>>, vector<1x16xf32>,
        %parallel_loop3A_282 = vector.shape_cast %parallel_loop3A_281 : vector<1x16xf32> to vector<16xf32>
        %parallel_loop3A_283 = arith.index_cast %parallel_loop3A_250 : i32 to index
        %parallel_loop3A_284 = arith.constant 32 : index
        %parallel_loop3A_285 = tpu.vector_load %arg5[%parallel_loop3A_283, %parallel_loop3A_284] {strides = array<i32>} : memref<200x128xf32, #tpu.memory_space<vmem>>, vector<1x16xf32>,
        %parallel_loop3A_286 = vector.shape_cast %parallel_loop3A_285 : vector<1x16xf32> to vector<16xf32>
        %parallel_loop3A_287 = arith.addf %parallel_loop3A_282, %parallel_loop3A_286 : vector<16xf32>
        %parallel_loop3A_288 = arith.index_cast %parallel_loop3A_250 : i32 to index
        %parallel_loop3A_289 = arith.constant 32 : index
        %parallel_loop3A_290 = tpu.vector_load %arg8[%parallel_loop3A_288, %parallel_loop3A_289] {strides = array<i32>} : memref<200x128xf32, #tpu.memory_space<vmem>>, vector<1x16xf32>,
        %parallel_loop3A_291 = vector.shape_cast %parallel_loop3A_290 : vector<1x16xf32> to vector<16xf32>
        %parallel_loop3A_292 = vector.shape_cast %parallel_loop3A_287 : vector<16xf32> to vector<1x16xf32>
        tpu.vector_store %arg8[%parallel_loop3A_288, %parallel_loop3A_289], %parallel_loop3A_292 {strides = array<i32>} : memref<200x128xf32, #tpu.memory_space<vmem>>, vector<1x16xf32>,
        %parallel_loop3A_293 = arith.index_cast %parallel_loop3A_250 : i32 to index
        %parallel_loop3A_294 = arith.constant 48 : index
        %parallel_loop3A_295 = tpu.vector_load %arg6[%parallel_loop3A_293, %parallel_loop3A_294] {strides = array<i32>} : memref<200x128xf32, #tpu.memory_space<vmem>>, vector<1x16xf32>,
        %parallel_loop3A_296 = vector.shape_cast %parallel_loop3A_295 : vector<1x16xf32> to vector<16xf32>
        %parallel_loop3A_297 = arith.index_cast %parallel_loop3A_250 : i32 to index
        %parallel_loop3A_298 = arith.constant 48 : index
        %parallel_loop3A_299 = tpu.vector_load %arg5[%parallel_loop3A_297, %parallel_loop3A_298] {strides = array<i32>} : memref<200x128xf32, #tpu.memory_space<vmem>>, vector<1x16xf32>,
        %parallel_loop3A_300 = vector.shape_cast %parallel_loop3A_299 : vector<1x16xf32> to vector<16xf32>
        %parallel_loop3A_301 = arith.addf %parallel_loop3A_296, %parallel_loop3A_300 : vector<16xf32>
        %parallel_loop3A_302 = arith.index_cast %parallel_loop3A_250 : i32 to index
        %parallel_loop3A_303 = arith.constant 48 : index
        %parallel_loop3A_304 = tpu.vector_load %arg8[%parallel_loop3A_302, %parallel_loop3A_303] {strides = array<i32>} : memref<200x128xf32, #tpu.memory_space<vmem>>, vector<1x16xf32>,
        %parallel_loop3A_305 = vector.shape_cast %parallel_loop3A_304 : vector<1x16xf32> to vector<16xf32>
        %parallel_loop3A_306 = vector.shape_cast %parallel_loop3A_301 : vector<16xf32> to vector<1x16xf32>
        tpu.vector_store %arg8[%parallel_loop3A_302, %parallel_loop3A_303], %parallel_loop3A_306 {strides = array<i32>} : memref<200x128xf32, #tpu.memory_space<vmem>>, vector<1x16xf32>,
        %parallel_loop3A_307 = arith.index_cast %parallel_loop3A_250 : i32 to index
        %parallel_loop3A_308 = arith.constant 64 : index
        %parallel_loop3A_309 = tpu.vector_load %arg6[%parallel_loop3A_307, %parallel_loop3A_308] {strides = array<i32>} : memref<200x128xf32, #tpu.memory_space<vmem>>, vector<1x16xf32>,
        %parallel_loop3A_310 = vector.shape_cast %parallel_loop3A_309 : vector<1x16xf32> to vector<16xf32>
        %parallel_loop3A_311 = arith.index_cast %parallel_loop3A_250 : i32 to index
        %parallel_loop3A_312 = arith.constant 64 : index
        %parallel_loop3A_313 = tpu.vector_load %arg5[%parallel_loop3A_311, %parallel_loop3A_312] {strides = array<i32>} : memref<200x128xf32, #tpu.memory_space<vmem>>, vector<1x16xf32>,
        %parallel_loop3A_314 = vector.shape_cast %parallel_loop3A_313 : vector<1x16xf32> to vector<16xf32>
        %parallel_loop3A_315 = arith.addf %parallel_loop3A_310, %parallel_loop3A_314 : vector<16xf32>
        %parallel_loop3A_316 = arith.index_cast %parallel_loop3A_250 : i32 to index
        %parallel_loop3A_317 = arith.constant 64 : index
        %parallel_loop3A_318 = tpu.vector_load %arg8[%parallel_loop3A_316, %parallel_loop3A_317] {strides = array<i32>} : memref<200x128xf32, #tpu.memory_space<vmem>>, vector<1x16xf32>,
        %parallel_loop3A_319 = vector.shape_cast %parallel_loop3A_318 : vector<1x16xf32> to vector<16xf32>
        %parallel_loop3A_320 = vector.shape_cast %parallel_loop3A_315 : vector<16xf32> to vector<1x16xf32>
        tpu.vector_store %arg8[%parallel_loop3A_316, %parallel_loop3A_317], %parallel_loop3A_320 {strides = array<i32>} : memref<200x128xf32, #tpu.memory_space<vmem>>, vector<1x16xf32>,
        %parallel_loop3A_321 = arith.index_cast %parallel_loop3A_250 : i32 to index
        %parallel_loop3A_322 = arith.constant 80 : index
        %parallel_loop3A_323 = tpu.vector_load %arg6[%parallel_loop3A_321, %parallel_loop3A_322] {strides = array<i32>} : memref<200x128xf32, #tpu.memory_space<vmem>>, vector<1x16xf32>,
        %parallel_loop3A_324 = vector.shape_cast %parallel_loop3A_323 : vector<1x16xf32> to vector<16xf32>
        %parallel_loop3A_325 = arith.index_cast %parallel_loop3A_250 : i32 to index
        %parallel_loop3A_326 = arith.constant 80 : index
        %parallel_loop3A_327 = tpu.vector_load %arg5[%parallel_loop3A_325, %parallel_loop3A_326] {strides = array<i32>} : memref<200x128xf32, #tpu.memory_space<vmem>>, vector<1x16xf32>,
        %parallel_loop3A_328 = vector.shape_cast %parallel_loop3A_327 : vector<1x16xf32> to vector<16xf32>
        %parallel_loop3A_329 = arith.addf %parallel_loop3A_324, %parallel_loop3A_328 : vector<16xf32>
        %parallel_loop3A_330 = arith.index_cast %parallel_loop3A_250 : i32 to index
        %parallel_loop3A_331 = arith.constant 80 : index
        %parallel_loop3A_332 = tpu.vector_load %arg8[%parallel_loop3A_330, %parallel_loop3A_331] {strides = array<i32>} : memref<200x128xf32, #tpu.memory_space<vmem>>, vector<1x16xf32>,
        %parallel_loop3A_333 = vector.shape_cast %parallel_loop3A_332 : vector<1x16xf32> to vector<16xf32>
        %parallel_loop3A_334 = vector.shape_cast %parallel_loop3A_329 : vector<16xf32> to vector<1x16xf32>
        tpu.vector_store %arg8[%parallel_loop3A_330, %parallel_loop3A_331], %parallel_loop3A_334 {strides = array<i32>} : memref<200x128xf32, #tpu.memory_space<vmem>>, vector<1x16xf32>,
        %parallel_loop3A_335 = arith.index_cast %parallel_loop3A_250 : i32 to index
        %parallel_loop3A_336 = arith.constant 96 : index
        %parallel_loop3A_337 = tpu.vector_load %arg6[%parallel_loop3A_335, %parallel_loop3A_336] {strides = array<i32>} : memref<200x128xf32, #tpu.memory_space<vmem>>, vector<1x16xf32>,
        %parallel_loop3A_338 = vector.shape_cast %parallel_loop3A_337 : vector<1x16xf32> to vector<16xf32>
        %parallel_loop3A_339 = arith.index_cast %parallel_loop3A_250 : i32 to index
        %parallel_loop3A_340 = arith.constant 96 : index
        %parallel_loop3A_341 = tpu.vector_load %arg5[%parallel_loop3A_339, %parallel_loop3A_340] {strides = array<i32>} : memref<200x128xf32, #tpu.memory_space<vmem>>, vector<1x16xf32>,
        %parallel_loop3A_342 = vector.shape_cast %parallel_loop3A_341 : vector<1x16xf32> to vector<16xf32>
        %parallel_loop3A_343 = arith.addf %parallel_loop3A_338, %parallel_loop3A_342 : vector<16xf32>
        %parallel_loop3A_344 = arith.index_cast %parallel_loop3A_250 : i32 to index
        %parallel_loop3A_345 = arith.constant 96 : index
        %parallel_loop3A_346 = tpu.vector_load %arg8[%parallel_loop3A_344, %parallel_loop3A_345] {strides = array<i32>} : memref<200x128xf32, #tpu.memory_space<vmem>>, vector<1x16xf32>,
        %parallel_loop3A_347 = vector.shape_cast %parallel_loop3A_346 : vector<1x16xf32> to vector<16xf32>
        %parallel_loop3A_348 = vector.shape_cast %parallel_loop3A_343 : vector<16xf32> to vector<1x16xf32>
        tpu.vector_store %arg8[%parallel_loop3A_344, %parallel_loop3A_345], %parallel_loop3A_348 {strides = array<i32>} : memref<200x128xf32, #tpu.memory_space<vmem>>, vector<1x16xf32>,
        %parallel_loop3A_349 = arith.index_cast %parallel_loop3A_250 : i32 to index
        %parallel_loop3A_350 = arith.constant 112 : index
        %parallel_loop3A_351 = tpu.vector_load %arg6[%parallel_loop3A_349, %parallel_loop3A_350] {strides = array<i32>} : memref<200x128xf32, #tpu.memory_space<vmem>>, vector<1x16xf32>,
        %parallel_loop3A_352 = vector.shape_cast %parallel_loop3A_351 : vector<1x16xf32> to vector<16xf32>
        %parallel_loop3A_353 = arith.index_cast %parallel_loop3A_250 : i32 to index
        %parallel_loop3A_354 = arith.constant 112 : index
        %parallel_loop3A_355 = tpu.vector_load %arg5[%parallel_loop3A_353, %parallel_loop3A_354] {strides = array<i32>} : memref<200x128xf32, #tpu.memory_space<vmem>>, vector<1x16xf32>,
        %parallel_loop3A_356 = vector.shape_cast %parallel_loop3A_355 : vector<1x16xf32> to vector<16xf32>
        %parallel_loop3A_357 = arith.addf %parallel_loop3A_352, %parallel_loop3A_356 : vector<16xf32>
        %parallel_loop3A_358 = arith.index_cast %parallel_loop3A_250 : i32 to index
        %parallel_loop3A_359 = arith.constant 112 : index
        %parallel_loop3A_360 = tpu.vector_load %arg8[%parallel_loop3A_358, %parallel_loop3A_359] {strides = array<i32>} : memref<200x128xf32, #tpu.memory_space<vmem>>, vector<1x16xf32>,
        %parallel_loop3A_361 = vector.shape_cast %parallel_loop3A_360 : vector<1x16xf32> to vector<16xf32>
        %parallel_loop3A_362 = vector.shape_cast %parallel_loop3A_357 : vector<16xf32> to vector<1x16xf32>
        tpu.vector_store %arg8[%parallel_loop3A_358, %parallel_loop3A_359], %parallel_loop3A_362 {strides = array<i32>} : memref<200x128xf32, #tpu.memory_space<vmem>>, vector<1x16xf32>,
      } {sc.loop_unroll_factor = 4 : i64, sc.parallel_access}
      %dma_start3A_193 = arith.constant 0 : i32
      %dma_start3A_194 = arith.constant 0 : i32
      %dma_start3A_195 = tpu.memref_slice %arg4[%add3A_173, %dma_start3A_193, %dma_start3A_194] : memref<4096x200x128xf32, #tpu.memory_space<hbm>> -> memref<1x200x128xf32, #tpu.memory_space<hbm>>
      %dma_start3A_196 = tpu.memref_squeeze %dma_start3A_195 : memref<1x200x128xf32, #tpu.memory_space<hbm>> -> memref<200x128xf32, #tpu.memory_space<hbm>>
      %dma_start3A_197 = arith.constant 0 : i32
      %dma_start3A_198 = arith.constant 0 : i32
      %dma_start3A_199 = tpu.memref_slice %arg4[%add3A_173, %dma_start3A_197, %dma_start3A_198] : memref<4096x200x128xf32, #tpu.memory_space<hbm>> -> memref<1x200x128xf32, #tpu.memory_space<hbm>>
      %dma_start3A_200 = tpu.memref_squeeze %dma_start3A_199 : memref<1x200x128xf32, #tpu.memory_space<hbm>> -> memref<200x128xf32, #tpu.memory_space<hbm>>
      tpu.enqueue_dma source(%arg8 : memref<200x128xf32, #tpu.memory_space<vmem>>) target(%dma_start3A_200 : memref<200x128xf32, #tpu.memory_space<hbm>>) target_semaphore(%arg12 : memref<!tpu.dma_semaphore, #tpu.memory_space<semaphore_mem>>)
      %add3A_201 = arith.constant 2 : i32
      %add3A_202 = arith.addi %add3A_173, %add3A_201 : i32
      %dma_start3A_203 = arith.constant 0 : i32
      %dma_start3A_204 = arith.constant 0 : i32
      %dma_start3A_205 = tpu.memref_slice %arg2[%add3A_202, %dma_start3A_203, %dma_start3A_204] : memref<4096x200x128xf32, #tpu.memory_space<hbm>> -> memref<1x200x128xf32, #tpu.memory_space<hbm>>
      %dma_start3A_206 = tpu.memref_squeeze %dma_start3A_205 : memref<1x200x128xf32, #tpu.memory_space<hbm>> -> memref<200x128xf32, #tpu.memory_space<hbm>>
      %dma_start3A_207 = arith.constant 0 : i32
      %dma_start3A_208 = arith.constant 0 : i32
      %dma_start3A_209 = tpu.memref_slice %arg2[%add3A_202, %dma_start3A_207, %dma_start3A_208] : memref<4096x200x128xf32, #tpu.memory_space<hbm>> -> memref<1x200x128xf32, #tpu.memory_space<hbm>>
      %dma_start3A_210 = tpu.memref_squeeze %dma_start3A_209 : memref<1x200x128xf32, #tpu.memory_space<hbm>> -> memref<200x128xf32, #tpu.memory_space<hbm>>
      tpu.enqueue_dma source(%dma_start3A_210 : memref<200x128xf32, #tpu.memory_space<hbm>>) target(%arg6 : memref<200x128xf32, #tpu.memory_space<vmem>>) target_semaphore(%arg10 : memref<!tpu.dma_semaphore, #tpu.memory_space<semaphore_mem>>)
      %add3A_211 = arith.constant 1 : i32
      %add3A_212 = arith.addi %add3A_173, %add3A_211 : i32
      %dma_wait3A_213 = arith.constant 0 : i32
      %dma_wait3A_214 = arith.constant 0 : i32
      %dma_wait3A_215 = tpu.memref_slice %arg2[%add3A_212, %dma_wait3A_213, %dma_wait3A_214] : memref<4096x200x128xf32, #tpu.memory_space<hbm>> -> memref<1x200x128xf32, #tpu.memory_space<hbm>>
      %dma_wait3A_216 = tpu.memref_squeeze %dma_wait3A_215 : memref<1x200x128xf32, #tpu.memory_space<hbm>> -> memref<200x128xf32, #tpu.memory_space<hbm>>
      %dma_wait3A_217 = arith.constant 0 : i32
      %dma_wait3A_218 = arith.constant 0 : i32
      %dma_wait3A_219 = tpu.memref_slice %arg2[%add3A_212, %dma_wait3A_217, %dma_wait3A_218] : memref<4096x200x128xf32, #tpu.memory_space<hbm>> -> memref<1x200x128xf32, #tpu.memory_space<hbm>>
      %dma_wait3A_220 = tpu.memref_squeeze %dma_wait3A_219 : memref<1x200x128xf32, #tpu.memory_space<hbm>> -> memref<200x128xf32, #tpu.memory_space<hbm>>
      tpu.wait_dma2 semaphore(%arg11 : memref<!tpu.dma_semaphore, #tpu.memory_space<semaphore_mem>>) src(%dma_wait3A_220 : memref<200x128xf32, #tpu.memory_space<hbm>>) dst(%arg7 : memref<200x128xf32, #tpu.memory_space<vmem>>)
      %dma_wait3A_221 = arith.constant 0 : i32
      %dma_wait3A_222 = arith.constant 0 : i32
      %dma_wait3A_223 = tpu.memref_slice %arg4[%add3A_212, %dma_wait3A_221, %dma_wait3A_222] : memref<4096x200x128xf32, #tpu.memory_space<hbm>> -> memref<1x200x128xf32, #tpu.memory_space<hbm>>
      %dma_wait3A_224 = tpu.memref_squeeze %dma_wait3A_223 : memref<1x200x128xf32, #tpu.memory_space<hbm>> -> memref<200x128xf32, #tpu.memory_space<hbm>>
      %dma_wait3A_225 = arith.constant 0 : i32
      %dma_wait3A_226 = arith.constant 0 : i32
      %dma_wait3A_227 = tpu.memref_slice %arg4[%add3A_212, %dma_wait3A_225, %dma_wait3A_226] : memref<4096x200x128xf32, #tpu.memory_space<hbm>> -> memref<1x200x128xf32, #tpu.memory_space<hbm>>
      %dma_wait3A_228 = tpu.memref_squeeze %dma_wait3A_227 : memref<1x200x128xf32, #tpu.memory_space<hbm>> -> memref<200x128xf32, #tpu.memory_space<hbm>>
      tpu.wait_dma2 semaphore(%arg13 : memref<!tpu.dma_semaphore, #tpu.memory_space<semaphore_mem>>) src(%arg9 : memref<200x128xf32, #tpu.memory_space<vmem>>) dst(%dma_wait3A_228 : memref<200x128xf32, #tpu.memory_space<hbm>>)
      %parallel_loop3A_229 = arith.constant 0 : i32
      %parallel_loop3A_230 = arith.constant 200 : i32
      %parallel_loop3A_231 = arith.constant 1 : i32
      scf.for %parallel_loop3A_250 = %parallel_loop3A_229 to %parallel_loop3A_230 step %parallel_loop3A_231  : i32 {
        %parallel_loop3A_251 = arith.index_cast %parallel_loop3A_250 : i32 to index
        %parallel_loop3A_252 = arith.constant 0 : index
        %parallel_loop3A_253 = tpu.vector_load %arg7[%parallel_loop3A_251, %parallel_loop3A_252] {strides = array<i32>} : memref<200x128xf32, #tpu.memory_space<vmem>>, vector<1x16xf32>,
        %parallel_loop3A_254 = vector.shape_cast %parallel_loop3A_253 : vector<1x16xf32> to vector<16xf32>
        %parallel_loop3A_255 = arith.index_cast %parallel_loop3A_250 : i32 to index
        %parallel_loop3A_256 = arith.constant 0 : index
        %parallel_loop3A_257 = tpu.vector_load %arg5[%parallel_loop3A_255, %parallel_loop3A_256] {strides = array<i32>} : memref<200x128xf32, #tpu.memory_space<vmem>>, vector<1x16xf32>,
        %parallel_loop3A_258 = vector.shape_cast %parallel_loop3A_257 : vector<1x16xf32> to vector<16xf32>
        %parallel_loop3A_259 = arith.addf %parallel_loop3A_254, %parallel_loop3A_258 : vector<16xf32>
        %parallel_loop3A_260 = arith.index_cast %parallel_loop3A_250 : i32 to index
        %parallel_loop3A_261 = arith.constant 0 : index
        %parallel_loop3A_262 = tpu.vector_load %arg9[%parallel_loop3A_260, %parallel_loop3A_261] {strides = array<i32>} : memref<200x128xf32, #tpu.memory_space<vmem>>, vector<1x16xf32>,
        %parallel_loop3A_263 = vector.shape_cast %parallel_loop3A_262 : vector<1x16xf32> to vector<16xf32>
        %parallel_loop3A_264 = vector.shape_cast %parallel_loop3A_259 : vector<16xf32> to vector<1x16xf32>
        tpu.vector_store %arg9[%parallel_loop3A_260, %parallel_loop3A_261], %parallel_loop3A_264 {strides = array<i32>} : memref<200x128xf32, #tpu.memory_space<vmem>>, vector<1x16xf32>,
        %parallel_loop3A_265 = arith.index_cast %parallel_loop3A_250 : i32 to index
        %parallel_loop3A_266 = arith.constant 16 : index
        %parallel_loop3A_267 = tpu.vector_load %arg7[%parallel_loop3A_265, %parallel_loop3A_266] {strides = array<i32>} : memref<200x128xf32, #tpu.memory_space<vmem>>, vector<1x16xf32>,
        %parallel_loop3A_268 = vector.shape_cast %parallel_loop3A_267 : vector<1x16xf32> to vector<16xf32>
        %parallel_loop3A_269 = arith.index_cast %parallel_loop3A_250 : i32 to index
        %parallel_loop3A_270 = arith.constant 16 : index
        %parallel_loop3A_271 = tpu.vector_load %arg5[%parallel_loop3A_269, %parallel_loop3A_270] {strides = array<i32>} : memref<200x128xf32, #tpu.memory_space<vmem>>, vector<1x16xf32>,
        %parallel_loop3A_272 = vector.shape_cast %parallel_loop3A_271 : vector<1x16xf32> to vector<16xf32>
        %parallel_loop3A_273 = arith.addf %parallel_loop3A_268, %parallel_loop3A_272 : vector<16xf32>
        %parallel_loop3A_274 = arith.index_cast %parallel_loop3A_250 : i32 to index
        %parallel_loop3A_275 = arith.constant 16 : index
        %parallel_loop3A_276 = tpu.vector_load %arg9[%parallel_loop3A_274, %parallel_loop3A_275] {strides = array<i32>} : memref<200x128xf32, #tpu.memory_space<vmem>>, vector<1x16xf32>,
        %parallel_loop3A_277 = vector.shape_cast %parallel_loop3A_276 : vector<1x16xf32> to vector<16xf32>
        %parallel_loop3A_278 = vector.shape_cast %parallel_loop3A_273 : vector<16xf32> to vector<1x16xf32>
        tpu.vector_store %arg9[%parallel_loop3A_274, %parallel_loop3A_275], %parallel_loop3A_278 {strides = array<i32>} : memref<200x128xf32, #tpu.memory_space<vmem>>, vector<1x16xf32>,
        %parallel_loop3A_279 = arith.index_cast %parallel_loop3A_250 : i32 to index
        %parallel_loop3A_280 = arith.constant 32 : index
        %parallel_loop3A_281 = tpu.vector_load %arg7[%parallel_loop3A_279, %parallel_loop3A_280] {strides = array<i32>} : memref<200x128xf32, #tpu.memory_space<vmem>>, vector<1x16xf32>,
        %parallel_loop3A_282 = vector.shape_cast %parallel_loop3A_281 : vector<1x16xf32> to vector<16xf32>
        %parallel_loop3A_283 = arith.index_cast %parallel_loop3A_250 : i32 to index
        %parallel_loop3A_284 = arith.constant 32 : index
        %parallel_loop3A_285 = tpu.vector_load %arg5[%parallel_loop3A_283, %parallel_loop3A_284] {strides = array<i32>} : memref<200x128xf32, #tpu.memory_space<vmem>>, vector<1x16xf32>,
        %parallel_loop3A_286 = vector.shape_cast %parallel_loop3A_285 : vector<1x16xf32> to vector<16xf32>
        %parallel_loop3A_287 = arith.addf %parallel_loop3A_282, %parallel_loop3A_286 : vector<16xf32>
        %parallel_loop3A_288 = arith.index_cast %parallel_loop3A_250 : i32 to index
        %parallel_loop3A_289 = arith.constant 32 : index
        %parallel_loop3A_290 = tpu.vector_load %arg9[%parallel_loop3A_288, %parallel_loop3A_289] {strides = array<i32>} : memref<200x128xf32, #tpu.memory_space<vmem>>, vector<1x16xf32>,
        %parallel_loop3A_291 = vector.shape_cast %parallel_loop3A_290 : vector<1x16xf32> to vector<16xf32>
        %parallel_loop3A_292 = vector.shape_cast %parallel_loop3A_287 : vector<16xf32> to vector<1x16xf32>
        tpu.vector_store %arg9[%parallel_loop3A_288, %parallel_loop3A_289], %parallel_loop3A_292 {strides = array<i32>} : memref<200x128xf32, #tpu.memory_space<vmem>>, vector<1x16xf32>,
        %parallel_loop3A_293 = arith.index_cast %parallel_loop3A_250 : i32 to index
        %parallel_loop3A_294 = arith.constant 48 : index
        %parallel_loop3A_295 = tpu.vector_load %arg7[%parallel_loop3A_293, %parallel_loop3A_294] {strides = array<i32>} : memref<200x128xf32, #tpu.memory_space<vmem>>, vector<1x16xf32>,
        %parallel_loop3A_296 = vector.shape_cast %parallel_loop3A_295 : vector<1x16xf32> to vector<16xf32>
        %parallel_loop3A_297 = arith.index_cast %parallel_loop3A_250 : i32 to index
        %parallel_loop3A_298 = arith.constant 48 : index
        %parallel_loop3A_299 = tpu.vector_load %arg5[%parallel_loop3A_297, %parallel_loop3A_298] {strides = array<i32>} : memref<200x128xf32, #tpu.memory_space<vmem>>, vector<1x16xf32>,
        %parallel_loop3A_300 = vector.shape_cast %parallel_loop3A_299 : vector<1x16xf32> to vector<16xf32>
        %parallel_loop3A_301 = arith.addf %parallel_loop3A_296, %parallel_loop3A_300 : vector<16xf32>
        %parallel_loop3A_302 = arith.index_cast %parallel_loop3A_250 : i32 to index
        %parallel_loop3A_303 = arith.constant 48 : index
        %parallel_loop3A_304 = tpu.vector_load %arg9[%parallel_loop3A_302, %parallel_loop3A_303] {strides = array<i32>} : memref<200x128xf32, #tpu.memory_space<vmem>>, vector<1x16xf32>,
        %parallel_loop3A_305 = vector.shape_cast %parallel_loop3A_304 : vector<1x16xf32> to vector<16xf32>
        %parallel_loop3A_306 = vector.shape_cast %parallel_loop3A_301 : vector<16xf32> to vector<1x16xf32>
        tpu.vector_store %arg9[%parallel_loop3A_302, %parallel_loop3A_303], %parallel_loop3A_306 {strides = array<i32>} : memref<200x128xf32, #tpu.memory_space<vmem>>, vector<1x16xf32>,
        %parallel_loop3A_307 = arith.index_cast %parallel_loop3A_250 : i32 to index
        %parallel_loop3A_308 = arith.constant 64 : index
        %parallel_loop3A_309 = tpu.vector_load %arg7[%parallel_loop3A_307, %parallel_loop3A_308] {strides = array<i32>} : memref<200x128xf32, #tpu.memory_space<vmem>>, vector<1x16xf32>,
        %parallel_loop3A_310 = vector.shape_cast %parallel_loop3A_309 : vector<1x16xf32> to vector<16xf32>
        %parallel_loop3A_311 = arith.index_cast %parallel_loop3A_250 : i32 to index
        %parallel_loop3A_312 = arith.constant 64 : index
        %parallel_loop3A_313 = tpu.vector_load %arg5[%parallel_loop3A_311, %parallel_loop3A_312] {strides = array<i32>} : memref<200x128xf32, #tpu.memory_space<vmem>>, vector<1x16xf32>,
        %parallel_loop3A_314 = vector.shape_cast %parallel_loop3A_313 : vector<1x16xf32> to vector<16xf32>
        %parallel_loop3A_315 = arith.addf %parallel_loop3A_310, %parallel_loop3A_314 : vector<16xf32>
        %parallel_loop3A_316 = arith.index_cast %parallel_loop3A_250 : i32 to index
        %parallel_loop3A_317 = arith.constant 64 : index
        %parallel_loop3A_318 = tpu.vector_load %arg9[%parallel_loop3A_316, %parallel_loop3A_317] {strides = array<i32>} : memref<200x128xf32, #tpu.memory_space<vmem>>, vector<1x16xf32>,
        %parallel_loop3A_319 = vector.shape_cast %parallel_loop3A_318 : vector<1x16xf32> to vector<16xf32>
        %parallel_loop3A_320 = vector.shape_cast %parallel_loop3A_315 : vector<16xf32> to vector<1x16xf32>
        tpu.vector_store %arg9[%parallel_loop3A_316, %parallel_loop3A_317], %parallel_loop3A_320 {strides = array<i32>} : memref<200x128xf32, #tpu.memory_space<vmem>>, vector<1x16xf32>,
        %parallel_loop3A_321 = arith.index_cast %parallel_loop3A_250 : i32 to index
        %parallel_loop3A_322 = arith.constant 80 : index
        %parallel_loop3A_323 = tpu.vector_load %arg7[%parallel_loop3A_321, %parallel_loop3A_322] {strides = array<i32>} : memref<200x128xf32, #tpu.memory_space<vmem>>, vector<1x16xf32>,
        %parallel_loop3A_324 = vector.shape_cast %parallel_loop3A_323 : vector<1x16xf32> to vector<16xf32>
        %parallel_loop3A_325 = arith.index_cast %parallel_loop3A_250 : i32 to index
        %parallel_loop3A_326 = arith.constant 80 : index
        %parallel_loop3A_327 = tpu.vector_load %arg5[%parallel_loop3A_325, %parallel_loop3A_326] {strides = array<i32>} : memref<200x128xf32, #tpu.memory_space<vmem>>, vector<1x16xf32>,
        %parallel_loop3A_328 = vector.shape_cast %parallel_loop3A_327 : vector<1x16xf32> to vector<16xf32>
        %parallel_loop3A_329 = arith.addf %parallel_loop3A_324, %parallel_loop3A_328 : vector<16xf32>
        %parallel_loop3A_330 = arith.index_cast %parallel_loop3A_250 : i32 to index
        %parallel_loop3A_331 = arith.constant 80 : index
        %parallel_loop3A_332 = tpu.vector_load %arg9[%parallel_loop3A_330, %parallel_loop3A_331] {strides = array<i32>} : memref<200x128xf32, #tpu.memory_space<vmem>>, vector<1x16xf32>,
        %parallel_loop3A_333 = vector.shape_cast %parallel_loop3A_332 : vector<1x16xf32> to vector<16xf32>
        %parallel_loop3A_334 = vector.shape_cast %parallel_loop3A_329 : vector<16xf32> to vector<1x16xf32>
        tpu.vector_store %arg9[%parallel_loop3A_330, %parallel_loop3A_331], %parallel_loop3A_334 {strides = array<i32>} : memref<200x128xf32, #tpu.memory_space<vmem>>, vector<1x16xf32>,
        %parallel_loop3A_335 = arith.index_cast %parallel_loop3A_250 : i32 to index
        %parallel_loop3A_336 = arith.constant 96 : index
        %parallel_loop3A_337 = tpu.vector_load %arg7[%parallel_loop3A_335, %parallel_loop3A_336] {strides = array<i32>} : memref<200x128xf32, #tpu.memory_space<vmem>>, vector<1x16xf32>,
        %parallel_loop3A_338 = vector.shape_cast %parallel_loop3A_337 : vector<1x16xf32> to vector<16xf32>
        %parallel_loop3A_339 = arith.index_cast %parallel_loop3A_250 : i32 to index
        %parallel_loop3A_340 = arith.constant 96 : index
        %parallel_loop3A_341 = tpu.vector_load %arg5[%parallel_loop3A_339, %parallel_loop3A_340] {strides = array<i32>} : memref<200x128xf32, #tpu.memory_space<vmem>>, vector<1x16xf32>,
        %parallel_loop3A_342 = vector.shape_cast %parallel_loop3A_341 : vector<1x16xf32> to vector<16xf32>
        %parallel_loop3A_343 = arith.addf %parallel_loop3A_338, %parallel_loop3A_342 : vector<16xf32>
        %parallel_loop3A_344 = arith.index_cast %parallel_loop3A_250 : i32 to index
        %parallel_loop3A_345 = arith.constant 96 : index
        %parallel_loop3A_346 = tpu.vector_load %arg9[%parallel_loop3A_344, %parallel_loop3A_345] {strides = array<i32>} : memref<200x128xf32, #tpu.memory_space<vmem>>, vector<1x16xf32>,
        %parallel_loop3A_347 = vector.shape_cast %parallel_loop3A_346 : vector<1x16xf32> to vector<16xf32>
        %parallel_loop3A_348 = vector.shape_cast %parallel_loop3A_343 : vector<16xf32> to vector<1x16xf32>
        tpu.vector_store %arg9[%parallel_loop3A_344, %parallel_loop3A_345], %parallel_loop3A_348 {strides = array<i32>} : memref<200x128xf32, #tpu.memory_space<vmem>>, vector<1x16xf32>,
        %parallel_loop3A_349 = arith.index_cast %parallel_loop3A_250 : i32 to index
        %parallel_loop3A_350 = arith.constant 112 : index
        %parallel_loop3A_351 = tpu.vector_load %arg7[%parallel_loop3A_349, %parallel_loop3A_350] {strides = array<i32>} : memref<200x128xf32, #tpu.memory_space<vmem>>, vector<1x16xf32>,
        %parallel_loop3A_352 = vector.shape_cast %parallel_loop3A_351 : vector<1x16xf32> to vector<16xf32>
        %parallel_loop3A_353 = arith.index_cast %parallel_loop3A_250 : i32 to index
        %parallel_loop3A_354 = arith.constant 112 : index
        %parallel_loop3A_355 = tpu.vector_load %arg5[%parallel_loop3A_353, %parallel_loop3A_354] {strides = array<i32>} : memref<200x128xf32, #tpu.memory_space<vmem>>, vector<1x16xf32>,
        %parallel_loop3A_356 = vector.shape_cast %parallel_loop3A_355 : vector<1x16xf32> to vector<16xf32>
        %parallel_loop3A_357 = arith.addf %parallel_loop3A_352, %parallel_loop3A_356 : vector<16xf32>
        %parallel_loop3A_358 = arith.index_cast %parallel_loop3A_250 : i32 to index
        %parallel_loop3A_359 = arith.constant 112 : index
        %parallel_loop3A_360 = tpu.vector_load %arg9[%parallel_loop3A_358, %parallel_loop3A_359] {strides = array<i32>} : memref<200x128xf32, #tpu.memory_space<vmem>>, vector<1x16xf32>,
        %parallel_loop3A_361 = vector.shape_cast %parallel_loop3A_360 : vector<1x16xf32> to vector<16xf32>
        %parallel_loop3A_362 = vector.shape_cast %parallel_loop3A_357 : vector<16xf32> to vector<1x16xf32>
        tpu.vector_store %arg9[%parallel_loop3A_358, %parallel_loop3A_359], %parallel_loop3A_362 {strides = array<i32>} : memref<200x128xf32, #tpu.memory_space<vmem>>, vector<1x16xf32>,
      } {sc.loop_unroll_factor = 4 : i64, sc.parallel_access}
      %dma_start3A_232 = arith.constant 0 : i32
      %dma_start3A_233 = arith.constant 0 : i32
      %dma_start3A_234 = tpu.memref_slice %arg4[%add3A_212, %dma_start3A_232, %dma_start3A_233] : memref<4096x200x128xf32, #tpu.memory_space<hbm>> -> memref<1x200x128xf32, #tpu.memory_space<hbm>>
      %dma_start3A_235 = tpu.memref_squeeze %dma_start3A_234 : memref<1x200x128xf32, #tpu.memory_space<hbm>> -> memref<200x128xf32, #tpu.memory_space<hbm>>
      %dma_start3A_236 = arith.constant 0 : i32
      %dma_start3A_237 = arith.constant 0 : i32
      %dma_start3A_238 = tpu.memref_slice %arg4[%add3A_212, %dma_start3A_236, %dma_start3A_237] : memref<4096x200x128xf32, #tpu.memory_space<hbm>> -> memref<1x200x128xf32, #tpu.memory_space<hbm>>
      %dma_start3A_239 = tpu.memref_squeeze %dma_start3A_238 : memref<1x200x128xf32, #tpu.memory_space<hbm>> -> memref<200x128xf32, #tpu.memory_space<hbm>>
      tpu.enqueue_dma source(%arg9 : memref<200x128xf32, #tpu.memory_space<vmem>>) target(%dma_start3A_239 : memref<200x128xf32, #tpu.memory_space<hbm>>) target_semaphore(%arg13 : memref<!tpu.dma_semaphore, #tpu.memory_space<semaphore_mem>>)
      %add3A_240 = arith.constant 2 : i32
      %add3A_241 = arith.addi %add3A_212, %add3A_240 : i32
      %dma_start3A_242 = arith.constant 0 : i32
      %dma_start3A_243 = arith.constant 0 : i32
      %dma_start3A_244 = tpu.memref_slice %arg2[%add3A_241, %dma_start3A_242, %dma_start3A_243] : memref<4096x200x128xf32, #tpu.memory_space<hbm>> -> memref<1x200x128xf32, #tpu.memory_space<hbm>>
      %dma_start3A_245 = tpu.memref_squeeze %dma_start3A_244 : memref<1x200x128xf32, #tpu.memory_space<hbm>> -> memref<200x128xf32, #tpu.memory_space<hbm>>
      %dma_start3A_246 = arith.constant 0 : i32
      %dma_start3A_247 = arith.constant 0 : i32
      %dma_start3A_248 = tpu.memref_slice %arg2[%add3A_241, %dma_start3A_246, %dma_start3A_247] : memref<4096x200x128xf32, #tpu.memory_space<hbm>> -> memref<1x200x128xf32, #tpu.memory_space<hbm>>
      %dma_start3A_249 = tpu.memref_squeeze %dma_start3A_248 : memref<1x200x128xf32, #tpu.memory_space<hbm>> -> memref<200x128xf32, #tpu.memory_space<hbm>>
      tpu.enqueue_dma source(%dma_start3A_249 : memref<200x128xf32, #tpu.memory_space<hbm>>) target(%arg7 : memref<200x128xf32, #tpu.memory_space<vmem>>) target_semaphore(%arg11 : memref<!tpu.dma_semaphore, #tpu.memory_space<semaphore_mem>>)
    }
    %scan3A_90 = arith.constant 62 : i32
    %add3A_91 = arith.constant 128 : i32
    %add3A_92 = arith.addi %mul3A_2, %add3A_91 : i32
    %sub3A = arith.constant 2 : i32
    %sub3A_93 = arith.subi %add3A_92, %sub3A : i32
    %dma_wait3A_94 = arith.constant 0 : i32
    %dma_wait3A_95 = arith.constant 0 : i32
    %dma_wait3A_96 = tpu.memref_slice %arg2[%sub3A_93, %dma_wait3A_94, %dma_wait3A_95] : memref<4096x200x128xf32, #tpu.memory_space<hbm>> -> memref<1x200x128xf32, #tpu.memory_space<hbm>>
    %dma_wait3A_97 = tpu.memref_squeeze %dma_wait3A_96 : memref<1x200x128xf32, #tpu.memory_space<hbm>> -> memref<200x128xf32, #tpu.memory_space<hbm>>
    %dma_wait3A_98 = arith.constant 0 : i32
    %dma_wait3A_99 = arith.constant 0 : i32
    %dma_wait3A_100 = tpu.memref_slice %arg2[%sub3A_93, %dma_wait3A_98, %dma_wait3A_99] : memref<4096x200x128xf32, #tpu.memory_space<hbm>> -> memref<1x200x128xf32, #tpu.memory_space<hbm>>
    %dma_wait3A_101 = tpu.memref_squeeze %dma_wait3A_100 : memref<1x200x128xf32, #tpu.memory_space<hbm>> -> memref<200x128xf32, #tpu.memory_space<hbm>>
    tpu.wait_dma2 semaphore(%arg10 : memref<!tpu.dma_semaphore, #tpu.memory_space<semaphore_mem>>) src(%dma_wait3A_101 : memref<200x128xf32, #tpu.memory_space<hbm>>) dst(%arg6 : memref<200x128xf32, #tpu.memory_space<vmem>>)
    %dma_wait3A_102 = arith.constant 0 : i32
    %dma_wait3A_103 = arith.constant 0 : i32
    %dma_wait3A_104 = tpu.memref_slice %arg4[%sub3A_93, %dma_wait3A_102, %dma_wait3A_103] : memref<4096x200x128xf32, #tpu.memory_space<hbm>> -> memref<1x200x128xf32, #tpu.memory_space<hbm>>
    %dma_wait3A_105 = tpu.memref_squeeze %dma_wait3A_104 : memref<1x200x128xf32, #tpu.memory_space<hbm>> -> memref<200x128xf32, #tpu.memory_space<hbm>>
    %dma_wait3A_106 = arith.constant 0 : i32
    %dma_wait3A_107 = arith.constant 0 : i32
    %dma_wait3A_108 = tpu.memref_slice %arg4[%sub3A_93, %dma_wait3A_106, %dma_wait3A_107] : memref<4096x200x128xf32, #tpu.memory_space<hbm>> -> memref<1x200x128xf32, #tpu.memory_space<hbm>>
    %dma_wait3A_109 = tpu.memref_squeeze %dma_wait3A_108 : memref<1x200x128xf32, #tpu.memory_space<hbm>> -> memref<200x128xf32, #tpu.memory_space<hbm>>
    tpu.wait_dma2 semaphore(%arg12 : memref<!tpu.dma_semaphore, #tpu.memory_space<semaphore_mem>>) src(%arg8 : memref<200x128xf32, #tpu.memory_space<vmem>>) dst(%dma_wait3A_109 : memref<200x128xf32, #tpu.memory_space<hbm>>)
    %parallel_loop3A_110 = arith.constant 0 : i32
    %parallel_loop3A_111 = arith.constant 200 : i32
    %parallel_loop3A_112 = arith.constant 1 : i32
    scf.for %parallel_loop3A_168 = %parallel_loop3A_110 to %parallel_loop3A_111 step %parallel_loop3A_112  : i32 {
      %parallel_loop3A_169 = arith.index_cast %parallel_loop3A_168 : i32 to index
      %parallel_loop3A_170 = arith.constant 0 : index
      %parallel_loop3A_171 = tpu.vector_load %arg6[%parallel_loop3A_169, %parallel_loop3A_170] {strides = array<i32>} : memref<200x128xf32, #tpu.memory_space<vmem>>, vector<1x16xf32>,
      %parallel_loop3A_172 = vector.shape_cast %parallel_loop3A_171 : vector<1x16xf32> to vector<16xf32>
      %parallel_loop3A_173 = arith.index_cast %parallel_loop3A_168 : i32 to index
      %parallel_loop3A_174 = arith.constant 0 : index
      %parallel_loop3A_175 = tpu.vector_load %arg5[%parallel_loop3A_173, %parallel_loop3A_174] {strides = array<i32>} : memref<200x128xf32, #tpu.memory_space<vmem>>, vector<1x16xf32>,
      %parallel_loop3A_176 = vector.shape_cast %parallel_loop3A_175 : vector<1x16xf32> to vector<16xf32>
      %parallel_loop3A_177 = arith.addf %parallel_loop3A_172, %parallel_loop3A_176 : vector<16xf32>
      %parallel_loop3A_178 = arith.index_cast %parallel_loop3A_168 : i32 to index
      %parallel_loop3A_179 = arith.constant 0 : index
      %parallel_loop3A_180 = tpu.vector_load %arg8[%parallel_loop3A_178, %parallel_loop3A_179] {strides = array<i32>} : memref<200x128xf32, #tpu.memory_space<vmem>>, vector<1x16xf32>,
      %parallel_loop3A_181 = vector.shape_cast %parallel_loop3A_180 : vector<1x16xf32> to vector<16xf32>
      %parallel_loop3A_182 = vector.shape_cast %parallel_loop3A_177 : vector<16xf32> to vector<1x16xf32>
      tpu.vector_store %arg8[%parallel_loop3A_178, %parallel_loop3A_179], %parallel_loop3A_182 {strides = array<i32>} : memref<200x128xf32, #tpu.memory_space<vmem>>, vector<1x16xf32>,
      %parallel_loop3A_183 = arith.index_cast %parallel_loop3A_168 : i32 to index
      %parallel_loop3A_184 = arith.constant 16 : index
      %parallel_loop3A_185 = tpu.vector_load %arg6[%parallel_loop3A_183, %parallel_loop3A_184] {strides = array<i32>} : memref<200x128xf32, #tpu.memory_space<vmem>>, vector<1x16xf32>,
      %parallel_loop3A_186 = vector.shape_cast %parallel_loop3A_185 : vector<1x16xf32> to vector<16xf32>
      %parallel_loop3A_187 = arith.index_cast %parallel_loop3A_168 : i32 to index
      %parallel_loop3A_188 = arith.constant 16 : index
      %parallel_loop3A_189 = tpu.vector_load %arg5[%parallel_loop3A_187, %parallel_loop3A_188] {strides = array<i32>} : memref<200x128xf32, #tpu.memory_space<vmem>>, vector<1x16xf32>,
      %parallel_loop3A_190 = vector.shape_cast %parallel_loop3A_189 : vector<1x16xf32> to vector<16xf32>
      %parallel_loop3A_191 = arith.addf %parallel_loop3A_186, %parallel_loop3A_190 : vector<16xf32>
      %parallel_loop3A_192 = arith.index_cast %parallel_loop3A_168 : i32 to index
      %parallel_loop3A_193 = arith.constant 16 : index
      %parallel_loop3A_194 = tpu.vector_load %arg8[%parallel_loop3A_192, %parallel_loop3A_193] {strides = array<i32>} : memref<200x128xf32, #tpu.memory_space<vmem>>, vector<1x16xf32>,
      %parallel_loop3A_195 = vector.shape_cast %parallel_loop3A_194 : vector<1x16xf32> to vector<16xf32>
      %parallel_loop3A_196 = vector.shape_cast %parallel_loop3A_191 : vector<16xf32> to vector<1x16xf32>
      tpu.vector_store %arg8[%parallel_loop3A_192, %parallel_loop3A_193], %parallel_loop3A_196 {strides = array<i32>} : memref<200x128xf32, #tpu.memory_space<vmem>>, vector<1x16xf32>,
      %parallel_loop3A_197 = arith.index_cast %parallel_loop3A_168 : i32 to index
      %parallel_loop3A_198 = arith.constant 32 : index
      %parallel_loop3A_199 = tpu.vector_load %arg6[%parallel_loop3A_197, %parallel_loop3A_198] {strides = array<i32>} : memref<200x128xf32, #tpu.memory_space<vmem>>, vector<1x16xf32>,
      %parallel_loop3A_200 = vector.shape_cast %parallel_loop3A_199 : vector<1x16xf32> to vector<16xf32>
      %parallel_loop3A_201 = arith.index_cast %parallel_loop3A_168 : i32 to index
      %parallel_loop3A_202 = arith.constant 32 : index
      %parallel_loop3A_203 = tpu.vector_load %arg5[%parallel_loop3A_201, %parallel_loop3A_202] {strides = array<i32>} : memref<200x128xf32, #tpu.memory_space<vmem>>, vector<1x16xf32>,
      %parallel_loop3A_204 = vector.shape_cast %parallel_loop3A_203 : vector<1x16xf32> to vector<16xf32>
      %parallel_loop3A_205 = arith.addf %parallel_loop3A_200, %parallel_loop3A_204 : vector<16xf32>
      %parallel_loop3A_206 = arith.index_cast %parallel_loop3A_168 : i32 to index
      %parallel_loop3A_207 = arith.constant 32 : index
      %parallel_loop3A_208 = tpu.vector_load %arg8[%parallel_loop3A_206, %parallel_loop3A_207] {strides = array<i32>} : memref<200x128xf32, #tpu.memory_space<vmem>>, vector<1x16xf32>,
      %parallel_loop3A_209 = vector.shape_cast %parallel_loop3A_208 : vector<1x16xf32> to vector<16xf32>
      %parallel_loop3A_210 = vector.shape_cast %parallel_loop3A_205 : vector<16xf32> to vector<1x16xf32>
      tpu.vector_store %arg8[%parallel_loop3A_206, %parallel_loop3A_207], %parallel_loop3A_210 {strides = array<i32>} : memref<200x128xf32, #tpu.memory_space<vmem>>, vector<1x16xf32>,
      %parallel_loop3A_211 = arith.index_cast %parallel_loop3A_168 : i32 to index
      %parallel_loop3A_212 = arith.constant 48 : index
      %parallel_loop3A_213 = tpu.vector_load %arg6[%parallel_loop3A_211, %parallel_loop3A_212] {strides = array<i32>} : memref<200x128xf32, #tpu.memory_space<vmem>>, vector<1x16xf32>,
      %parallel_loop3A_214 = vector.shape_cast %parallel_loop3A_213 : vector<1x16xf32> to vector<16xf32>
      %parallel_loop3A_215 = arith.index_cast %parallel_loop3A_168 : i32 to index
      %parallel_loop3A_216 = arith.constant 48 : index
      %parallel_loop3A_217 = tpu.vector_load %arg5[%parallel_loop3A_215, %parallel_loop3A_216] {strides = array<i32>} : memref<200x128xf32, #tpu.memory_space<vmem>>, vector<1x16xf32>,
      %parallel_loop3A_218 = vector.shape_cast %parallel_loop3A_217 : vector<1x16xf32> to vector<16xf32>
      %parallel_loop3A_219 = arith.addf %parallel_loop3A_214, %parallel_loop3A_218 : vector<16xf32>
      %parallel_loop3A_220 = arith.index_cast %parallel_loop3A_168 : i32 to index
      %parallel_loop3A_221 = arith.constant 48 : index
      %parallel_loop3A_222 = tpu.vector_load %arg8[%parallel_loop3A_220, %parallel_loop3A_221] {strides = array<i32>} : memref<200x128xf32, #tpu.memory_space<vmem>>, vector<1x16xf32>,
      %parallel_loop3A_223 = vector.shape_cast %parallel_loop3A_222 : vector<1x16xf32> to vector<16xf32>
      %parallel_loop3A_224 = vector.shape_cast %parallel_loop3A_219 : vector<16xf32> to vector<1x16xf32>
      tpu.vector_store %arg8[%parallel_loop3A_220, %parallel_loop3A_221], %parallel_loop3A_224 {strides = array<i32>} : memref<200x128xf32, #tpu.memory_space<vmem>>, vector<1x16xf32>,
      %parallel_loop3A_225 = arith.index_cast %parallel_loop3A_168 : i32 to index
      %parallel_loop3A_226 = arith.constant 64 : index
      %parallel_loop3A_227 = tpu.vector_load %arg6[%parallel_loop3A_225, %parallel_loop3A_226] {strides = array<i32>} : memref<200x128xf32, #tpu.memory_space<vmem>>, vector<1x16xf32>,
      %parallel_loop3A_228 = vector.shape_cast %parallel_loop3A_227 : vector<1x16xf32> to vector<16xf32>
      %parallel_loop3A_229 = arith.index_cast %parallel_loop3A_168 : i32 to index
      %parallel_loop3A_230 = arith.constant 64 : index
      %parallel_loop3A_231 = tpu.vector_load %arg5[%parallel_loop3A_229, %parallel_loop3A_230] {strides = array<i32>} : memref<200x128xf32, #tpu.memory_space<vmem>>, vector<1x16xf32>,
      %parallel_loop3A_232 = vector.shape_cast %parallel_loop3A_231 : vector<1x16xf32> to vector<16xf32>
      %parallel_loop3A_233 = arith.addf %parallel_loop3A_228, %parallel_loop3A_232 : vector<16xf32>
      %parallel_loop3A_234 = arith.index_cast %parallel_loop3A_168 : i32 to index
      %parallel_loop3A_235 = arith.constant 64 : index
      %parallel_loop3A_236 = tpu.vector_load %arg8[%parallel_loop3A_234, %parallel_loop3A_235] {strides = array<i32>} : memref<200x128xf32, #tpu.memory_space<vmem>>, vector<1x16xf32>,
      %parallel_loop3A_237 = vector.shape_cast %parallel_loop3A_236 : vector<1x16xf32> to vector<16xf32>
      %parallel_loop3A_238 = vector.shape_cast %parallel_loop3A_233 : vector<16xf32> to vector<1x16xf32>
      tpu.vector_store %arg8[%parallel_loop3A_234, %parallel_loop3A_235], %parallel_loop3A_238 {strides = array<i32>} : memref<200x128xf32, #tpu.memory_space<vmem>>, vector<1x16xf32>,
      %parallel_loop3A_239 = arith.index_cast %parallel_loop3A_168 : i32 to index
      %parallel_loop3A_240 = arith.constant 80 : index
      %parallel_loop3A_241 = tpu.vector_load %arg6[%parallel_loop3A_239, %parallel_loop3A_240] {strides = array<i32>} : memref<200x128xf32, #tpu.memory_space<vmem>>, vector<1x16xf32>,
      %parallel_loop3A_242 = vector.shape_cast %parallel_loop3A_241 : vector<1x16xf32> to vector<16xf32>
      %parallel_loop3A_243 = arith.index_cast %parallel_loop3A_168 : i32 to index
      %parallel_loop3A_244 = arith.constant 80 : index
      %parallel_loop3A_245 = tpu.vector_load %arg5[%parallel_loop3A_243, %parallel_loop3A_244] {strides = array<i32>} : memref<200x128xf32, #tpu.memory_space<vmem>>, vector<1x16xf32>,
      %parallel_loop3A_246 = vector.shape_cast %parallel_loop3A_245 : vector<1x16xf32> to vector<16xf32>
      %parallel_loop3A_247 = arith.addf %parallel_loop3A_242, %parallel_loop3A_246 : vector<16xf32>
      %parallel_loop3A_248 = arith.index_cast %parallel_loop3A_168 : i32 to index
      %parallel_loop3A_249 = arith.constant 80 : index
      %parallel_loop3A_250 = tpu.vector_load %arg8[%parallel_loop3A_248, %parallel_loop3A_249] {strides = array<i32>} : memref<200x128xf32, #tpu.memory_space<vmem>>, vector<1x16xf32>,
      %parallel_loop3A_251 = vector.shape_cast %parallel_loop3A_250 : vector<1x16xf32> to vector<16xf32>
      %parallel_loop3A_252 = vector.shape_cast %parallel_loop3A_247 : vector<16xf32> to vector<1x16xf32>
      tpu.vector_store %arg8[%parallel_loop3A_248, %parallel_loop3A_249], %parallel_loop3A_252 {strides = array<i32>} : memref<200x128xf32, #tpu.memory_space<vmem>>, vector<1x16xf32>,
      %parallel_loop3A_253 = arith.index_cast %parallel_loop3A_168 : i32 to index
      %parallel_loop3A_254 = arith.constant 96 : index
      %parallel_loop3A_255 = tpu.vector_load %arg6[%parallel_loop3A_253, %parallel_loop3A_254] {strides = array<i32>} : memref<200x128xf32, #tpu.memory_space<vmem>>, vector<1x16xf32>,
      %parallel_loop3A_256 = vector.shape_cast %parallel_loop3A_255 : vector<1x16xf32> to vector<16xf32>
      %parallel_loop3A_257 = arith.index_cast %parallel_loop3A_168 : i32 to index
      %parallel_loop3A_258 = arith.constant 96 : index
      %parallel_loop3A_259 = tpu.vector_load %arg5[%parallel_loop3A_257, %parallel_loop3A_258] {strides = array<i32>} : memref<200x128xf32, #tpu.memory_space<vmem>>, vector<1x16xf32>,
      %parallel_loop3A_260 = vector.shape_cast %parallel_loop3A_259 : vector<1x16xf32> to vector<16xf32>
      %parallel_loop3A_261 = arith.addf %parallel_loop3A_256, %parallel_loop3A_260 : vector<16xf32>
      %parallel_loop3A_262 = arith.index_cast %parallel_loop3A_168 : i32 to index
      %parallel_loop3A_263 = arith.constant 96 : index
      %parallel_loop3A_264 = tpu.vector_load %arg8[%parallel_loop3A_262, %parallel_loop3A_263] {strides = array<i32>} : memref<200x128xf32, #tpu.memory_space<vmem>>, vector<1x16xf32>,
      %parallel_loop3A_265 = vector.shape_cast %parallel_loop3A_264 : vector<1x16xf32> to vector<16xf32>
      %parallel_loop3A_266 = vector.shape_cast %parallel_loop3A_261 : vector<16xf32> to vector<1x16xf32>
      tpu.vector_store %arg8[%parallel_loop3A_262, %parallel_loop3A_263], %parallel_loop3A_266 {strides = array<i32>} : memref<200x128xf32, #tpu.memory_space<vmem>>, vector<1x16xf32>,
      %parallel_loop3A_267 = arith.index_cast %parallel_loop3A_168 : i32 to index
      %parallel_loop3A_268 = arith.constant 112 : index
      %parallel_loop3A_269 = tpu.vector_load %arg6[%parallel_loop3A_267, %parallel_loop3A_268] {strides = array<i32>} : memref<200x128xf32, #tpu.memory_space<vmem>>, vector<1x16xf32>,
      %parallel_loop3A_270 = vector.shape_cast %parallel_loop3A_269 : vector<1x16xf32> to vector<16xf32>
      %parallel_loop3A_271 = arith.index_cast %parallel_loop3A_168 : i32 to index
      %parallel_loop3A_272 = arith.constant 112 : index
      %parallel_loop3A_273 = tpu.vector_load %arg5[%parallel_loop3A_271, %parallel_loop3A_272] {strides = array<i32>} : memref<200x128xf32, #tpu.memory_space<vmem>>, vector<1x16xf32>,
      %parallel_loop3A_274 = vector.shape_cast %parallel_loop3A_273 : vector<1x16xf32> to vector<16xf32>
      %parallel_loop3A_275 = arith.addf %parallel_loop3A_270, %parallel_loop3A_274 : vector<16xf32>
      %parallel_loop3A_276 = arith.index_cast %parallel_loop3A_168 : i32 to index
      %parallel_loop3A_277 = arith.constant 112 : index
      %parallel_loop3A_278 = tpu.vector_load %arg8[%parallel_loop3A_276, %parallel_loop3A_277] {strides = array<i32>} : memref<200x128xf32, #tpu.memory_space<vmem>>, vector<1x16xf32>,
      %parallel_loop3A_279 = vector.shape_cast %parallel_loop3A_278 : vector<1x16xf32> to vector<16xf32>
      %parallel_loop3A_280 = vector.shape_cast %parallel_loop3A_275 : vector<16xf32> to vector<1x16xf32>
      tpu.vector_store %arg8[%parallel_loop3A_276, %parallel_loop3A_277], %parallel_loop3A_280 {strides = array<i32>} : memref<200x128xf32, #tpu.memory_space<vmem>>, vector<1x16xf32>,
    } {sc.loop_unroll_factor = 4 : i64, sc.parallel_access}
    %dma_start3A_113 = arith.constant 0 : i32
    %dma_start3A_114 = arith.constant 0 : i32
    %dma_start3A_115 = tpu.memref_slice %arg4[%sub3A_93, %dma_start3A_113, %dma_start3A_114] : memref<4096x200x128xf32, #tpu.memory_space<hbm>> -> memref<1x200x128xf32, #tpu.memory_space<hbm>>
    %dma_start3A_116 = tpu.memref_squeeze %dma_start3A_115 : memref<1x200x128xf32, #tpu.memory_space<hbm>> -> memref<200x128xf32, #tpu.memory_space<hbm>>
    %dma_start3A_117 = arith.constant 0 : i32
    %dma_start3A_118 = arith.constant 0 : i32
    %dma_start3A_119 = tpu.memref_slice %arg4[%sub3A_93, %dma_start3A_117, %dma_start3A_118] : memref<4096x200x128xf32, #tpu.memory_space<hbm>> -> memref<1x200x128xf32, #tpu.memory_space<hbm>>
    %dma_start3A_120 = tpu.memref_squeeze %dma_start3A_119 : memref<1x200x128xf32, #tpu.memory_space<hbm>> -> memref<200x128xf32, #tpu.memory_space<hbm>>
    tpu.enqueue_dma source(%arg8 : memref<200x128xf32, #tpu.memory_space<vmem>>) target(%dma_start3A_120 : memref<200x128xf32, #tpu.memory_space<hbm>>) target_semaphore(%arg12 : memref<!tpu.dma_semaphore, #tpu.memory_space<semaphore_mem>>)
    %add3A_121 = arith.constant 128 : i32
    %add3A_122 = arith.addi %mul3A_2, %add3A_121 : i32
    %sub3A_123 = arith.constant 1 : i32
    %sub3A_124 = arith.subi %add3A_122, %sub3A_123 : i32
    %dma_wait3A_125 = arith.constant 0 : i32
    %dma_wait3A_126 = arith.constant 0 : i32
    %dma_wait3A_127 = tpu.memref_slice %arg2[%sub3A_124, %dma_wait3A_125, %dma_wait3A_126] : memref<4096x200x128xf32, #tpu.memory_space<hbm>> -> memref<1x200x128xf32, #tpu.memory_space<hbm>>
    %dma_wait3A_128 = tpu.memref_squeeze %dma_wait3A_127 : memref<1x200x128xf32, #tpu.memory_space<hbm>> -> memref<200x128xf32, #tpu.memory_space<hbm>>
    %dma_wait3A_129 = arith.constant 0 : i32
    %dma_wait3A_130 = arith.constant 0 : i32
    %dma_wait3A_131 = tpu.memref_slice %arg2[%sub3A_124, %dma_wait3A_129, %dma_wait3A_130] : memref<4096x200x128xf32, #tpu.memory_space<hbm>> -> memref<1x200x128xf32, #tpu.memory_space<hbm>>
    %dma_wait3A_132 = tpu.memref_squeeze %dma_wait3A_131 : memref<1x200x128xf32, #tpu.memory_space<hbm>> -> memref<200x128xf32, #tpu.memory_space<hbm>>
    tpu.wait_dma2 semaphore(%arg11 : memref<!tpu.dma_semaphore, #tpu.memory_space<semaphore_mem>>) src(%dma_wait3A_132 : memref<200x128xf32, #tpu.memory_space<hbm>>) dst(%arg7 : memref<200x128xf32, #tpu.memory_space<vmem>>)
    %dma_wait3A_133 = arith.constant 0 : i32
    %dma_wait3A_134 = arith.constant 0 : i32
    %dma_wait3A_135 = tpu.memref_slice %arg4[%sub3A_124, %dma_wait3A_133, %dma_wait3A_134] : memref<4096x200x128xf32, #tpu.memory_space<hbm>> -> memref<1x200x128xf32, #tpu.memory_space<hbm>>
    %dma_wait3A_136 = tpu.memref_squeeze %dma_wait3A_135 : memref<1x200x128xf32, #tpu.memory_space<hbm>> -> memref<200x128xf32, #tpu.memory_space<hbm>>
    %dma_wait3A_137 = arith.constant 0 : i32
    %dma_wait3A_138 = arith.constant 0 : i32
    %dma_wait3A_139 = tpu.memref_slice %arg4[%sub3A_124, %dma_wait3A_137, %dma_wait3A_138] : memref<4096x200x128xf32, #tpu.memory_space<hbm>> -> memref<1x200x128xf32, #tpu.memory_space<hbm>>
    %dma_wait3A_140 = tpu.memref_squeeze %dma_wait3A_139 : memref<1x200x128xf32, #tpu.memory_space<hbm>> -> memref<200x128xf32, #tpu.memory_space<hbm>>
    tpu.wait_dma2 semaphore(%arg13 : memref<!tpu.dma_semaphore, #tpu.memory_space<semaphore_mem>>) src(%arg9 : memref<200x128xf32, #tpu.memory_space<vmem>>) dst(%dma_wait3A_140 : memref<200x128xf32, #tpu.memory_space<hbm>>)
    %parallel_loop3A_141 = arith.constant 0 : i32
    %parallel_loop3A_142 = arith.constant 200 : i32
    %parallel_loop3A_143 = arith.constant 1 : i32
    scf.for %parallel_loop3A_168 = %parallel_loop3A_141 to %parallel_loop3A_142 step %parallel_loop3A_143  : i32 {
      %parallel_loop3A_169 = arith.index_cast %parallel_loop3A_168 : i32 to index
      %parallel_loop3A_170 = arith.constant 0 : index
      %parallel_loop3A_171 = tpu.vector_load %arg7[%parallel_loop3A_169, %parallel_loop3A_170] {strides = array<i32>} : memref<200x128xf32, #tpu.memory_space<vmem>>, vector<1x16xf32>,
      %parallel_loop3A_172 = vector.shape_cast %parallel_loop3A_171 : vector<1x16xf32> to vector<16xf32>
      %parallel_loop3A_173 = arith.index_cast %parallel_loop3A_168 : i32 to index
      %parallel_loop3A_174 = arith.constant 0 : index
      %parallel_loop3A_175 = tpu.vector_load %arg5[%parallel_loop3A_173, %parallel_loop3A_174] {strides = array<i32>} : memref<200x128xf32, #tpu.memory_space<vmem>>, vector<1x16xf32>,
      %parallel_loop3A_176 = vector.shape_cast %parallel_loop3A_175 : vector<1x16xf32> to vector<16xf32>
      %parallel_loop3A_177 = arith.addf %parallel_loop3A_172, %parallel_loop3A_176 : vector<16xf32>
      %parallel_loop3A_178 = arith.index_cast %parallel_loop3A_168 : i32 to index
      %parallel_loop3A_179 = arith.constant 0 : index
      %parallel_loop3A_180 = tpu.vector_load %arg9[%parallel_loop3A_178, %parallel_loop3A_179] {strides = array<i32>} : memref<200x128xf32, #tpu.memory_space<vmem>>, vector<1x16xf32>,
      %parallel_loop3A_181 = vector.shape_cast %parallel_loop3A_180 : vector<1x16xf32> to vector<16xf32>
      %parallel_loop3A_182 = vector.shape_cast %parallel_loop3A_177 : vector<16xf32> to vector<1x16xf32>
      tpu.vector_store %arg9[%parallel_loop3A_178, %parallel_loop3A_179], %parallel_loop3A_182 {strides = array<i32>} : memref<200x128xf32, #tpu.memory_space<vmem>>, vector<1x16xf32>,
      %parallel_loop3A_183 = arith.index_cast %parallel_loop3A_168 : i32 to index
      %parallel_loop3A_184 = arith.constant 16 : index
      %parallel_loop3A_185 = tpu.vector_load %arg7[%parallel_loop3A_183, %parallel_loop3A_184] {strides = array<i32>} : memref<200x128xf32, #tpu.memory_space<vmem>>, vector<1x16xf32>,
      %parallel_loop3A_186 = vector.shape_cast %parallel_loop3A_185 : vector<1x16xf32> to vector<16xf32>
      %parallel_loop3A_187 = arith.index_cast %parallel_loop3A_168 : i32 to index
      %parallel_loop3A_188 = arith.constant 16 : index
      %parallel_loop3A_189 = tpu.vector_load %arg5[%parallel_loop3A_187, %parallel_loop3A_188] {strides = array<i32>} : memref<200x128xf32, #tpu.memory_space<vmem>>, vector<1x16xf32>,
      %parallel_loop3A_190 = vector.shape_cast %parallel_loop3A_189 : vector<1x16xf32> to vector<16xf32>
      %parallel_loop3A_191 = arith.addf %parallel_loop3A_186, %parallel_loop3A_190 : vector<16xf32>
      %parallel_loop3A_192 = arith.index_cast %parallel_loop3A_168 : i32 to index
      %parallel_loop3A_193 = arith.constant 16 : index
      %parallel_loop3A_194 = tpu.vector_load %arg9[%parallel_loop3A_192, %parallel_loop3A_193] {strides = array<i32>} : memref<200x128xf32, #tpu.memory_space<vmem>>, vector<1x16xf32>,
      %parallel_loop3A_195 = vector.shape_cast %parallel_loop3A_194 : vector<1x16xf32> to vector<16xf32>
      %parallel_loop3A_196 = vector.shape_cast %parallel_loop3A_191 : vector<16xf32> to vector<1x16xf32>
      tpu.vector_store %arg9[%parallel_loop3A_192, %parallel_loop3A_193], %parallel_loop3A_196 {strides = array<i32>} : memref<200x128xf32, #tpu.memory_space<vmem>>, vector<1x16xf32>,
      %parallel_loop3A_197 = arith.index_cast %parallel_loop3A_168 : i32 to index
      %parallel_loop3A_198 = arith.constant 32 : index
      %parallel_loop3A_199 = tpu.vector_load %arg7[%parallel_loop3A_197, %parallel_loop3A_198] {strides = array<i32>} : memref<200x128xf32, #tpu.memory_space<vmem>>, vector<1x16xf32>,
      %parallel_loop3A_200 = vector.shape_cast %parallel_loop3A_199 : vector<1x16xf32> to vector<16xf32>
      %parallel_loop3A_201 = arith.index_cast %parallel_loop3A_168 : i32 to index
      %parallel_loop3A_202 = arith.constant 32 : index
      %parallel_loop3A_203 = tpu.vector_load %arg5[%parallel_loop3A_201, %parallel_loop3A_202] {strides = array<i32>} : memref<200x128xf32, #tpu.memory_space<vmem>>, vector<1x16xf32>,
      %parallel_loop3A_204 = vector.shape_cast %parallel_loop3A_203 : vector<1x16xf32> to vector<16xf32>
      %parallel_loop3A_205 = arith.addf %parallel_loop3A_200, %parallel_loop3A_204 : vector<16xf32>
      %parallel_loop3A_206 = arith.index_cast %parallel_loop3A_168 : i32 to index
      %parallel_loop3A_207 = arith.constant 32 : index
      %parallel_loop3A_208 = tpu.vector_load %arg9[%parallel_loop3A_206, %parallel_loop3A_207] {strides = array<i32>} : memref<200x128xf32, #tpu.memory_space<vmem>>, vector<1x16xf32>,
      %parallel_loop3A_209 = vector.shape_cast %parallel_loop3A_208 : vector<1x16xf32> to vector<16xf32>
      %parallel_loop3A_210 = vector.shape_cast %parallel_loop3A_205 : vector<16xf32> to vector<1x16xf32>
      tpu.vector_store %arg9[%parallel_loop3A_206, %parallel_loop3A_207], %parallel_loop3A_210 {strides = array<i32>} : memref<200x128xf32, #tpu.memory_space<vmem>>, vector<1x16xf32>,
      %parallel_loop3A_211 = arith.index_cast %parallel_loop3A_168 : i32 to index
      %parallel_loop3A_212 = arith.constant 48 : index
      %parallel_loop3A_213 = tpu.vector_load %arg7[%parallel_loop3A_211, %parallel_loop3A_212] {strides = array<i32>} : memref<200x128xf32, #tpu.memory_space<vmem>>, vector<1x16xf32>,
      %parallel_loop3A_214 = vector.shape_cast %parallel_loop3A_213 : vector<1x16xf32> to vector<16xf32>
      %parallel_loop3A_215 = arith.index_cast %parallel_loop3A_168 : i32 to index
      %parallel_loop3A_216 = arith.constant 48 : index
      %parallel_loop3A_217 = tpu.vector_load %arg5[%parallel_loop3A_215, %parallel_loop3A_216] {strides = array<i32>} : memref<200x128xf32, #tpu.memory_space<vmem>>, vector<1x16xf32>,
      %parallel_loop3A_218 = vector.shape_cast %parallel_loop3A_217 : vector<1x16xf32> to vector<16xf32>
      %parallel_loop3A_219 = arith.addf %parallel_loop3A_214, %parallel_loop3A_218 : vector<16xf32>
      %parallel_loop3A_220 = arith.index_cast %parallel_loop3A_168 : i32 to index
      %parallel_loop3A_221 = arith.constant 48 : index
      %parallel_loop3A_222 = tpu.vector_load %arg9[%parallel_loop3A_220, %parallel_loop3A_221] {strides = array<i32>} : memref<200x128xf32, #tpu.memory_space<vmem>>, vector<1x16xf32>,
      %parallel_loop3A_223 = vector.shape_cast %parallel_loop3A_222 : vector<1x16xf32> to vector<16xf32>
      %parallel_loop3A_224 = vector.shape_cast %parallel_loop3A_219 : vector<16xf32> to vector<1x16xf32>
      tpu.vector_store %arg9[%parallel_loop3A_220, %parallel_loop3A_221], %parallel_loop3A_224 {strides = array<i32>} : memref<200x128xf32, #tpu.memory_space<vmem>>, vector<1x16xf32>,
      %parallel_loop3A_225 = arith.index_cast %parallel_loop3A_168 : i32 to index
      %parallel_loop3A_226 = arith.constant 64 : index
      %parallel_loop3A_227 = tpu.vector_load %arg7[%parallel_loop3A_225, %parallel_loop3A_226] {strides = array<i32>} : memref<200x128xf32, #tpu.memory_space<vmem>>, vector<1x16xf32>,
      %parallel_loop3A_228 = vector.shape_cast %parallel_loop3A_227 : vector<1x16xf32> to vector<16xf32>
      %parallel_loop3A_229 = arith.index_cast %parallel_loop3A_168 : i32 to index
      %parallel_loop3A_230 = arith.constant 64 : index
      %parallel_loop3A_231 = tpu.vector_load %arg5[%parallel_loop3A_229, %parallel_loop3A_230] {strides = array<i32>} : memref<200x128xf32, #tpu.memory_space<vmem>>, vector<1x16xf32>,
      %parallel_loop3A_232 = vector.shape_cast %parallel_loop3A_231 : vector<1x16xf32> to vector<16xf32>
      %parallel_loop3A_233 = arith.addf %parallel_loop3A_228, %parallel_loop3A_232 : vector<16xf32>
      %parallel_loop3A_234 = arith.index_cast %parallel_loop3A_168 : i32 to index
      %parallel_loop3A_235 = arith.constant 64 : index
      %parallel_loop3A_236 = tpu.vector_load %arg9[%parallel_loop3A_234, %parallel_loop3A_235] {strides = array<i32>} : memref<200x128xf32, #tpu.memory_space<vmem>>, vector<1x16xf32>,
      %parallel_loop3A_237 = vector.shape_cast %parallel_loop3A_236 : vector<1x16xf32> to vector<16xf32>
      %parallel_loop3A_238 = vector.shape_cast %parallel_loop3A_233 : vector<16xf32> to vector<1x16xf32>
      tpu.vector_store %arg9[%parallel_loop3A_234, %parallel_loop3A_235], %parallel_loop3A_238 {strides = array<i32>} : memref<200x128xf32, #tpu.memory_space<vmem>>, vector<1x16xf32>,
      %parallel_loop3A_239 = arith.index_cast %parallel_loop3A_168 : i32 to index
      %parallel_loop3A_240 = arith.constant 80 : index
      %parallel_loop3A_241 = tpu.vector_load %arg7[%parallel_loop3A_239, %parallel_loop3A_240] {strides = array<i32>} : memref<200x128xf32, #tpu.memory_space<vmem>>, vector<1x16xf32>,
      %parallel_loop3A_242 = vector.shape_cast %parallel_loop3A_241 : vector<1x16xf32> to vector<16xf32>
      %parallel_loop3A_243 = arith.index_cast %parallel_loop3A_168 : i32 to index
      %parallel_loop3A_244 = arith.constant 80 : index
      %parallel_loop3A_245 = tpu.vector_load %arg5[%parallel_loop3A_243, %parallel_loop3A_244] {strides = array<i32>} : memref<200x128xf32, #tpu.memory_space<vmem>>, vector<1x16xf32>,
      %parallel_loop3A_246 = vector.shape_cast %parallel_loop3A_245 : vector<1x16xf32> to vector<16xf32>
      %parallel_loop3A_247 = arith.addf %parallel_loop3A_242, %parallel_loop3A_246 : vector<16xf32>
      %parallel_loop3A_248 = arith.index_cast %parallel_loop3A_168 : i32 to index
      %parallel_loop3A_249 = arith.constant 80 : index
      %parallel_loop3A_250 = tpu.vector_load %arg9[%parallel_loop3A_248, %parallel_loop3A_249] {strides = array<i32>} : memref<200x128xf32, #tpu.memory_space<vmem>>, vector<1x16xf32>,
      %parallel_loop3A_251 = vector.shape_cast %parallel_loop3A_250 : vector<1x16xf32> to vector<16xf32>
      %parallel_loop3A_252 = vector.shape_cast %parallel_loop3A_247 : vector<16xf32> to vector<1x16xf32>
      tpu.vector_store %arg9[%parallel_loop3A_248, %parallel_loop3A_249], %parallel_loop3A_252 {strides = array<i32>} : memref<200x128xf32, #tpu.memory_space<vmem>>, vector<1x16xf32>,
      %parallel_loop3A_253 = arith.index_cast %parallel_loop3A_168 : i32 to index
      %parallel_loop3A_254 = arith.constant 96 : index
      %parallel_loop3A_255 = tpu.vector_load %arg7[%parallel_loop3A_253, %parallel_loop3A_254] {strides = array<i32>} : memref<200x128xf32, #tpu.memory_space<vmem>>, vector<1x16xf32>,
      %parallel_loop3A_256 = vector.shape_cast %parallel_loop3A_255 : vector<1x16xf32> to vector<16xf32>
      %parallel_loop3A_257 = arith.index_cast %parallel_loop3A_168 : i32 to index
      %parallel_loop3A_258 = arith.constant 96 : index
      %parallel_loop3A_259 = tpu.vector_load %arg5[%parallel_loop3A_257, %parallel_loop3A_258] {strides = array<i32>} : memref<200x128xf32, #tpu.memory_space<vmem>>, vector<1x16xf32>,
      %parallel_loop3A_260 = vector.shape_cast %parallel_loop3A_259 : vector<1x16xf32> to vector<16xf32>
      %parallel_loop3A_261 = arith.addf %parallel_loop3A_256, %parallel_loop3A_260 : vector<16xf32>
      %parallel_loop3A_262 = arith.index_cast %parallel_loop3A_168 : i32 to index
      %parallel_loop3A_263 = arith.constant 96 : index
      %parallel_loop3A_264 = tpu.vector_load %arg9[%parallel_loop3A_262, %parallel_loop3A_263] {strides = array<i32>} : memref<200x128xf32, #tpu.memory_space<vmem>>, vector<1x16xf32>,
      %parallel_loop3A_265 = vector.shape_cast %parallel_loop3A_264 : vector<1x16xf32> to vector<16xf32>
      %parallel_loop3A_266 = vector.shape_cast %parallel_loop3A_261 : vector<16xf32> to vector<1x16xf32>
      tpu.vector_store %arg9[%parallel_loop3A_262, %parallel_loop3A_263], %parallel_loop3A_266 {strides = array<i32>} : memref<200x128xf32, #tpu.memory_space<vmem>>, vector<1x16xf32>,
      %parallel_loop3A_267 = arith.index_cast %parallel_loop3A_168 : i32 to index
      %parallel_loop3A_268 = arith.constant 112 : index
      %parallel_loop3A_269 = tpu.vector_load %arg7[%parallel_loop3A_267, %parallel_loop3A_268] {strides = array<i32>} : memref<200x128xf32, #tpu.memory_space<vmem>>, vector<1x16xf32>,
      %parallel_loop3A_270 = vector.shape_cast %parallel_loop3A_269 : vector<1x16xf32> to vector<16xf32>
      %parallel_loop3A_271 = arith.index_cast %parallel_loop3A_168 : i32 to index
      %parallel_loop3A_272 = arith.constant 112 : index
      %parallel_loop3A_273 = tpu.vector_load %arg5[%parallel_loop3A_271, %parallel_loop3A_272] {strides = array<i32>} : memref<200x128xf32, #tpu.memory_space<vmem>>, vector<1x16xf32>,
      %parallel_loop3A_274 = vector.shape_cast %parallel_loop3A_273 : vector<1x16xf32> to vector<16xf32>
      %parallel_loop3A_275 = arith.addf %parallel_loop3A_270, %parallel_loop3A_274 : vector<16xf32>
      %parallel_loop3A_276 = arith.index_cast %parallel_loop3A_168 : i32 to index
      %parallel_loop3A_277 = arith.constant 112 : index
      %parallel_loop3A_278 = tpu.vector_load %arg9[%parallel_loop3A_276, %parallel_loop3A_277] {strides = array<i32>} : memref<200x128xf32, #tpu.memory_space<vmem>>, vector<1x16xf32>,
      %parallel_loop3A_279 = vector.shape_cast %parallel_loop3A_278 : vector<1x16xf32> to vector<16xf32>
      %parallel_loop3A_280 = vector.shape_cast %parallel_loop3A_275 : vector<16xf32> to vector<1x16xf32>
      tpu.vector_store %arg9[%parallel_loop3A_276, %parallel_loop3A_277], %parallel_loop3A_280 {strides = array<i32>} : memref<200x128xf32, #tpu.memory_space<vmem>>, vector<1x16xf32>,
    } {sc.loop_unroll_factor = 4 : i64, sc.parallel_access}
    %dma_start3A_144 = arith.constant 0 : i32
    %dma_start3A_145 = arith.constant 0 : i32
    %dma_start3A_146 = tpu.memref_slice %arg4[%sub3A_124, %dma_start3A_144, %dma_start3A_145] : memref<4096x200x128xf32, #tpu.memory_space<hbm>> -> memref<1x200x128xf32, #tpu.memory_space<hbm>>
    %dma_start3A_147 = tpu.memref_squeeze %dma_start3A_146 : memref<1x200x128xf32, #tpu.memory_space<hbm>> -> memref<200x128xf32, #tpu.memory_space<hbm>>
    %dma_start3A_148 = arith.constant 0 : i32
    %dma_start3A_149 = arith.constant 0 : i32
    %dma_start3A_150 = tpu.memref_slice %arg4[%sub3A_124, %dma_start3A_148, %dma_start3A_149] : memref<4096x200x128xf32, #tpu.memory_space<hbm>> -> memref<1x200x128xf32, #tpu.memory_space<hbm>>
    %dma_start3A_151 = tpu.memref_squeeze %dma_start3A_150 : memref<1x200x128xf32, #tpu.memory_space<hbm>> -> memref<200x128xf32, #tpu.memory_space<hbm>>
    tpu.enqueue_dma source(%arg9 : memref<200x128xf32, #tpu.memory_space<vmem>>) target(%dma_start3A_151 : memref<200x128xf32, #tpu.memory_space<hbm>>) target_semaphore(%arg13 : memref<!tpu.dma_semaphore, #tpu.memory_space<semaphore_mem>>)
    %dma_wait3A_152 = arith.constant 0 : i32
    %dma_wait3A_153 = arith.constant 0 : i32
    %dma_wait3A_154 = tpu.memref_slice %arg4[%sub3A_93, %dma_wait3A_152, %dma_wait3A_153] : memref<4096x200x128xf32, #tpu.memory_space<hbm>> -> memref<1x200x128xf32, #tpu.memory_space<hbm>>
    %dma_wait3A_155 = tpu.memref_squeeze %dma_wait3A_154 : memref<1x200x128xf32, #tpu.memory_space<hbm>> -> memref<200x128xf32, #tpu.memory_space<hbm>>
    %dma_wait3A_156 = arith.constant 0 : i32
    %dma_wait3A_157 = arith.constant 0 : i32
    %dma_wait3A_158 = tpu.memref_slice %arg4[%sub3A_93, %dma_wait3A_156, %dma_wait3A_157] : memref<4096x200x128xf32, #tpu.memory_space<hbm>> -> memref<1x200x128xf32, #tpu.memory_space<hbm>>
    %dma_wait3A_159 = tpu.memref_squeeze %dma_wait3A_158 : memref<1x200x128xf32, #tpu.memory_space<hbm>> -> memref<200x128xf32, #tpu.memory_space<hbm>>
    tpu.wait_dma2 semaphore(%arg12 : memref<!tpu.dma_semaphore, #tpu.memory_space<semaphore_mem>>) src(%arg8 : memref<200x128xf32, #tpu.memory_space<vmem>>) dst(%dma_wait3A_159 : memref<200x128xf32, #tpu.memory_space<hbm>>)
    %dma_wait3A_160 = arith.constant 0 : i32
    %dma_wait3A_161 = arith.constant 0 : i32
    %dma_wait3A_162 = tpu.memref_slice %arg4[%sub3A_124, %dma_wait3A_160, %dma_wait3A_161] : memref<4096x200x128xf32, #tpu.memory_space<hbm>> -> memref<1x200x128xf32, #tpu.memory_space<hbm>>
    %dma_wait3A_163 = tpu.memref_squeeze %dma_wait3A_162 : memref<1x200x128xf32, #tpu.memory_space<hbm>> -> memref<200x128xf32, #tpu.memory_space<hbm>>
    %dma_wait3A_164 = arith.constant 0 : i32
    %dma_wait3A_165 = arith.constant 0 : i32
    %dma_wait3A_166 = tpu.memref_slice %arg4[%sub3A_124, %dma_wait3A_164, %dma_wait3A_165] : memref<4096x200x128xf32, #tpu.memory_space<hbm>> -> memref<1x200x128xf32, #tpu.memory_space<hbm>>
    %dma_wait3A_167 = tpu.memref_squeeze %dma_wait3A_166 : memref<1x200x128xf32, #tpu.memory_space<hbm>> -> memref<200x128xf32, #tpu.memory_space<hbm>>
    tpu.wait_dma2 semaphore(%arg13 : memref<!tpu.dma_semaphore, #tpu.memory_space<semaphore_mem>>) src(%arg9 : memref<200x128xf32, #tpu.memory_space<vmem>>) dst(%dma_wait3A_167 : memref<200x128xf32, #tpu.memory_space<hbm>>)
    return
  }
}

</mosaic_0001>

<sc_bundles>
// kernel: kernel.3.cloned.1.call-start
scs
__scs_entry_jumppad:
0x0: {  	(pc) =	sbr.rel $0x88, $3  }
0x1: {  	(tag) =	ssettag $0x0;
	lr =	simm.s32 $0x1  }
0x2: {  	[smem:$0x3F9F] =	sst lr;
	_ =	strace $0xD0000000  }
0x3: {  	_ = 	snop  }
0x4: {  	_ = 	snop  }
0x5: {  	_ = 	snop  }
0x6: {  	_ = 	snop  }
0x7: {  	_ = 	snop  }
__scs_overlays_trampoline_lowered:
0x8: {  	[smem:$0x3FAE] =	sst s0  }
0x9: {  	[smem:$0x3FAF] =	sst s1  }
0xa: {  	[smem:$0x3FB0] =	sst s2  }
0xb: {  	[smem:$0x3FB1] =	sst s3  }
0xc: {  	[smem:$0x3FB2] =	sst s4  }
0xd: {  	[smem:$0x3FB3] =	sst s5  }
0xe: {  	[smem:$0x3FB4] =	sst s6  }
0xf: {  	[smem:$0x3FB5] =	sst s7  }
0x10: {  	[smem:$0x3FB6] =	sst s8  }
0x11: {  	[smem:$0x3FB7] =	sst s9;
	s0 =	simm.s32 @!p0 $0x0  }
0x12: {  	s1 =	sld [smem:$0x3F9D];
	s0 =	simm.s32 @p0 $0x1  }
0x13: {  	[smem:$0x3FB8] =	sst s0;
	s0 =	simm.s32 @!p1 $0x0  }
0x14: {  	s2 =	sld [smem:$0x3F9C];
	s0 =	simm.s32 @p1 $0x1  }
0x15: {  	[smem:$0x3FB9] =	sst s0;
	s0 =	simm.s32 @!p2 $0x0  }
0x16: {  	s3 =	sld [smem:$0x3FDB];
	s0 =	simm.s32 @p2 $0x1  }
0x17: {  	s4 =	simm.s32 $0x1BF5;
	[smem:$0x3FBB] =	sst s0  }
0x18: {  	s0 =	sld [smem:$0x3F9E];
	_ =	swait.ge [sflag:s4], $0x0  }
0x19: {  	s7 =	sld [smem:$0x3F9F]  }
0x1a: {  	s8 =	sadd.s32 $0xFFFFE003, lr  }
0x1b: {  	s9 =	sadd.s32 $0xFFFFFEF7, lr;
	s5 =	simm.s32 $0xFFFFFFFF;
	p2 =	slt.u32 s8, $0xFFFFF086  }
0x1c: {  	p1 =	slt.u32 s9, $0xF7A;
	s5 =	simm.s32 @!p2 $0x0  }
0x1d: {  	s5 =	simm.s32 @p1 $0x1;
	p0 =	seq.s32 s7, s2  }
0x1e: {  	s7 =	smul.u32 @!p0 $0xF7A, s2;
	p2 =	seq.s32 @!p0 s5, $0x0  }
0x1f: {  	s9 =	smul.u32 $0xF7A, s1;
	s8 =	simm.s32 @!p0 $0x1BF5;
	p2 =	por !p2, p0  }
0x20: {  	[sflag:s8] =	ssyncset.s32 @!p0 $0xFFFFF086;
	s6 =	sadd.s32 @!p0 s3, s7;
	s7 =	simm.s32 @!p0 $0x108  }
0x21: {  	s3 =	sadd.s32 s3, s9;
	s6 =	sadd.s32 @!p0 $0x88, s6;
	s7 =	simm.s32 @p2 $0x1082  }
0x22: {  	[simem:s7], [sflag:s8] =	dma.local @!p0 [hbm:s6], $0xF7A  }
0x23: {  	s9 =	sor.u32 $0xD0000000, s2;
	s6 =	simm.s32 $0x108;
	_ =	swait.ge @!p0 [sflag:s8], $0x0  }
0x24: {  	s3 =	sadd.s32 $0x88, s3;
	s6 =	simm.s32 @!p1 $0x1082;
	[sflag:s4] =	ssyncset.s32 $0xFFFFF086  }
0x25: {  	[simem:s6], [sflag:s4] =	dma.local [hbm:s3], $0xF7A  }
0x26: {  	[smem:$0x3F9F] =	sst s1;
	(tag) =	ssettag s2;
	_ =	strace s9  }
0x27: {  	s1 =	sld [smem:$0x3FAF]  }
0x28: {  	s2 =	sld [smem:$0x3FB0]  }
0x29: {  	s4 =	sld [smem:$0x3FB2]  }
0x2a: {  	p0 =	seq.s32 s5, $0x0;
	s5 =	sld [smem:$0x3FB3]  }
0x2b: {  	s6 =	sld [smem:$0x3FB4]  }
0x2c: {  	s7 =	sld [smem:$0x3FB5]  }
0x2d: {  	s3 =	simm.s32 $0x108;
	s8 =	sld [smem:$0x3FB6]  }
0x2e: {  	s3 =	simm.s32 @!p0 $0x1082;
	s9 =	sld [smem:$0x3FB7]  }
0x2f: {  	lr =	sadd.s32 s0, s3;
	s0 =	sld [smem:$0x3FAE]  }
0x30: {  	s3 =	sld [smem:$0x3FB1]  }
0x31: {  	[smem:$0x3FBA] =	sst s10  }
0x32: {  	s10 =	sld [smem:$0x3FB8];
	_ =	sdelay $0x3  }
0x33: {  	p0 =	seq.s32 s10, $0x1;
	s10 =	sld [smem:$0x3FBA];
	_ =	sdelay $0x3  }
0x34: {  	[smem:$0x3FBA] =	sst s10  }
0x35: {  	s10 =	sld [smem:$0x3FB9];
	_ =	sdelay $0x3  }
0x36: {  	p1 =	seq.s32 s10, $0x1;
	s10 =	sld [smem:$0x3FBA];
	_ =	sdelay $0x3  }
0x37: {  	[smem:$0x3FBA] =	sst s10  }
0x38: {  	s10 =	sld [smem:$0x3FBB]  }
0x39: {  	_ = 	snop;
	(pc) =	sbr.ind lr, $3  }
0x3a: {  	_ = 	snop  }
0x3b: {  	_ = 	snop  }
0x3c: {  	p2 =	seq.s32 s10, $0x1;
	s10 =	sld [smem:$0x3FBA]  }
0x3d: {  	_ =	shalt  }
0x3e: {  	_ =	shalt  }
0x3f: {  	_ =	shalt  }
0x40: {  	_ =	shalt  }
0x41: {  	_ =	shalt  }
0x42: {  	_ =	shalt  }
0x43: {  	_ =	shalt  }
0x44: {  	_ =	shalt  }
0x45: {  	_ =	shalt  }
0x46: {  	_ =	shalt  }
0x47: {  	_ =	shalt  }
0x48: {  	_ =	shalt  }
0x49: {  	_ =	shalt  }
0x4a: {  	_ =	shalt  }
0x4b: {  	_ =	shalt  }
0x4c: {  	_ =	shalt  }
0x4d: {  	_ =	shalt  }
0x4e: {  	_ =	shalt  }
0x4f: {  	_ =	shalt  }
0x50: {  	_ =	shalt  }
0x51: {  	_ =	shalt  }
0x52: {  	_ =	shalt  }
0x53: {  	_ =	shalt  }
0x54: {  	_ =	shalt  }
0x55: {  	_ =	shalt  }
0x56: {  	_ =	shalt  }
0x57: {  	_ =	shalt  }
0x58: {  	_ =	shalt  }
0x59: {  	_ =	shalt  }
0x5a: {  	_ =	shalt  }
0x5b: {  	_ =	shalt  }
0x5c: {  	_ =	shalt  }
0x5d: {  	_ =	shalt  }
0x5e: {  	_ =	shalt  }
0x5f: {  	_ =	shalt  }
0x60: {  	_ =	shalt  }
0x61: {  	_ =	shalt  }
0x62: {  	_ =	shalt  }
0x63: {  	_ =	shalt  }
0x64: {  	_ =	shalt  }
0x65: {  	_ =	shalt  }
0x66: {  	_ =	shalt  }
0x67: {  	_ =	shalt  }
0x68: {  	_ =	shalt  }
0x69: {  	_ =	shalt  }
0x6a: {  	_ =	shalt  }
0x6b: {  	_ =	shalt  }
0x6c: {  	_ =	shalt  }
0x6d: {  	_ =	shalt  }
0x6e: {  	_ =	shalt  }
0x6f: {  	_ =	shalt  }
0x70: {  	_ =	shalt  }
0x71: {  	_ =	shalt  }
0x72: {  	_ =	shalt  }
0x73: {  	_ =	shalt  }
0x74: {  	_ =	shalt  }
0x75: {  	_ =	shalt  }
0x76: {  	_ =	shalt  }
0x77: {  	_ =	shalt  }
0x78: {  	_ =	shalt  }
0x79: {  	_ =	shalt  }
0x7a: {  	_ =	shalt  }
0x7b: {  	_ =	shalt  }
0x7c: {  	_ =	shalt  }
0x7d: {  	_ =	shalt  }
0x7e: {  	_ =	shalt  }
0x7f: {  	_ =	shalt  }
0x80: {  	_ =	shalt  }
0x81: {  	_ =	shalt  }
0x82: {  	_ =	shalt  }
0x83: {  	_ =	shalt  }
0x84: {  	_ =	shalt  }
0x85: {  	_ =	shalt  }
0x86: {  	_ =	shalt  }
0x87: {  	_ =	shalt  }
.Lfunc_end0:
.L_simem_size_0:
called_computation_lowered:
.L_overlay_start_0:
0x88: {  	s2 =	sld [smem:$0x3FD9]  }
0x89: {  	s3 =	sld [smem:$0x3FFE];
	_ =	sdelay $0x1  }
0x8a: {  	s1 =	srdreg.scid  }
0x8b: {  	s0 =	sand.u32 $0x1, s1  }
0x8c: {  	s18 =	sshll.u32 s0, $0xA;
	s2 =	sadd.s32 s3, s2  }
0x8d: {  	s2 =	sadd.s32 s2, s18  }
0x8e: {  	[smem:$0x3FC6] =	sst s2  }
0x8f: {  	_ = 	snop  }
0x90: {  	s2 =	sld [smem:$0x3FC9]  }
0x91: {  	s19 =	sld [smem:$0x3FC8]  }
0x92: {  	s4 =	sld [smem:$0x3FD0];
	(tm) =	ssettm $0x1  }
0x93: {  	s5 =	sld [smem:$0x3FFB];
	_ =	sdelay $0x3  }
0x94: {  	_ =	strace s5  }
0x95: {  	s5 =	sld [smem:$0x3FFC];
	_ =	sdelay $0x3  }
0x96: {  	_ =	strace s5  }
0x97: {  	s5 =	sld [smem:$0x3FFD];
	_ =	sdelay $0x3  }
0x98: {  	_ =	strace s5  }
0x99: {  	_ =	strace $0x8FFFFFFF  }
0x9a: {  	s20 =	sld [smem:$0x3FDB];
	_ =	sdelay $0x1  }
0x9b: {  	s6 =	simm.s32 $_scs_section_size  }
0x9c: {  	s7 =	simm.s32 $_size__tile_overlayer_lowered;
	s8 =	simm.s32 $_tile_overlayer_lowered  }
0x9d: {  	s23 =	simm.s32 $0x1BFF;
	s22 =	sshll.u32 s8, $0x1;
	s5 =	sadd.s32 s6, s20  }
0x9e: {  	s9 =	simm.s32 $0x0;
	s21 =	sshll.u32 s7, $0x1;
	s7 =	sadd.s32 s22, s5  }
0x9f: {  	[timem:s9], [sflag:s23] =	dma.local [hbm:s7], s21  }
0xa0: {  	_ =	swait.ge [sflag:s23], s21  }
0xa1: {  	s6 =	ssub.s32 $0x0, s21;
	[sflag:s23] =	ssyncset.done $0x0  }
0xa2: {  	[sflag:s23] =	ssyncadd.s32 s6;
	_ =	sdelay $0x1  }
0xa3: {  	s24 =	simm.s32 $0x1B8B  }
0xa4: {  	_ =	swait.ge [sflag:s24], $0x1  }
0xa5: {  	[sflag:s24] =	ssyncset.done $0x0  }
0xa6: {  	s25 =	simm.s32 $0x1B8E;
	[sflag:s24] =	ssyncadd.s32 $0xFFFFFFFF  }
0xa7: {  	s26 =	simm.s32 $execute0_lowered;
	[smem:$0x3FD2] =	sst s25  }
0xa8: {  	s6 =	sshll.u32 s26, $0x1;
	_ =	strace $0x80000046;
	[dreg:$0x1] =	wrdreg $0xFFFFFFFF  }
0xa9: {  	s28 =	simm.s32 $_size_execute0_lowered;
	s5 =	sadd.s32 s5, s6;
	[dreg:$0x0] =	wrdreg $0x0  }
0xaa: {  	s6 =	sshll.u32 s28, $0x1;
	[dreg:$0x2] =	wrdreg s5  }
0xab: {  	[dreg:$0x3] =	wrdreg s6  }
0xac: {  	[dreg:$0x4] =	wrdreg $0xC0  }
0xad: {  	_ =	task [dreg:s9], $0x5FFFF  }
0xae: {  	[dreg:$0x1] =	wrdreg $0xFFFFFFFF  }
0xaf: {  	[dreg:$0x0] =	wrdreg $0x60  }
0xb0: {  	[dreg:$0x2] =	wrdreg s2  }
0xb1: {  	[dreg:$0x3] =	wrdreg s19  }
0xb2: {  	[dreg:$0x4] =	wrdreg s4  }
0xb3: {  	[dreg:$0x5] =	wrdreg $0x9  }
0xb4: {  	_ =	task.clear_ibuf [dreg:s9], $0x6FFFF;
	_ =	strace $0x90000046  }
0xb5: {  	s29 =	simm.s32 $0x9;
	_ =	strace $0x80000048  }
0xb6: {  	_ =	swait.ge [sflag:s29], $0x1  }
0xb7: {  	[sflag:s29] =	ssyncadd.s32 $0xFFFFFFFF  }
0xb8: {  	_ =	strace $0x90000048  }
0xb9: {  	_ =	sfence  }
0xba: {  	s30 =	sld [smem:$0x0];
	_ =	sdelay $0x2  }
0xbb: {  	s31 =	sshll.u32 s1, $0xD;
	s1 =	sshrl.u32 s1, $0x2  }
0xbc: {  	s3 =	sand.u32 $0x4000, s31;
	s1 =	sadd.s32 s1, s30  }
0xbd: {  	s0 =	sor.u32 s3, s0;
	s1 =	sshll.u32 s1, $0x11  }
0xbe: {  	s0 =	sor.u32 s1, s0  }
0xbf: {  	s0 =	sadd.s32 $0x8F2B, s0  }
0xc0: {  	[sflag:s0] =	ssyncadd.remote.s32 $0x1  }
0xc1: {  	_ =	sfence.sel $0xFFFF  }
0xc2: {  	[dreg:$0x0] =	wrdreg $0xFFFFFFFF;
	(pc) =	sbr.abs _section_cstart, $3  }
0xc3: {  	[dreg:$0x1] =	wrdreg $0xFFFFFFFF  }
0xc4: {  	_ =	task.clear_ibuf [dreg:s9], $0x2FFFF;
	_ =	strace $0x9FFFFFFF  }
0xc5: {  	(tm) =	ssettm $0x7FFFFFFF  }
tec
execute0_lowered:
.L_overlay_start_1:
0x0: {  	(tag) =	ssettag $0x1  }
0x1: {  	s1 =	rddreg [dreg:$0x0]  }
0x2: {  	s4 =	rddreg [dreg:$0x2];
	s0 =	srdreg.scid  }
0x3: {  	s2 =	stileid.u32;
	s5 =	simm.s32 $0x0;
	s16 =	simm.s32 $0x5  }
0x4: {  	s17 =	simm.s32 $0x6400;
	s18 =	simm.s32 $0xC800;
	s19 =	simm.s32 $0x1  }
0x5: {  	s20 =	simm.s32 $0x12C00;
	s21 =	simm.s32 $0x2;
	s22 =	simm.s32 $0x19000  }
0x6: {  	s23 =	simm.s32 $0x3;
	s24 =	simm.s32 $0x4;
	s0 =	sand.u32 $0x1, s0  }
0x7: {  	s25 =	simm.s32 $0x0;
	s2 =	sshll.u32 s2, $0x8;
	s3 =	sshll.u32 s0, $0x7  }
0x8: {  	[smem:$0x7FF] =	sst s5;
	s0 =	ssub.s32 $0x2, s0;
	s2 =	sor.u32 s3, s2  }
0x9: {  	_ =	strace $0x80000047;
	s7 =	sshrl.u32 s0, $0x1;
	s3 =	smul.u32 $0xC80, s2  }
0xa: {  	s6 =	sor.u32 $0x2, s2;
	s2 =	smul.u32 $0x6400, s2;
	s0 =	ssub.s32 s0, s7  }
0xb: {  	s9 =	smul.u32 $0xC80, s6;
	s15 =	smax.u32 s0, $0x1;
	s8 =	sor.u32 $0xC80, s3  }
0xc: {  	s7 =	sadd.s32 s1, s3;
	s2 =	sshrl.u32 s2, $0x3;
	s3 =	sadd.s32 s4, s3  }
0xd: {  	s10 =	sadd.s32 s1, s8;
	[dreg:$0x5] =	wrdreg s3;
	s2 =	sadd.s32 s4, s2  }
0xe: {  	s11 =	sadd.s32 s4, s8;
	s12 =	sadd.s32 $0x2580, s7;
	[dreg:$0x4] =	wrdreg s10  }
0xf: {  	s10 =	sadd.s32 s1, s9;
	s13 =	sadd.s32 $0x62700, s2;
	s14 =	sadd.s32 $0x63380, s2  }
.LBB2_1:
0x10: {  	s0 =	rddreg [dreg:$0x1]  }
0x11: {  	[tilespmem:s5], [sflag:$0x5] =	stream.linear.gather [hbm4b:s0+s5], $0x6400, $0x38;
	[tilespmem:$0x1F400] =	vst v63  }
0x12: {  	_ =	swait.ge [sflag:s16], $0x6400  }
0x13: {  	[sflag:s16] =	ssyncset.done $0x0  }
0x14: {  	[sflag:s16] =	ssyncadd.s32 $0xFFFF9C00  }
0x15: {  	[tilespmem:s17], [sflag:$0x1] =	stream.linear.gather [hbm4b:s7+s5], $0x6400, $0x38;
	[tilespmem:$0x1F400] =	vst v63  }
0x16: {  	s31 =	rddreg [dreg:$0x4]  }
0x17: {  	[tilespmem:s18], [sflag:$0x2] =	stream.linear.gather [hbm4b:s31+s5], $0x6400, $0x38;
	[tilespmem:$0x1F400] =	vst v63  }
0x18: {  	_ =	swait.ge [sflag:s19], $0x6400  }
0x19: {  	[sflag:s19] =	ssyncset.done $0x0  }
0x1a: {  	s26 =	simm.s32 $0x6500;
	[sflag:s19] =	ssyncadd.s32 $0xFFFF9C00  }
0x1b: {  	s28 =	simm.s32 $0x100;
	v0 =	vld [tilespmem:s26+$0x80]  }
0x1c: {  	v1 =	vld [tilespmem:s28+$0x80];
	_ =	sdelay $0x2  }
0x1d: {  	v2 =	vld [tilespmem:s26+$0xFFFFFF80]  }
0x1e: {  	v3 =	vld [tilespmem:s28+$0xFFFFFF80]  }
0x1f: {  	v4 =	vld [tilespmem:s28+$0xFFFFFF00];
	v0 =	vadd.f32 v1, v0  }
0x20: {  	s29 =	simm.s32 $0x12D00;
	v1 =	vld [tilespmem:s26+$0xFFFFFF00]  }
0x21: {  	[tilespmem:s29+$0x80] =	vst v0  }
0x22: {  	v0 =	vld [tilespmem:s26+$0x90]  }
0x23: {  	v2 =	vadd.f32 v3, v2;
	v3 =	vld [tilespmem:s28+$0x90]  }
0x24: {  	v5 =	vld [tilespmem:s26+$0x0]  }
0x25: {  	v6 =	vld [tilespmem:s28+$0x0];
	[tilespmem:s29+$0xFFFFFF80] =	vst v2;
	v1 =	vadd.f32 v4, v1  }
0x26: {  	v2 =	vld [tilespmem:s26+$0xFFFFFF90]  }
0x27: {  	v4 =	vld [tilespmem:s28+$0xFFFFFF90];
	[tilespmem:s29+$0xFFFFFF00] =	vst v1  }
0x28: {  	v1 =	vld [tilespmem:s26+$0xFFFFFF10];
	v0 =	vadd.f32 v3, v0  }
0x29: {  	v3 =	vld [tilespmem:s28+$0xFFFFFF10]  }
0x2a: {  	v5 =	vadd.f32 v6, v5;
	[tilespmem:s29+$0x90] =	vst v0  }
0x2b: {  	v0 =	vld [tilespmem:s26+$0xA0]  }
0x2c: {  	[tilespmem:s29+$0x0] =	vst v5;
	v2 =	vadd.f32 v4, v2;
	v4 =	vld [tilespmem:s28+$0xA0]  }
0x2d: {  	v5 =	vld [tilespmem:s26+$0x10]  }
0x2e: {  	v6 =	vld [tilespmem:s28+$0x10];
	[tilespmem:s29+$0xFFFFFF90] =	vst v2;
	v1 =	vadd.f32 v3, v1  }
0x2f: {  	v2 =	vld [tilespmem:s26+$0xFFFFFFA0]  }
0x30: {  	v3 =	vld [tilespmem:s28+$0xFFFFFFA0];
	[tilespmem:s29+$0xFFFFFF10] =	vst v1  }
0x31: {  	v1 =	vld [tilespmem:s26+$0xFFFFFF20];
	v0 =	vadd.f32 v4, v0  }
0x32: {  	v4 =	vld [tilespmem:s28+$0xFFFFFF20]  }
0x33: {  	v5 =	vadd.f32 v6, v5;
	[tilespmem:s29+$0xA0] =	vst v0  }
0x34: {  	v0 =	vld [tilespmem:s26+$0xB0]  }
0x35: {  	[tilespmem:s29+$0x10] =	vst v5;
	v2 =	vadd.f32 v3, v2;
	v3 =	vld [tilespmem:s28+$0xB0]  }
0x36: {  	v5 =	vld [tilespmem:s26+$0x20]  }
0x37: {  	[tilespmem:s29+$0xFFFFFFA0] =	vst v2;
	v2 =	vld [tilespmem:s28+$0x20];
	v1 =	vadd.f32 v4, v1  }
0x38: {  	v4 =	vld [tilespmem:s26+$0xFFFFFFB0]  }
0x39: {  	v6 =	vld [tilespmem:s28+$0xFFFFFFB0];
	[tilespmem:s29+$0xFFFFFF20] =	vst v1  }
0x3a: {  	v1 =	vld [tilespmem:s26+$0xFFFFFF30];
	v0 =	vadd.f32 v3, v0  }
0x3b: {  	v3 =	vld [tilespmem:s28+$0xFFFFFF30]  }
0x3c: {  	v2 =	vadd.f32 v2, v5;
	[tilespmem:s29+$0xB0] =	vst v0  }
0x3d: {  	v0 =	vld [tilespmem:s26+$0xC0]  }
0x3e: {  	v4 =	vadd.f32 v6, v4;
	[tilespmem:s29+$0x20] =	vst v2;
	v2 =	vld [tilespmem:s28+$0xC0]  }
0x3f: {  	v5 =	vld [tilespmem:s26+$0x30]  }
0x40: {  	[tilespmem:s29+$0xFFFFFFB0] =	vst v4;
	v1 =	vadd.f32 v3, v1;
	v3 =	vld [tilespmem:s28+$0x30]  }
0x41: {  	v4 =	vld [tilespmem:s26+$0xFFFFFFC0]  }
0x42: {  	[tilespmem:s29+$0xFFFFFF30] =	vst v1;
	v1 =	vld [tilespmem:s28+$0xFFFFFFC0]  }
0x43: {  	v6 =	vld [tilespmem:s26+$0xFFFFFF40];
	v0 =	vadd.f32 v2, v0  }
0x44: {  	v2 =	vld [tilespmem:s28+$0xFFFFFF40]  }
0x45: {  	v3 =	vadd.f32 v3, v5;
	[tilespmem:s29+$0xC0] =	vst v0  }
0x46: {  	v0 =	vld [tilespmem:s26+$0xD0]  }
0x47: {  	v1 =	vadd.f32 v1, v4;
	[tilespmem:s29+$0x30] =	vst v3;
	v3 =	vld [tilespmem:s28+$0xD0]  }
0x48: {  	v4 =	vld [tilespmem:s26+$0x40]  }
0x49: {  	v2 =	vadd.f32 v2, v6;
	[tilespmem:s29+$0xFFFFFFC0] =	vst v1;
	v1 =	vld [tilespmem:s28+$0x40]  }
0x4a: {  	v5 =	vld [tilespmem:s26+$0xFFFFFFD0]  }
0x4b: {  	[tilespmem:s29+$0xFFFFFF40] =	vst v2;
	v2 =	vld [tilespmem:s28+$0xFFFFFFD0]  }
0x4c: {  	v6 =	vld [tilespmem:s26+$0xFFFFFF50];
	v0 =	vadd.f32 v3, v0  }
0x4d: {  	v3 =	vld [tilespmem:s28+$0xFFFFFF50]  }
0x4e: {  	v1 =	vadd.f32 v1, v4;
	[tilespmem:s29+$0xD0] =	vst v0  }
0x4f: {  	v7 =	vld [tilespmem:s26+$0xE0]  }
0x50: {  	v0 =	vadd.f32 v2, v5;
	v5 =	vld [tilespmem:s28+$0xE0];
	[tilespmem:s29+$0x40] =	vst v1  }
0x51: {  	v1 =	vld [tilespmem:s26+$0x50]  }
0x52: {  	v2 =	vadd.f32 v3, v6;
	[tilespmem:s29+$0xFFFFFFD0] =	vst v0;
	v4 =	vld [tilespmem:s28+$0x50]  }
0x53: {  	v0 =	vld [tilespmem:s26+$0xFFFFFFE0]  }
0x54: {  	v3 =	vld [tilespmem:s28+$0xFFFFFFE0];
	[tilespmem:s29+$0xFFFFFF50] =	vst v2  }
0x55: {  	s2 =	simm.s32 $0x0;
	v2 =	vld [tilespmem:s26+$0xFFFFFF60];
	v6 =	vadd.f32 v5, v7  }
0x56: {  	s3 =	simm.s32 $0x6700;
	s8 =	simm.s32 $0x100;
	s0 =	simm.s32 $0x12D00;
	v5 =	vld [tilespmem:s28+$0xFFFFFF60]  }
.LBB2_2:
0x57: {  	v7 =	vld [tilespmem:s3+$0x80];
	v1 =	vadd.f32 v4, v1;
	[tilespmem:s29+$0xE0] =	vst v6  }
0x58: {  	v4 =	vld [tilespmem:s26+$0xF0]  }
0x59: {  	s8 =	sadd.s32 $0x200, s8;
	v0 =	vadd.f32 v3, v0;
	[tilespmem:s29+$0x50] =	vst v1;
	v1 =	vld [tilespmem:s28+$0xF0]  }
0x5a: {  	v3 =	vld [tilespmem:s8+$0x80]  }
0x5b: {  	v6 =	vld [tilespmem:s8+$0xFFFFFF00];
	v2 =	vadd.f32 v5, v2;
	[tilespmem:s29+$0xFFFFFFE0] =	vst v0  }
0x5c: {  	v0 =	vld [tilespmem:s3+$0xFFFFFF80]  }
0x5d: {  	v5 =	vld [tilespmem:s8+$0xFFFFFF80];
	[tilespmem:s29+$0xFFFFFF60] =	vst v2  }
0x5e: {  	v2 =	vld [tilespmem:s3+$0x0];
	v1 =	vadd.f32 v1, v4  }
0x5f: {  	v4 =	vld [tilespmem:s8+$0x0];
	v3 =	vadd.f32 v3, v7  }
0x60: {  	s29 =	sadd.s32 $0x200, s29;
	v7 =	vld [tilespmem:s3+$0xFFFFFF00];
	[tilespmem:s0+$0xF0] =	vst v1  }
0x61: {  	s2 =	sadd.s32 $0x4, s2;
	[tilespmem:s29+$0x80] =	vst v3;
	v1 =	vld [tilespmem:s26+$0x60]  }
0x62: {  	p0 =	slt.u32 s2, $0xC4;
	v0 =	vadd.f32 v5, v0;
	v3 =	vld [tilespmem:s3+$0x90]  }
0x63: {  	v5 =	vld [tilespmem:s8+$0x90]  }
0x64: {  	[tilespmem:s29+$0xFFFFFF80] =	vst v0;
	v0 =	vadd.f32 v4, v2;
	v2 =	vld [tilespmem:s28+$0x60]  }
0x65: {  	v4 =	vadd.f32 v6, v7;
	v6 =	vld [tilespmem:s3+$0xFFFFFF90]  }
0x66: {  	v7 =	vld [tilespmem:s8+$0xFFFFFF90];
	[tilespmem:s29+$0x0] =	vst v0  }
0x67: {  	[tilespmem:s29+$0xFFFFFF00] =	vst v4;
	v0 =	vld [tilespmem:s3+$0x10]  }
0x68: {  	v4 =	vld [tilespmem:s3+$0xFFFFFF10];
	v3 =	vadd.f32 v5, v3  }
0x69: {  	v5 =	vld [tilespmem:s8+$0xFFFFFF10];
	v1 =	vadd.f32 v2, v1  }
0x6a: {  	v2 =	vld [tilespmem:s8+$0x10];
	[tilespmem:s29+$0x90] =	vst v3  }
0x6b: {  	v3 =	vadd.f32 v7, v6;
	v6 =	vld [tilespmem:s3+$0xA0];
	[tilespmem:s0+$0x60] =	vst v1  }
0x6c: {  	v1 =	vld [tilespmem:s8+$0xA0]  }
0x6d: {  	[tilespmem:s29+$0xFFFFFF90] =	vst v3;
	v3 =	vld [tilespmem:s26+$0xFFFFFF70]  }
0x6e: {  	v4 =	vadd.f32 v5, v4;
	v5 =	vld [tilespmem:s3+$0xFFFFFFA0]  }
0x6f: {  	v7 =	vld [tilespmem:s8+$0xFFFFFFA0];
	v0 =	vadd.f32 v2, v0  }
0x70: {  	[tilespmem:s29+$0xFFFFFF10] =	vst v4;
	v2 =	vld [tilespmem:s28+$0xFFFFFF70]  }
0x71: {  	v4 =	vld [tilespmem:s3+$0xFFFFFF20];
	[tilespmem:s29+$0x10] =	vst v0;
	v0 =	vadd.f32 v1, v6  }
0x72: {  	v1 =	vld [tilespmem:s8+$0xFFFFFF20]  }
0x73: {  	v6 =	vld [tilespmem:s3+$0x20];
	[tilespmem:s29+$0xA0] =	vst v0  }
0x74: {  	v0 =	vadd.f32 v7, v5;
	v5 =	vld [tilespmem:s3+$0xB0]  }
0x75: {  	v7 =	vld [tilespmem:s8+$0xB0];
	v2 =	vadd.f32 v2, v3  }
0x76: {  	[tilespmem:s29+$0xFFFFFFA0] =	vst v0;
	v0 =	vld [tilespmem:s8+$0x20]  }
0x77: {  	v1 =	vadd.f32 v1, v4;
	v3 =	vld [tilespmem:s3+$0xFFFFFFB0];
	[tilespmem:s0+$0xFFFFFF70] =	vst v2  }
0x78: {  	v2 =	vld [tilespmem:s8+$0xFFFFFFB0]  }
0x79: {  	[tilespmem:s29+$0xFFFFFF20] =	vst v1;
	v1 =	vld [tilespmem:s26+$0xFFFFFFF0]  }
0x7a: {  	v4 =	vld [tilespmem:s3+$0xFFFFFF30];
	v5 =	vadd.f32 v7, v5  }
0x7b: {  	v7 =	vld [tilespmem:s8+$0xFFFFFF30];
	v0 =	vadd.f32 v0, v6  }
0x7c: {  	[tilespmem:s29+$0xB0] =	vst v5;
	v5 =	vld [tilespmem:s28+$0xFFFFFFF0]  }
0x7d: {  	v2 =	vadd.f32 v2, v3;
	[tilespmem:s29+$0x20] =	vst v0;
	v0 =	vld [tilespmem:s3+$0xC0]  }
0x7e: {  	v3 =	vld [tilespmem:s8+$0xC0]  }
0x7f: {  	[tilespmem:s29+$0xFFFFFFB0] =	vst v2;
	v2 =	vld [tilespmem:s3+$0x30]  }
0x80: {  	v4 =	vadd.f32 v7, v4;
	v6 =	vld [tilespmem:s8+$0x30]  }
0x81: {  	v7 =	vld [tilespmem:s3+$0xFFFFFFC0];
	v1 =	vadd.f32 v5, v1  }
0x82: {  	[tilespmem:s29+$0xFFFFFF30] =	vst v4;
	v4 =	vld [tilespmem:s8+$0xFFFFFFC0]  }
0x83: {  	v5 =	vld [tilespmem:s3+$0xFFFFFF40];
	v0 =	vadd.f32 v3, v0;
	[tilespmem:s0+$0xFFFFFFF0] =	vst v1  }
0x84: {  	v1 =	vld [tilespmem:s8+$0xFFFFFF40]  }
0x85: {  	v2 =	vadd.f32 v6, v2;
	[tilespmem:s29+$0xC0] =	vst v0;
	v3 =	vld [tilespmem:s26+$0x70];
	s26 =	smov.u32 s3  }
0x86: {  	v0 =	vld [tilespmem:s3+$0xD0]  }
0x87: {  	v4 =	vadd.f32 v4, v7;
	[tilespmem:s29+$0x30] =	vst v2;
	v2 =	vld [tilespmem:s8+$0xD0]  }
0x88: {  	v6 =	vld [tilespmem:s3+$0x40]  }
0x89: {  	v1 =	vadd.f32 v1, v5;
	[tilespmem:s29+$0xFFFFFFC0] =	vst v4;
	v4 =	vld [tilespmem:s8+$0x40]  }
0x8a: {  	v5 =	vld [tilespmem:s3+$0xFFFFFFD0]  }
0x8b: {  	[tilespmem:s29+$0xFFFFFF40] =	vst v1;
	v1 =	vld [tilespmem:s8+$0xFFFFFFD0]  }
0x8c: {  	v7 =	vld [tilespmem:s3+$0xFFFFFF50];
	v0 =	vadd.f32 v2, v0  }
0x8d: {  	v2 =	vld [tilespmem:s8+$0xFFFFFF50]  }
0x8e: {  	v4 =	vadd.f32 v4, v6;
	[tilespmem:s29+$0xD0] =	vst v0;
	v6 =	vld [tilespmem:s28+$0x70];
	s28 =	smov.u32 s8  }
0x8f: {  	v8 =	vld [tilespmem:s3+$0xE0]  }
0x90: {  	v0 =	vadd.f32 v1, v5;
	[tilespmem:s29+$0x40] =	vst v4;
	v5 =	vld [tilespmem:s8+$0xE0]  }
0x91: {  	v1 =	vld [tilespmem:s3+$0x50]  }
.Ltmp0:
0x92: {  	v2 =	vadd.f32 v2, v7;
	[tilespmem:s29+$0xFFFFFFD0] =	vst v0;
	v4 =	vld [tilespmem:s8+$0x50];
	(pc) =	sbr.rel @p0 .LBB2_2-.Ltmp0, $4  }
0x93: {  	v0 =	vld [tilespmem:s3+$0xFFFFFFE0];
	v7 =	vadd.f32 v6, v3  }
0x94: {  	[tilespmem:s29+$0xFFFFFF50] =	vst v2;
	v3 =	vld [tilespmem:s8+$0xFFFFFFE0]  }
0x95: {  	v2 =	vld [tilespmem:s3+$0xFFFFFF60];
	v6 =	vadd.f32 v5, v8;
	[tilespmem:s0+$0x70] =	vst v7;
	s0 =	smov.u32 s29  }
0x96: {  	s3 =	sadd.s32 $0x200, s3;
	v5 =	vld [tilespmem:s8+$0xFFFFFF60]  }
0x97: {  	v1 =	vadd.f32 v4, v1;
	_ =	sdelay $0x1  }
0x98: {  	[tilespmem:s29+$0x50] =	vst v1  }
0x99: {  	v1 =	vld [tilespmem:s26+$0x60]  }
0x9a: {  	v4 =	vld [tilespmem:s28+$0x60]  }
0x9b: {  	[tilespmem:s29+$0xE0] =	vst v6;
	v2 =	vadd.f32 v5, v2  }
0x9c: {  	v0 =	vadd.f32 v3, v0;
	v3 =	vld [tilespmem:s28+$0xF0]  }
0x9d: {  	v5 =	vld [tilespmem:s26+$0xF0];
	[tilespmem:s29+$0xFFFFFF60] =	vst v2  }
0x9e: {  	v2 =	vld [tilespmem:s26+$0xFFFFFF70]  }
0x9f: {  	[tilespmem:s29+$0xFFFFFFE0] =	vst v0;
	v0 =	vadd.f32 v4, v1;
	v1 =	vld [tilespmem:s28+$0xFFFFFF70]  }
0xa0: {  	v4 =	vld [tilespmem:s26+$0xFFFFFFF0]  }
0xa1: {  	[tilespmem:s0+$0x60] =	vst v0;
	v0 =	vld [tilespmem:s28+$0xFFFFFFF0]  }
0xa2: {  	v6 =	vld [tilespmem:s26+$0x70]  }
0xa3: {  	v7 =	vld [tilespmem:s28+$0x70];
	_ =	sdelay $0x1  }
0xa4: {  	v3 =	vadd.f32 v3, v5  }
0xa5: {  	v1 =	vadd.f32 v1, v2  }
0xa6: {  	[tilespmem:s0+$0xF0] =	vst v3;
	v0 =	vadd.f32 v0, v4  }
0xa7: {  	[tilespmem:s0+$0xFFFFFF70] =	vst v1;
	v1 =	vadd.f32 v7, v6  }
0xa8: {  	[tilespmem:s0+$0xFFFFFFF0] =	vst v0  }
0xa9: {  	[tilespmem:s0+$0x70] =	vst v1  }
0xaa: {  	s0 =	rddreg [dreg:$0x5]  }
0xab: {  	[hbm4b:s0+s5] =	stream.linear.scatter [tilespmem:s20], [sflag:$0x3], $0x6400, $0x38;
	[tilespmem:$0x1F400] =	vst v63  }
0xac: {  	_ = 	snop  }
0xad: {  	[tilespmem:s17], [sflag:$0x1] =	stream.linear.gather [hbm4b:s10+s5], $0x6400, $0x38;
	[tilespmem:$0x1F400] =	vst v63  }
0xae: {  	_ =	swait.ge [sflag:s21], $0x6400  }
0xaf: {  	[sflag:s21] =	ssyncset.done $0x0  }
0xb0: {  	s26 =	simm.s32 $0xC900;
	[sflag:s21] =	ssyncadd.s32 $0xFFFF9C00  }
0xb1: {  	s28 =	simm.s32 $0x100;
	v0 =	vld [tilespmem:s26+$0x80]  }
0xb2: {  	v1 =	vld [tilespmem:s28+$0x80];
	_ =	sdelay $0x2  }
0xb3: {  	v2 =	vld [tilespmem:s26+$0xFFFFFF80]  }
0xb4: {  	v3 =	vld [tilespmem:s28+$0xFFFFFF80]  }
0xb5: {  	v4 =	vld [tilespmem:s28+$0xFFFFFF00];
	v0 =	vadd.f32 v1, v0  }
0xb6: {  	s29 =	simm.s32 $0x19100;
	v1 =	vld [tilespmem:s26+$0xFFFFFF00]  }
0xb7: {  	[tilespmem:s29+$0x80] =	vst v0  }
0xb8: {  	v0 =	vld [tilespmem:s26+$0x90]  }
0xb9: {  	v2 =	vadd.f32 v3, v2;
	v3 =	vld [tilespmem:s28+$0x90]  }
0xba: {  	v5 =	vld [tilespmem:s26+$0x0]  }
0xbb: {  	v6 =	vld [tilespmem:s28+$0x0];
	[tilespmem:s29+$0xFFFFFF80] =	vst v2;
	v1 =	vadd.f32 v4, v1  }
0xbc: {  	v2 =	vld [tilespmem:s26+$0xFFFFFF90]  }
0xbd: {  	v4 =	vld [tilespmem:s28+$0xFFFFFF90];
	[tilespmem:s29+$0xFFFFFF00] =	vst v1  }
0xbe: {  	v1 =	vld [tilespmem:s26+$0xFFFFFF10];
	v0 =	vadd.f32 v3, v0  }
0xbf: {  	v3 =	vld [tilespmem:s28+$0xFFFFFF10]  }
0xc0: {  	v5 =	vadd.f32 v6, v5;
	[tilespmem:s29+$0x90] =	vst v0  }
0xc1: {  	v0 =	vld [tilespmem:s26+$0xA0]  }
0xc2: {  	[tilespmem:s29+$0x0] =	vst v5;
	v2 =	vadd.f32 v4, v2;
	v4 =	vld [tilespmem:s28+$0xA0]  }
0xc3: {  	v5 =	vld [tilespmem:s26+$0x10]  }
0xc4: {  	v6 =	vld [tilespmem:s28+$0x10];
	[tilespmem:s29+$0xFFFFFF90] =	vst v2;
	v1 =	vadd.f32 v3, v1  }
0xc5: {  	v2 =	vld [tilespmem:s26+$0xFFFFFFA0]  }
0xc6: {  	v3 =	vld [tilespmem:s28+$0xFFFFFFA0];
	[tilespmem:s29+$0xFFFFFF10] =	vst v1  }
0xc7: {  	v1 =	vld [tilespmem:s26+$0xFFFFFF20];
	v0 =	vadd.f32 v4, v0  }
0xc8: {  	v4 =	vld [tilespmem:s28+$0xFFFFFF20]  }
0xc9: {  	v5 =	vadd.f32 v6, v5;
	[tilespmem:s29+$0xA0] =	vst v0  }
0xca: {  	v0 =	vld [tilespmem:s26+$0xB0]  }
0xcb: {  	[tilespmem:s29+$0x10] =	vst v5;
	v2 =	vadd.f32 v3, v2;
	v3 =	vld [tilespmem:s28+$0xB0]  }
0xcc: {  	v5 =	vld [tilespmem:s26+$0x20]  }
0xcd: {  	[tilespmem:s29+$0xFFFFFFA0] =	vst v2;
	v2 =	vld [tilespmem:s28+$0x20];
	v1 =	vadd.f32 v4, v1  }
0xce: {  	v4 =	vld [tilespmem:s26+$0xFFFFFFB0]  }
0xcf: {  	v6 =	vld [tilespmem:s28+$0xFFFFFFB0];
	[tilespmem:s29+$0xFFFFFF20] =	vst v1  }
0xd0: {  	v1 =	vld [tilespmem:s26+$0xFFFFFF30];
	v0 =	vadd.f32 v3, v0  }
0xd1: {  	v3 =	vld [tilespmem:s28+$0xFFFFFF30]  }
0xd2: {  	v2 =	vadd.f32 v2, v5;
	[tilespmem:s29+$0xB0] =	vst v0  }
0xd3: {  	v0 =	vld [tilespmem:s26+$0xC0]  }
0xd4: {  	v4 =	vadd.f32 v6, v4;
	[tilespmem:s29+$0x20] =	vst v2;
	v2 =	vld [tilespmem:s28+$0xC0]  }
0xd5: {  	v5 =	vld [tilespmem:s26+$0x30]  }
0xd6: {  	[tilespmem:s29+$0xFFFFFFB0] =	vst v4;
	v1 =	vadd.f32 v3, v1;
	v3 =	vld [tilespmem:s28+$0x30]  }
0xd7: {  	v4 =	vld [tilespmem:s26+$0xFFFFFFC0]  }
0xd8: {  	[tilespmem:s29+$0xFFFFFF30] =	vst v1;
	v1 =	vld [tilespmem:s28+$0xFFFFFFC0]  }
0xd9: {  	v6 =	vld [tilespmem:s26+$0xFFFFFF40];
	v0 =	vadd.f32 v2, v0  }
0xda: {  	v2 =	vld [tilespmem:s28+$0xFFFFFF40]  }
0xdb: {  	v3 =	vadd.f32 v3, v5;
	[tilespmem:s29+$0xC0] =	vst v0  }
0xdc: {  	v0 =	vld [tilespmem:s26+$0xD0]  }
0xdd: {  	v1 =	vadd.f32 v1, v4;
	[tilespmem:s29+$0x30] =	vst v3;
	v3 =	vld [tilespmem:s28+$0xD0]  }
0xde: {  	v4 =	vld [tilespmem:s26+$0x40]  }
0xdf: {  	v2 =	vadd.f32 v2, v6;
	[tilespmem:s29+$0xFFFFFFC0] =	vst v1;
	v1 =	vld [tilespmem:s28+$0x40]  }
0xe0: {  	v5 =	vld [tilespmem:s26+$0xFFFFFFD0]  }
0xe1: {  	[tilespmem:s29+$0xFFFFFF40] =	vst v2;
	v2 =	vld [tilespmem:s28+$0xFFFFFFD0]  }
0xe2: {  	v6 =	vld [tilespmem:s26+$0xFFFFFF50];
	v0 =	vadd.f32 v3, v0  }
0xe3: {  	v3 =	vld [tilespmem:s28+$0xFFFFFF50]  }
0xe4: {  	v1 =	vadd.f32 v1, v4;
	[tilespmem:s29+$0xD0] =	vst v0  }
0xe5: {  	v7 =	vld [tilespmem:s26+$0xE0]  }
0xe6: {  	v0 =	vadd.f32 v2, v5;
	v5 =	vld [tilespmem:s28+$0xE0];
	[tilespmem:s29+$0x40] =	vst v1  }
0xe7: {  	v1 =	vld [tilespmem:s26+$0x50]  }
0xe8: {  	v2 =	vadd.f32 v3, v6;
	[tilespmem:s29+$0xFFFFFFD0] =	vst v0;
	v4 =	vld [tilespmem:s28+$0x50]  }
0xe9: {  	v0 =	vld [tilespmem:s26+$0xFFFFFFE0]  }
0xea: {  	v3 =	vld [tilespmem:s28+$0xFFFFFFE0];
	[tilespmem:s29+$0xFFFFFF50] =	vst v2  }
0xeb: {  	s2 =	simm.s32 $0x0;
	v2 =	vld [tilespmem:s26+$0xFFFFFF60];
	v6 =	vadd.f32 v5, v7  }
0xec: {  	s3 =	simm.s32 $0xCB00;
	s8 =	simm.s32 $0x100;
	s0 =	simm.s32 $0x19100;
	v5 =	vld [tilespmem:s28+$0xFFFFFF60]  }
.LBB2_4:
0xed: {  	v7 =	vld [tilespmem:s3+$0x80];
	v1 =	vadd.f32 v4, v1;
	[tilespmem:s29+$0xE0] =	vst v6  }
0xee: {  	v4 =	vld [tilespmem:s26+$0xF0]  }
0xef: {  	s8 =	sadd.s32 $0x200, s8;
	v0 =	vadd.f32 v3, v0;
	[tilespmem:s29+$0x50] =	vst v1;
	v1 =	vld [tilespmem:s28+$0xF0]  }
0xf0: {  	v3 =	vld [tilespmem:s8+$0x80]  }
0xf1: {  	v6 =	vld [tilespmem:s8+$0xFFFFFF00];
	v2 =	vadd.f32 v5, v2;
	[tilespmem:s29+$0xFFFFFFE0] =	vst v0  }
0xf2: {  	v0 =	vld [tilespmem:s3+$0xFFFFFF80]  }
0xf3: {  	v5 =	vld [tilespmem:s8+$0xFFFFFF80];
	[tilespmem:s29+$0xFFFFFF60] =	vst v2  }
0xf4: {  	v2 =	vld [tilespmem:s3+$0x0];
	v1 =	vadd.f32 v1, v4  }
0xf5: {  	v4 =	vld [tilespmem:s8+$0x0];
	v3 =	vadd.f32 v3, v7  }
0xf6: {  	s29 =	sadd.s32 $0x200, s29;
	v7 =	vld [tilespmem:s3+$0xFFFFFF00];
	[tilespmem:s0+$0xF0] =	vst v1  }
0xf7: {  	s2 =	sadd.s32 $0x4, s2;
	[tilespmem:s29+$0x80] =	vst v3;
	v1 =	vld [tilespmem:s26+$0x60]  }
0xf8: {  	p0 =	slt.u32 s2, $0xC4;
	v0 =	vadd.f32 v5, v0;
	v3 =	vld [tilespmem:s3+$0x90]  }
0xf9: {  	v5 =	vld [tilespmem:s8+$0x90]  }
0xfa: {  	[tilespmem:s29+$0xFFFFFF80] =	vst v0;
	v0 =	vadd.f32 v4, v2;
	v2 =	vld [tilespmem:s28+$0x60]  }
0xfb: {  	v4 =	vadd.f32 v6, v7;
	v6 =	vld [tilespmem:s3+$0xFFFFFF90]  }
0xfc: {  	v7 =	vld [tilespmem:s8+$0xFFFFFF90];
	[tilespmem:s29+$0x0] =	vst v0  }
0xfd: {  	[tilespmem:s29+$0xFFFFFF00] =	vst v4;
	v0 =	vld [tilespmem:s3+$0x10]  }
0xfe: {  	v4 =	vld [tilespmem:s3+$0xFFFFFF10];
	v3 =	vadd.f32 v5, v3  }
0xff: {  	v5 =	vld [tilespmem:s8+$0xFFFFFF10];
	v1 =	vadd.f32 v2, v1  }
0x100: {  	v2 =	vld [tilespmem:s8+$0x10];
	[tilespmem:s29+$0x90] =	vst v3  }
0x101: {  	v3 =	vadd.f32 v7, v6;
	v6 =	vld [tilespmem:s3+$0xA0];
	[tilespmem:s0+$0x60] =	vst v1  }
0x102: {  	v1 =	vld [tilespmem:s8+$0xA0]  }
0x103: {  	[tilespmem:s29+$0xFFFFFF90] =	vst v3;
	v3 =	vld [tilespmem:s26+$0xFFFFFF70]  }
0x104: {  	v4 =	vadd.f32 v5, v4;
	v5 =	vld [tilespmem:s3+$0xFFFFFFA0]  }
0x105: {  	v7 =	vld [tilespmem:s8+$0xFFFFFFA0];
	v0 =	vadd.f32 v2, v0  }
0x106: {  	[tilespmem:s29+$0xFFFFFF10] =	vst v4;
	v2 =	vld [tilespmem:s28+$0xFFFFFF70]  }
0x107: {  	v4 =	vld [tilespmem:s3+$0xFFFFFF20];
	[tilespmem:s29+$0x10] =	vst v0;
	v0 =	vadd.f32 v1, v6  }
0x108: {  	v1 =	vld [tilespmem:s8+$0xFFFFFF20]  }
0x109: {  	v6 =	vld [tilespmem:s3+$0x20];
	[tilespmem:s29+$0xA0] =	vst v0  }
0x10a: {  	v0 =	vadd.f32 v7, v5;
	v5 =	vld [tilespmem:s3+$0xB0]  }
0x10b: {  	v7 =	vld [tilespmem:s8+$0xB0];
	v2 =	vadd.f32 v2, v3  }
0x10c: {  	[tilespmem:s29+$0xFFFFFFA0] =	vst v0;
	v0 =	vld [tilespmem:s8+$0x20]  }
0x10d: {  	v1 =	vadd.f32 v1, v4;
	v3 =	vld [tilespmem:s3+$0xFFFFFFB0];
	[tilespmem:s0+$0xFFFFFF70] =	vst v2  }
0x10e: {  	v2 =	vld [tilespmem:s8+$0xFFFFFFB0]  }
0x10f: {  	[tilespmem:s29+$0xFFFFFF20] =	vst v1;
	v1 =	vld [tilespmem:s26+$0xFFFFFFF0]  }
0x110: {  	v4 =	vld [tilespmem:s3+$0xFFFFFF30];
	v5 =	vadd.f32 v7, v5  }
0x111: {  	v7 =	vld [tilespmem:s8+$0xFFFFFF30];
	v0 =	vadd.f32 v0, v6  }
0x112: {  	[tilespmem:s29+$0xB0] =	vst v5;
	v5 =	vld [tilespmem:s28+$0xFFFFFFF0]  }
0x113: {  	v2 =	vadd.f32 v2, v3;
	[tilespmem:s29+$0x20] =	vst v0;
	v0 =	vld [tilespmem:s3+$0xC0]  }
0x114: {  	v3 =	vld [tilespmem:s8+$0xC0]  }
0x115: {  	[tilespmem:s29+$0xFFFFFFB0] =	vst v2;
	v2 =	vld [tilespmem:s3+$0x30]  }
0x116: {  	v4 =	vadd.f32 v7, v4;
	v6 =	vld [tilespmem:s8+$0x30]  }
0x117: {  	v7 =	vld [tilespmem:s3+$0xFFFFFFC0];
	v1 =	vadd.f32 v5, v1  }
0x118: {  	[tilespmem:s29+$0xFFFFFF30] =	vst v4;
	v4 =	vld [tilespmem:s8+$0xFFFFFFC0]  }
0x119: {  	v5 =	vld [tilespmem:s3+$0xFFFFFF40];
	v0 =	vadd.f32 v3, v0;
	[tilespmem:s0+$0xFFFFFFF0] =	vst v1  }
0x11a: {  	v1 =	vld [tilespmem:s8+$0xFFFFFF40]  }
0x11b: {  	v2 =	vadd.f32 v6, v2;
	[tilespmem:s29+$0xC0] =	vst v0;
	v3 =	vld [tilespmem:s26+$0x70];
	s26 =	smov.u32 s3  }
0x11c: {  	v0 =	vld [tilespmem:s3+$0xD0]  }
0x11d: {  	v4 =	vadd.f32 v4, v7;
	[tilespmem:s29+$0x30] =	vst v2;
	v2 =	vld [tilespmem:s8+$0xD0]  }
0x11e: {  	v6 =	vld [tilespmem:s3+$0x40]  }
0x11f: {  	v1 =	vadd.f32 v1, v5;
	[tilespmem:s29+$0xFFFFFFC0] =	vst v4;
	v4 =	vld [tilespmem:s8+$0x40]  }
0x120: {  	v5 =	vld [tilespmem:s3+$0xFFFFFFD0]  }
0x121: {  	[tilespmem:s29+$0xFFFFFF40] =	vst v1;
	v1 =	vld [tilespmem:s8+$0xFFFFFFD0]  }
0x122: {  	v7 =	vld [tilespmem:s3+$0xFFFFFF50];
	v0 =	vadd.f32 v2, v0  }
0x123: {  	v2 =	vld [tilespmem:s8+$0xFFFFFF50]  }
0x124: {  	v4 =	vadd.f32 v4, v6;
	[tilespmem:s29+$0xD0] =	vst v0;
	v6 =	vld [tilespmem:s28+$0x70];
	s28 =	smov.u32 s8  }
0x125: {  	v8 =	vld [tilespmem:s3+$0xE0]  }
0x126: {  	v0 =	vadd.f32 v1, v5;
	[tilespmem:s29+$0x40] =	vst v4;
	v5 =	vld [tilespmem:s8+$0xE0]  }
0x127: {  	v1 =	vld [tilespmem:s3+$0x50]  }
.Ltmp1:
0x128: {  	v2 =	vadd.f32 v2, v7;
	[tilespmem:s29+$0xFFFFFFD0] =	vst v0;
	v4 =	vld [tilespmem:s8+$0x50];
	(pc) =	sbr.rel @p0 .LBB2_4-.Ltmp1, $4  }
0x129: {  	v0 =	vld [tilespmem:s3+$0xFFFFFFE0];
	v7 =	vadd.f32 v6, v3  }
0x12a: {  	[tilespmem:s29+$0xFFFFFF50] =	vst v2;
	v3 =	vld [tilespmem:s8+$0xFFFFFFE0]  }
0x12b: {  	v2 =	vld [tilespmem:s3+$0xFFFFFF60];
	v6 =	vadd.f32 v5, v8;
	[tilespmem:s0+$0x70] =	vst v7;
	s0 =	smov.u32 s29  }
0x12c: {  	s3 =	sadd.s32 $0x200, s3;
	v5 =	vld [tilespmem:s8+$0xFFFFFF60]  }
0x12d: {  	v1 =	vadd.f32 v4, v1;
	_ =	sdelay $0x1  }
0x12e: {  	[tilespmem:s29+$0x50] =	vst v1  }
0x12f: {  	v1 =	vld [tilespmem:s26+$0x60]  }
0x130: {  	v55 =	vld [tilespmem:s28+$0x60]  }
0x131: {  	[tilespmem:s29+$0xE0] =	vst v6;
	v0 =	vadd.f32 v3, v0  }
0x132: {  	v56 =	vld [tilespmem:s26+$0xF0]  }
0x133: {  	v57 =	vld [tilespmem:s28+$0xF0];
	v2 =	vadd.f32 v5, v2;
	[tilespmem:s29+$0xFFFFFFE0] =	vst v0  }
0x134: {  	v60 =	vld [tilespmem:s26+$0xFFFFFFF0]  }
0x135: {  	v61 =	vld [tilespmem:s28+$0xFFFFFFF0];
	[tilespmem:s29+$0xFFFFFF60] =	vst v2;
	v58 =	vadd.f32 v55, v1  }
0x136: {  	v2 =	vld [tilespmem:s26+$0xFFFFFF70]  }
0x137: {  	v59 =	vld [tilespmem:s28+$0xFFFFFF70];
	[tilespmem:s0+$0x60] =	vst v58  }
0x138: {  	v62 =	vld [tilespmem:s26+$0x70]  }
0x139: {  	v7 =	vld [tilespmem:s28+$0x70];
	_ =	sdelay $0x1  }
0x13a: {  	v3 =	vadd.f32 v57, v56  }
0x13b: {  	v0 =	vadd.f32 v61, v60  }
0x13c: {  	[tilespmem:s0+$0xF0] =	vst v3;
	v1 =	vadd.f32 v59, v2  }
0x13d: {  	[tilespmem:s0+$0xFFFFFFF0] =	vst v0;
	v63 =	vadd.f32 v7, v62  }
0x13e: {  	[tilespmem:s0+$0xFFFFFF70] =	vst v1  }
0x13f: {  	s26 =	simm.s32 $0x0;
	[tilespmem:s0+$0x70] =	vst v63  }
0x140: {  	[hbm4b:s11+s26] =	stream.linear.scatter [tilespmem:s22], [sflag:$0x4], $0x6400, $0x38;
	[tilespmem:$0x1F400] =	vst v63  }
0x141: {  	_ = 	snop  }
0x142: {  	[tilespmem:s18], [sflag:$0x2] =	stream.linear.gather [hbm4b:s12+s26], $0x6400, $0x38;
	[tilespmem:$0x1F400] =	vst v63  }
.LBB2_6:
0x143: {  	_ =	swait.ge [sflag:s19], $0x6400  }
0x144: {  	[sflag:s19] =	ssyncset.done $0x0  }
0x145: {  	[sflag:s19] =	ssyncadd.s32 $0xFFFF9C00  }
0x146: {  	_ =	swait.ge [sflag:s23], $0x6400  }
0x147: {  	[sflag:s23] =	ssyncset.done $0x0  }
0x148: {  	s28 =	simm.s32 $0x6500;
	[sflag:s23] =	ssyncadd.s32 $0xFFFF9C00  }
0x149: {  	s29 =	simm.s32 $0x100;
	v0 =	vld [tilespmem:s28+$0x80]  }
0x14a: {  	v1 =	vld [tilespmem:s29+$0x80];
	_ =	sdelay $0x2  }
0x14b: {  	v2 =	vld [tilespmem:s28+$0xFFFFFF80]  }
0x14c: {  	v3 =	vld [tilespmem:s29+$0xFFFFFF80]  }
0x14d: {  	v4 =	vld [tilespmem:s29+$0xFFFFFF00];
	v0 =	vadd.f32 v1, v0  }
0x14e: {  	s30 =	simm.s32 $0x12D00;
	v1 =	vld [tilespmem:s28+$0xFFFFFF00]  }
0x14f: {  	[tilespmem:s30+$0x80] =	vst v0  }
0x150: {  	v0 =	vld [tilespmem:s28+$0x90]  }
0x151: {  	v2 =	vadd.f32 v3, v2;
	v3 =	vld [tilespmem:s29+$0x90]  }
0x152: {  	v5 =	vld [tilespmem:s28+$0x0]  }
0x153: {  	v6 =	vld [tilespmem:s29+$0x0];
	[tilespmem:s30+$0xFFFFFF80] =	vst v2;
	v1 =	vadd.f32 v4, v1  }
0x154: {  	v2 =	vld [tilespmem:s28+$0xFFFFFF90]  }
0x155: {  	v4 =	vld [tilespmem:s29+$0xFFFFFF90];
	[tilespmem:s30+$0xFFFFFF00] =	vst v1  }
0x156: {  	v1 =	vld [tilespmem:s28+$0xFFFFFF10];
	v0 =	vadd.f32 v3, v0  }
0x157: {  	v3 =	vld [tilespmem:s29+$0xFFFFFF10]  }
0x158: {  	v5 =	vadd.f32 v6, v5;
	[tilespmem:s30+$0x90] =	vst v0  }
0x159: {  	v0 =	vld [tilespmem:s28+$0xA0]  }
0x15a: {  	[tilespmem:s30+$0x0] =	vst v5;
	v2 =	vadd.f32 v4, v2;
	v4 =	vld [tilespmem:s29+$0xA0]  }
0x15b: {  	v5 =	vld [tilespmem:s28+$0x10]  }
0x15c: {  	v6 =	vld [tilespmem:s29+$0x10];
	[tilespmem:s30+$0xFFFFFF90] =	vst v2;
	v1 =	vadd.f32 v3, v1  }
0x15d: {  	v2 =	vld [tilespmem:s28+$0xFFFFFFA0]  }
0x15e: {  	v3 =	vld [tilespmem:s29+$0xFFFFFFA0];
	[tilespmem:s30+$0xFFFFFF10] =	vst v1  }
0x15f: {  	v1 =	vld [tilespmem:s28+$0xFFFFFF20];
	v0 =	vadd.f32 v4, v0  }
0x160: {  	v4 =	vld [tilespmem:s29+$0xFFFFFF20]  }
0x161: {  	v5 =	vadd.f32 v6, v5;
	[tilespmem:s30+$0xA0] =	vst v0  }
0x162: {  	v0 =	vld [tilespmem:s28+$0xB0]  }
0x163: {  	[tilespmem:s30+$0x10] =	vst v5;
	v2 =	vadd.f32 v3, v2;
	v3 =	vld [tilespmem:s29+$0xB0]  }
0x164: {  	v5 =	vld [tilespmem:s28+$0x20]  }
0x165: {  	[tilespmem:s30+$0xFFFFFFA0] =	vst v2;
	v2 =	vld [tilespmem:s29+$0x20];
	v1 =	vadd.f32 v4, v1  }
0x166: {  	v4 =	vld [tilespmem:s28+$0xFFFFFFB0]  }
0x167: {  	v6 =	vld [tilespmem:s29+$0xFFFFFFB0];
	[tilespmem:s30+$0xFFFFFF20] =	vst v1  }
0x168: {  	v1 =	vld [tilespmem:s28+$0xFFFFFF30];
	v0 =	vadd.f32 v3, v0  }
0x169: {  	v3 =	vld [tilespmem:s29+$0xFFFFFF30]  }
0x16a: {  	v2 =	vadd.f32 v2, v5;
	[tilespmem:s30+$0xB0] =	vst v0  }
0x16b: {  	v0 =	vld [tilespmem:s28+$0xC0]  }
0x16c: {  	v4 =	vadd.f32 v6, v4;
	[tilespmem:s30+$0x20] =	vst v2;
	v2 =	vld [tilespmem:s29+$0xC0]  }
0x16d: {  	v5 =	vld [tilespmem:s28+$0x30]  }
0x16e: {  	[tilespmem:s30+$0xFFFFFFB0] =	vst v4;
	v1 =	vadd.f32 v3, v1;
	v3 =	vld [tilespmem:s29+$0x30]  }
0x16f: {  	v4 =	vld [tilespmem:s28+$0xFFFFFFC0]  }
0x170: {  	[tilespmem:s30+$0xFFFFFF30] =	vst v1;
	v1 =	vld [tilespmem:s29+$0xFFFFFFC0]  }
0x171: {  	v6 =	vld [tilespmem:s28+$0xFFFFFF40];
	v0 =	vadd.f32 v2, v0  }
0x172: {  	v2 =	vld [tilespmem:s29+$0xFFFFFF40]  }
0x173: {  	v3 =	vadd.f32 v3, v5;
	[tilespmem:s30+$0xC0] =	vst v0  }
0x174: {  	v0 =	vld [tilespmem:s28+$0xD0]  }
0x175: {  	v1 =	vadd.f32 v1, v4;
	[tilespmem:s30+$0x30] =	vst v3;
	v3 =	vld [tilespmem:s29+$0xD0]  }
0x176: {  	v4 =	vld [tilespmem:s28+$0x40]  }
0x177: {  	v2 =	vadd.f32 v2, v6;
	[tilespmem:s30+$0xFFFFFFC0] =	vst v1;
	v1 =	vld [tilespmem:s29+$0x40]  }
0x178: {  	v5 =	vld [tilespmem:s28+$0xFFFFFFD0]  }
0x179: {  	[tilespmem:s30+$0xFFFFFF40] =	vst v2;
	v2 =	vld [tilespmem:s29+$0xFFFFFFD0]  }
0x17a: {  	v6 =	vld [tilespmem:s28+$0xFFFFFF50];
	v0 =	vadd.f32 v3, v0  }
0x17b: {  	v3 =	vld [tilespmem:s29+$0xFFFFFF50]  }
0x17c: {  	v1 =	vadd.f32 v1, v4;
	[tilespmem:s30+$0xD0] =	vst v0  }
0x17d: {  	v7 =	vld [tilespmem:s28+$0xE0]  }
0x17e: {  	v2 =	vadd.f32 v2, v5;
	v5 =	vld [tilespmem:s29+$0xE0];
	[tilespmem:s30+$0x40] =	vst v1  }
0x17f: {  	v0 =	vld [tilespmem:s28+$0x50]  }
0x180: {  	s0 =	sshll.u32 s26, $0x1;
	v3 =	vadd.f32 v3, v6;
	[tilespmem:s30+$0xFFFFFFD0] =	vst v2;
	v4 =	vld [tilespmem:s29+$0x50]  }
0x181: {  	s31 =	sadd.s32 s6, s0;
	v1 =	vld [tilespmem:s28+$0xFFFFFFE0]  }
0x182: {  	s0 =	smul.u32 $0xC80, s31;
	[tilespmem:s30+$0xFFFFFF50] =	vst v3;
	v3 =	vld [tilespmem:s29+$0xFFFFFFE0]  }
0x183: {  	s3 =	simm.s32 $0x0;
	s8 =	simm.s32 $0x6700;
	v2 =	vld [tilespmem:s28+$0xFFFFFF60];
	v6 =	vadd.f32 v5, v7  }
0x184: {  	s9 =	simm.s32 $0x100;
	s2 =	simm.s32 $0x12D00;
	s0 =	sadd.s32 s4, s0;
	v5 =	vld [tilespmem:s29+$0xFFFFFF60]  }
.LBB2_7:
0x185: {  	v7 =	vld [tilespmem:s8+$0x80];
	v0 =	vadd.f32 v4, v0;
	[tilespmem:s30+$0xE0] =	vst v6  }
0x186: {  	v4 =	vld [tilespmem:s28+$0xF0]  }
0x187: {  	s9 =	sadd.s32 $0x200, s9;
	v1 =	vadd.f32 v3, v1;
	[tilespmem:s30+$0x50] =	vst v0;
	v0 =	vld [tilespmem:s29+$0xF0]  }
0x188: {  	v3 =	vld [tilespmem:s9+$0x80]  }
0x189: {  	v6 =	vld [tilespmem:s9+$0xFFFFFF00];
	v2 =	vadd.f32 v5, v2;
	[tilespmem:s30+$0xFFFFFFE0] =	vst v1  }
0x18a: {  	v1 =	vld [tilespmem:s8+$0xFFFFFF80]  }
0x18b: {  	v5 =	vld [tilespmem:s9+$0xFFFFFF80];
	[tilespmem:s30+$0xFFFFFF60] =	vst v2  }
0x18c: {  	v2 =	vld [tilespmem:s8+$0x0];
	v0 =	vadd.f32 v0, v4  }
0x18d: {  	v4 =	vld [tilespmem:s9+$0x0];
	v3 =	vadd.f32 v3, v7  }
0x18e: {  	s30 =	sadd.s32 $0x200, s30;
	v7 =	vld [tilespmem:s8+$0xFFFFFF00];
	[tilespmem:s2+$0xF0] =	vst v0  }
0x18f: {  	s3 =	sadd.s32 $0x4, s3;
	[tilespmem:s30+$0x80] =	vst v3;
	v0 =	vld [tilespmem:s28+$0x60]  }
0x190: {  	p0 =	slt.u32 s3, $0xC4;
	v1 =	vadd.f32 v5, v1;
	v3 =	vld [tilespmem:s8+$0x90]  }
0x191: {  	v5 =	vld [tilespmem:s9+$0x90]  }
0x192: {  	[tilespmem:s30+$0xFFFFFF80] =	vst v1;
	v1 =	vadd.f32 v4, v2;
	v2 =	vld [tilespmem:s29+$0x60]  }
0x193: {  	v4 =	vadd.f32 v6, v7;
	v6 =	vld [tilespmem:s8+$0xFFFFFF90]  }
0x194: {  	v7 =	vld [tilespmem:s9+$0xFFFFFF90];
	[tilespmem:s30+$0x0] =	vst v1  }
0x195: {  	[tilespmem:s30+$0xFFFFFF00] =	vst v4;
	v1 =	vld [tilespmem:s8+$0x10]  }
0x196: {  	v4 =	vld [tilespmem:s8+$0xFFFFFF10];
	v3 =	vadd.f32 v5, v3  }
0x197: {  	v5 =	vld [tilespmem:s9+$0xFFFFFF10];
	v0 =	vadd.f32 v2, v0  }
0x198: {  	v2 =	vld [tilespmem:s9+$0x10];
	[tilespmem:s30+$0x90] =	vst v3  }
0x199: {  	v3 =	vadd.f32 v7, v6;
	v6 =	vld [tilespmem:s8+$0xA0];
	[tilespmem:s2+$0x60] =	vst v0  }
0x19a: {  	v0 =	vld [tilespmem:s9+$0xA0]  }
0x19b: {  	[tilespmem:s30+$0xFFFFFF90] =	vst v3;
	v3 =	vld [tilespmem:s28+$0xFFFFFF70]  }
0x19c: {  	v4 =	vadd.f32 v5, v4;
	v5 =	vld [tilespmem:s8+$0xFFFFFFA0]  }
0x19d: {  	v7 =	vld [tilespmem:s9+$0xFFFFFFA0];
	v1 =	vadd.f32 v2, v1  }
0x19e: {  	[tilespmem:s30+$0xFFFFFF10] =	vst v4;
	v2 =	vld [tilespmem:s29+$0xFFFFFF70]  }
0x19f: {  	v4 =	vld [tilespmem:s8+$0xFFFFFF20];
	[tilespmem:s30+$0x10] =	vst v1;
	v0 =	vadd.f32 v0, v6  }
0x1a0: {  	v1 =	vld [tilespmem:s9+$0xFFFFFF20]  }
0x1a1: {  	v6 =	vld [tilespmem:s8+$0x20];
	[tilespmem:s30+$0xA0] =	vst v0  }
0x1a2: {  	v0 =	vadd.f32 v7, v5;
	v5 =	vld [tilespmem:s8+$0xB0]  }
0x1a3: {  	v7 =	vld [tilespmem:s9+$0xB0];
	v2 =	vadd.f32 v2, v3  }
0x1a4: {  	[tilespmem:s30+$0xFFFFFFA0] =	vst v0;
	v0 =	vld [tilespmem:s9+$0x20]  }
0x1a5: {  	v1 =	vadd.f32 v1, v4;
	v3 =	vld [tilespmem:s8+$0xFFFFFFB0];
	[tilespmem:s2+$0xFFFFFF70] =	vst v2  }
0x1a6: {  	v2 =	vld [tilespmem:s9+$0xFFFFFFB0]  }
0x1a7: {  	[tilespmem:s30+$0xFFFFFF20] =	vst v1;
	v1 =	vld [tilespmem:s28+$0xFFFFFFF0]  }
0x1a8: {  	v4 =	vld [tilespmem:s8+$0xFFFFFF30];
	v5 =	vadd.f32 v7, v5  }
0x1a9: {  	v7 =	vld [tilespmem:s9+$0xFFFFFF30];
	v0 =	vadd.f32 v0, v6  }
0x1aa: {  	[tilespmem:s30+$0xB0] =	vst v5;
	v5 =	vld [tilespmem:s29+$0xFFFFFFF0]  }
0x1ab: {  	v2 =	vadd.f32 v2, v3;
	[tilespmem:s30+$0x20] =	vst v0;
	v0 =	vld [tilespmem:s8+$0xC0]  }
0x1ac: {  	v3 =	vld [tilespmem:s9+$0xC0]  }
0x1ad: {  	[tilespmem:s30+$0xFFFFFFB0] =	vst v2;
	v2 =	vld [tilespmem:s8+$0x30]  }
0x1ae: {  	v4 =	vadd.f32 v7, v4;
	v6 =	vld [tilespmem:s9+$0x30]  }
0x1af: {  	v7 =	vld [tilespmem:s8+$0xFFFFFFC0];
	v1 =	vadd.f32 v5, v1  }
0x1b0: {  	[tilespmem:s30+$0xFFFFFF30] =	vst v4;
	v4 =	vld [tilespmem:s9+$0xFFFFFFC0]  }
0x1b1: {  	v5 =	vld [tilespmem:s8+$0xFFFFFF40];
	v0 =	vadd.f32 v3, v0;
	[tilespmem:s2+$0xFFFFFFF0] =	vst v1  }
0x1b2: {  	v1 =	vld [tilespmem:s9+$0xFFFFFF40]  }
0x1b3: {  	v2 =	vadd.f32 v6, v2;
	[tilespmem:s30+$0xC0] =	vst v0;
	v3 =	vld [tilespmem:s28+$0x70];
	s28 =	smov.u32 s8  }
0x1b4: {  	v0 =	vld [tilespmem:s8+$0xD0]  }
0x1b5: {  	v4 =	vadd.f32 v4, v7;
	[tilespmem:s30+$0x30] =	vst v2;
	v2 =	vld [tilespmem:s9+$0xD0]  }
0x1b6: {  	v6 =	vld [tilespmem:s8+$0x40]  }
0x1b7: {  	v1 =	vadd.f32 v1, v5;
	[tilespmem:s30+$0xFFFFFFC0] =	vst v4;
	v4 =	vld [tilespmem:s9+$0x40]  }
0x1b8: {  	v5 =	vld [tilespmem:s8+$0xFFFFFFD0]  }
0x1b9: {  	[tilespmem:s30+$0xFFFFFF40] =	vst v1;
	v1 =	vld [tilespmem:s9+$0xFFFFFFD0]  }
0x1ba: {  	v7 =	vld [tilespmem:s8+$0xFFFFFF50];
	v0 =	vadd.f32 v2, v0  }
0x1bb: {  	v2 =	vld [tilespmem:s9+$0xFFFFFF50]  }
0x1bc: {  	v4 =	vadd.f32 v4, v6;
	[tilespmem:s30+$0xD0] =	vst v0;
	v6 =	vld [tilespmem:s29+$0x70];
	s29 =	smov.u32 s9  }
0x1bd: {  	v8 =	vld [tilespmem:s8+$0xE0]  }
0x1be: {  	v1 =	vadd.f32 v1, v5;
	[tilespmem:s30+$0x40] =	vst v4;
	v5 =	vld [tilespmem:s9+$0xE0]  }
0x1bf: {  	v0 =	vld [tilespmem:s8+$0x50]  }
.Ltmp2:
0x1c0: {  	v2 =	vadd.f32 v2, v7;
	[tilespmem:s30+$0xFFFFFFD0] =	vst v1;
	v4 =	vld [tilespmem:s9+$0x50];
	(pc) =	sbr.rel @p0 .LBB2_7-.Ltmp2, $4  }
0x1c1: {  	v1 =	vld [tilespmem:s8+$0xFFFFFFE0];
	v7 =	vadd.f32 v6, v3  }
0x1c2: {  	[tilespmem:s30+$0xFFFFFF50] =	vst v2;
	v3 =	vld [tilespmem:s9+$0xFFFFFFE0]  }
0x1c3: {  	v2 =	vld [tilespmem:s8+$0xFFFFFF60];
	v6 =	vadd.f32 v5, v8;
	[tilespmem:s2+$0x70] =	vst v7;
	s2 =	smov.u32 s30  }
0x1c4: {  	s8 =	sadd.s32 $0x200, s8;
	v5 =	vld [tilespmem:s9+$0xFFFFFF60]  }
0x1c5: {  	v0 =	vadd.f32 v4, v0;
	_ =	sdelay $0x1  }
0x1c6: {  	[tilespmem:s30+$0x50] =	vst v0  }
0x1c7: {  	v0 =	vld [tilespmem:s28+$0x60]  }
0x1c8: {  	v4 =	vld [tilespmem:s29+$0x60]  }
0x1c9: {  	[tilespmem:s30+$0xE0] =	vst v6;
	v2 =	vadd.f32 v5, v2  }
0x1ca: {  	v1 =	vadd.f32 v3, v1;
	v3 =	vld [tilespmem:s29+$0xF0]  }
0x1cb: {  	v5 =	vld [tilespmem:s28+$0xF0];
	[tilespmem:s30+$0xFFFFFF60] =	vst v2  }
0x1cc: {  	v2 =	vld [tilespmem:s28+$0xFFFFFF70]  }
0x1cd: {  	[tilespmem:s30+$0xFFFFFFE0] =	vst v1;
	v1 =	vld [tilespmem:s29+$0xFFFFFF70];
	v0 =	vadd.f32 v4, v0  }
0x1ce: {  	v4 =	vld [tilespmem:s28+$0xFFFFFFF0]  }
0x1cf: {  	[tilespmem:s2+$0x60] =	vst v0;
	v0 =	vld [tilespmem:s29+$0xFFFFFFF0]  }
0x1d0: {  	v6 =	vld [tilespmem:s28+$0x70]  }
0x1d1: {  	v7 =	vld [tilespmem:s29+$0x70];
	_ =	sdelay $0x1  }
0x1d2: {  	v3 =	vadd.f32 v3, v5  }
0x1d3: {  	v1 =	vadd.f32 v1, v2  }
0x1d4: {  	s3 =	smul.u32 $0x6400, s31;
	[tilespmem:s2+$0xF0] =	vst v3;
	v0 =	vadd.f32 v0, v4  }
0x1d5: {  	[tilespmem:s2+$0xFFFFFF70] =	vst v1;
	v1 =	vadd.f32 v7, v6  }
0x1d6: {  	s8 =	sshrl.u32 s3, $0x3;
	[tilespmem:s2+$0xFFFFFFF0] =	vst v0  }
0x1d7: {  	s28 =	sadd.s32 s1, s8;
	[tilespmem:s2+$0x70] =	vst v1  }
0x1d8: {  	[hbm4b:s0+s5] =	stream.linear.scatter [tilespmem:s20], [sflag:$0x3], $0x6400, $0x38;
	[tilespmem:$0x1F400] =	vst v63  }
0x1d9: {  	s9 =	sadd.s32 $0x1900, s28  }
0x1da: {  	[tilespmem:s17], [sflag:$0x1] =	stream.linear.gather [hbm4b:s9+s5], $0x6400, $0x38;
	[tilespmem:$0x1F400] =	vst v63  }
0x1db: {  	_ =	swait.ge [sflag:s21], $0x6400  }
0x1dc: {  	[sflag:s21] =	ssyncset.done $0x0  }
0x1dd: {  	[sflag:s21] =	ssyncadd.s32 $0xFFFF9C00  }
0x1de: {  	_ =	swait.ge [sflag:s24], $0x6400  }
0x1df: {  	[sflag:s24] =	ssyncset.done $0x0  }
0x1e0: {  	s29 =	simm.s32 $0xC900;
	[sflag:s24] =	ssyncadd.s32 $0xFFFF9C00  }
0x1e1: {  	s30 =	simm.s32 $0x100;
	v0 =	vld [tilespmem:s29+$0x80]  }
0x1e2: {  	v1 =	vld [tilespmem:s30+$0x80];
	_ =	sdelay $0x2  }
0x1e3: {  	v2 =	vld [tilespmem:s29+$0xFFFFFF80]  }
0x1e4: {  	v3 =	vld [tilespmem:s30+$0xFFFFFF80]  }
0x1e5: {  	v4 =	vld [tilespmem:s30+$0xFFFFFF00];
	v0 =	vadd.f32 v1, v0  }
0x1e6: {  	s31 =	simm.s32 $0x19100;
	v1 =	vld [tilespmem:s29+$0xFFFFFF00]  }
0x1e7: {  	[tilespmem:s31+$0x80] =	vst v0  }
0x1e8: {  	v0 =	vld [tilespmem:s29+$0x90]  }
0x1e9: {  	v2 =	vadd.f32 v3, v2;
	v3 =	vld [tilespmem:s30+$0x90]  }
0x1ea: {  	v5 =	vld [tilespmem:s29+$0x0]  }
0x1eb: {  	v6 =	vld [tilespmem:s30+$0x0];
	[tilespmem:s31+$0xFFFFFF80] =	vst v2;
	v1 =	vadd.f32 v4, v1  }
0x1ec: {  	v2 =	vld [tilespmem:s29+$0xFFFFFF90]  }
0x1ed: {  	v4 =	vld [tilespmem:s30+$0xFFFFFF90];
	[tilespmem:s31+$0xFFFFFF00] =	vst v1  }
0x1ee: {  	v1 =	vld [tilespmem:s29+$0xFFFFFF10];
	v0 =	vadd.f32 v3, v0  }
0x1ef: {  	v3 =	vld [tilespmem:s30+$0xFFFFFF10]  }
0x1f0: {  	v5 =	vadd.f32 v6, v5;
	[tilespmem:s31+$0x90] =	vst v0  }
0x1f1: {  	v0 =	vld [tilespmem:s29+$0xA0]  }
0x1f2: {  	[tilespmem:s31+$0x0] =	vst v5;
	v2 =	vadd.f32 v4, v2;
	v4 =	vld [tilespmem:s30+$0xA0]  }
0x1f3: {  	v5 =	vld [tilespmem:s29+$0x10]  }
0x1f4: {  	v6 =	vld [tilespmem:s30+$0x10];
	[tilespmem:s31+$0xFFFFFF90] =	vst v2;
	v1 =	vadd.f32 v3, v1  }
0x1f5: {  	v2 =	vld [tilespmem:s29+$0xFFFFFFA0]  }
0x1f6: {  	v3 =	vld [tilespmem:s30+$0xFFFFFFA0];
	[tilespmem:s31+$0xFFFFFF10] =	vst v1  }
0x1f7: {  	v1 =	vld [tilespmem:s29+$0xFFFFFF20];
	v0 =	vadd.f32 v4, v0  }
0x1f8: {  	v4 =	vld [tilespmem:s30+$0xFFFFFF20]  }
0x1f9: {  	v5 =	vadd.f32 v6, v5;
	[tilespmem:s31+$0xA0] =	vst v0  }
0x1fa: {  	v0 =	vld [tilespmem:s29+$0xB0]  }
0x1fb: {  	[tilespmem:s31+$0x10] =	vst v5;
	v2 =	vadd.f32 v3, v2;
	v3 =	vld [tilespmem:s30+$0xB0]  }
0x1fc: {  	v5 =	vld [tilespmem:s29+$0x20]  }
0x1fd: {  	[tilespmem:s31+$0xFFFFFFA0] =	vst v2;
	v2 =	vld [tilespmem:s30+$0x20];
	v1 =	vadd.f32 v4, v1  }
0x1fe: {  	v4 =	vld [tilespmem:s29+$0xFFFFFFB0]  }
0x1ff: {  	v6 =	vld [tilespmem:s30+$0xFFFFFFB0];
	[tilespmem:s31+$0xFFFFFF20] =	vst v1  }
0x200: {  	v1 =	vld [tilespmem:s29+$0xFFFFFF30];
	v0 =	vadd.f32 v3, v0  }
0x201: {  	v3 =	vld [tilespmem:s30+$0xFFFFFF30]  }
0x202: {  	v2 =	vadd.f32 v2, v5;
	[tilespmem:s31+$0xB0] =	vst v0  }
0x203: {  	v0 =	vld [tilespmem:s29+$0xC0]  }
0x204: {  	v4 =	vadd.f32 v6, v4;
	[tilespmem:s31+$0x20] =	vst v2;
	v2 =	vld [tilespmem:s30+$0xC0]  }
0x205: {  	v5 =	vld [tilespmem:s29+$0x30]  }
0x206: {  	[tilespmem:s31+$0xFFFFFFB0] =	vst v4;
	v1 =	vadd.f32 v3, v1;
	v3 =	vld [tilespmem:s30+$0x30]  }
0x207: {  	v4 =	vld [tilespmem:s29+$0xFFFFFFC0]  }
0x208: {  	[tilespmem:s31+$0xFFFFFF30] =	vst v1;
	v1 =	vld [tilespmem:s30+$0xFFFFFFC0]  }
0x209: {  	v6 =	vld [tilespmem:s29+$0xFFFFFF40];
	v0 =	vadd.f32 v2, v0  }
0x20a: {  	v2 =	vld [tilespmem:s30+$0xFFFFFF40]  }
0x20b: {  	v3 =	vadd.f32 v3, v5;
	[tilespmem:s31+$0xC0] =	vst v0  }
0x20c: {  	v0 =	vld [tilespmem:s29+$0xD0]  }
0x20d: {  	v1 =	vadd.f32 v1, v4;
	[tilespmem:s31+$0x30] =	vst v3;
	v3 =	vld [tilespmem:s30+$0xD0]  }
0x20e: {  	v4 =	vld [tilespmem:s29+$0x40]  }
0x20f: {  	v2 =	vadd.f32 v2, v6;
	[tilespmem:s31+$0xFFFFFFC0] =	vst v1;
	v1 =	vld [tilespmem:s30+$0x40]  }
0x210: {  	v5 =	vld [tilespmem:s29+$0xFFFFFFD0]  }
0x211: {  	[tilespmem:s31+$0xFFFFFF40] =	vst v2;
	v2 =	vld [tilespmem:s30+$0xFFFFFFD0]  }
0x212: {  	v6 =	vld [tilespmem:s29+$0xFFFFFF50];
	v0 =	vadd.f32 v3, v0  }
0x213: {  	v3 =	vld [tilespmem:s30+$0xFFFFFF50]  }
0x214: {  	v1 =	vadd.f32 v1, v4;
	[tilespmem:s31+$0xD0] =	vst v0  }
0x215: {  	v7 =	vld [tilespmem:s29+$0xE0]  }
0x216: {  	v0 =	vadd.f32 v2, v5;
	v5 =	vld [tilespmem:s30+$0xE0];
	[tilespmem:s31+$0x40] =	vst v1  }
0x217: {  	v1 =	vld [tilespmem:s29+$0x50]  }
0x218: {  	v2 =	vadd.f32 v3, v6;
	[tilespmem:s31+$0xFFFFFFD0] =	vst v0;
	v4 =	vld [tilespmem:s30+$0x50]  }
0x219: {  	v0 =	vld [tilespmem:s29+$0xFFFFFFE0]  }
0x21a: {  	v3 =	vld [tilespmem:s30+$0xFFFFFFE0];
	[tilespmem:s31+$0xFFFFFF50] =	vst v2  }
0x21b: {  	s3 =	simm.s32 $0x0;
	s2 =	simm.s32 $0x19100;
	s0 =	sadd.s32 s4, s8;
	v2 =	vld [tilespmem:s29+$0xFFFFFF60];
	v6 =	vadd.f32 v5, v7  }
0x21c: {  	s8 =	simm.s32 $0xCB00;
	s0 =	sadd.s32 $0xC80, s0;
	s9 =	simm.s32 $0x100;
	v5 =	vld [tilespmem:s30+$0xFFFFFF60]  }
.LBB2_9:
0x21d: {  	v7 =	vld [tilespmem:s8+$0x80];
	v1 =	vadd.f32 v4, v1;
	[tilespmem:s31+$0xE0] =	vst v6  }
0x21e: {  	v4 =	vld [tilespmem:s29+$0xF0]  }
0x21f: {  	s9 =	sadd.s32 $0x200, s9;
	v0 =	vadd.f32 v3, v0;
	[tilespmem:s31+$0x50] =	vst v1;
	v1 =	vld [tilespmem:s30+$0xF0]  }
0x220: {  	v3 =	vld [tilespmem:s9+$0x80]  }
0x221: {  	v6 =	vld [tilespmem:s9+$0xFFFFFF00];
	v2 =	vadd.f32 v5, v2;
	[tilespmem:s31+$0xFFFFFFE0] =	vst v0  }
0x222: {  	v0 =	vld [tilespmem:s8+$0xFFFFFF80]  }
0x223: {  	v5 =	vld [tilespmem:s9+$0xFFFFFF80];
	[tilespmem:s31+$0xFFFFFF60] =	vst v2  }
0x224: {  	v2 =	vld [tilespmem:s8+$0x0];
	v1 =	vadd.f32 v1, v4  }
0x225: {  	v4 =	vld [tilespmem:s9+$0x0];
	v3 =	vadd.f32 v3, v7  }
0x226: {  	s31 =	sadd.s32 $0x200, s31;
	v7 =	vld [tilespmem:s8+$0xFFFFFF00];
	[tilespmem:s2+$0xF0] =	vst v1  }
0x227: {  	s3 =	sadd.s32 $0x4, s3;
	[tilespmem:s31+$0x80] =	vst v3;
	v1 =	vld [tilespmem:s29+$0x60]  }
0x228: {  	p0 =	slt.u32 s3, $0xC4;
	v0 =	vadd.f32 v5, v0;
	v3 =	vld [tilespmem:s8+$0x90]  }
0x229: {  	v5 =	vld [tilespmem:s9+$0x90]  }
0x22a: {  	[tilespmem:s31+$0xFFFFFF80] =	vst v0;
	v0 =	vadd.f32 v4, v2;
	v2 =	vld [tilespmem:s30+$0x60]  }
0x22b: {  	v4 =	vadd.f32 v6, v7;
	v6 =	vld [tilespmem:s8+$0xFFFFFF90]  }
0x22c: {  	v7 =	vld [tilespmem:s9+$0xFFFFFF90];
	[tilespmem:s31+$0x0] =	vst v0  }
0x22d: {  	[tilespmem:s31+$0xFFFFFF00] =	vst v4;
	v0 =	vld [tilespmem:s8+$0x10]  }
0x22e: {  	v4 =	vld [tilespmem:s8+$0xFFFFFF10];
	v3 =	vadd.f32 v5, v3  }
0x22f: {  	v5 =	vld [tilespmem:s9+$0xFFFFFF10];
	v1 =	vadd.f32 v2, v1  }
0x230: {  	v2 =	vld [tilespmem:s9+$0x10];
	[tilespmem:s31+$0x90] =	vst v3  }
0x231: {  	v3 =	vadd.f32 v7, v6;
	v6 =	vld [tilespmem:s8+$0xA0];
	[tilespmem:s2+$0x60] =	vst v1  }
0x232: {  	v1 =	vld [tilespmem:s9+$0xA0]  }
0x233: {  	[tilespmem:s31+$0xFFFFFF90] =	vst v3;
	v3 =	vld [tilespmem:s29+$0xFFFFFF70]  }
0x234: {  	v4 =	vadd.f32 v5, v4;
	v5 =	vld [tilespmem:s8+$0xFFFFFFA0]  }
0x235: {  	v7 =	vld [tilespmem:s9+$0xFFFFFFA0];
	v0 =	vadd.f32 v2, v0  }
0x236: {  	[tilespmem:s31+$0xFFFFFF10] =	vst v4;
	v2 =	vld [tilespmem:s30+$0xFFFFFF70]  }
0x237: {  	v4 =	vld [tilespmem:s8+$0xFFFFFF20];
	[tilespmem:s31+$0x10] =	vst v0;
	v0 =	vadd.f32 v1, v6  }
0x238: {  	v1 =	vld [tilespmem:s9+$0xFFFFFF20]  }
0x239: {  	v6 =	vld [tilespmem:s8+$0x20];
	[tilespmem:s31+$0xA0] =	vst v0  }
0x23a: {  	v0 =	vadd.f32 v7, v5;
	v5 =	vld [tilespmem:s8+$0xB0]  }
0x23b: {  	v7 =	vld [tilespmem:s9+$0xB0];
	v2 =	vadd.f32 v2, v3  }
0x23c: {  	[tilespmem:s31+$0xFFFFFFA0] =	vst v0;
	v0 =	vld [tilespmem:s9+$0x20]  }
0x23d: {  	v1 =	vadd.f32 v1, v4;
	v3 =	vld [tilespmem:s8+$0xFFFFFFB0];
	[tilespmem:s2+$0xFFFFFF70] =	vst v2  }
0x23e: {  	v2 =	vld [tilespmem:s9+$0xFFFFFFB0]  }
0x23f: {  	[tilespmem:s31+$0xFFFFFF20] =	vst v1;
	v1 =	vld [tilespmem:s29+$0xFFFFFFF0]  }
0x240: {  	v4 =	vld [tilespmem:s8+$0xFFFFFF30];
	v5 =	vadd.f32 v7, v5  }
0x241: {  	v7 =	vld [tilespmem:s9+$0xFFFFFF30];
	v0 =	vadd.f32 v0, v6  }
0x242: {  	[tilespmem:s31+$0xB0] =	vst v5;
	v5 =	vld [tilespmem:s30+$0xFFFFFFF0]  }
0x243: {  	v2 =	vadd.f32 v2, v3;
	[tilespmem:s31+$0x20] =	vst v0;
	v0 =	vld [tilespmem:s8+$0xC0]  }
0x244: {  	v3 =	vld [tilespmem:s9+$0xC0]  }
0x245: {  	[tilespmem:s31+$0xFFFFFFB0] =	vst v2;
	v2 =	vld [tilespmem:s8+$0x30]  }
0x246: {  	v4 =	vadd.f32 v7, v4;
	v6 =	vld [tilespmem:s9+$0x30]  }
0x247: {  	v7 =	vld [tilespmem:s8+$0xFFFFFFC0];
	v1 =	vadd.f32 v5, v1  }
0x248: {  	[tilespmem:s31+$0xFFFFFF30] =	vst v4;
	v4 =	vld [tilespmem:s9+$0xFFFFFFC0]  }
0x249: {  	v5 =	vld [tilespmem:s8+$0xFFFFFF40];
	v0 =	vadd.f32 v3, v0;
	[tilespmem:s2+$0xFFFFFFF0] =	vst v1  }
0x24a: {  	v1 =	vld [tilespmem:s9+$0xFFFFFF40]  }
0x24b: {  	v2 =	vadd.f32 v6, v2;
	[tilespmem:s31+$0xC0] =	vst v0;
	v3 =	vld [tilespmem:s29+$0x70];
	s29 =	smov.u32 s8  }
0x24c: {  	v0 =	vld [tilespmem:s8+$0xD0]  }
0x24d: {  	v4 =	vadd.f32 v4, v7;
	[tilespmem:s31+$0x30] =	vst v2;
	v2 =	vld [tilespmem:s9+$0xD0]  }
0x24e: {  	v6 =	vld [tilespmem:s8+$0x40]  }
0x24f: {  	v1 =	vadd.f32 v1, v5;
	[tilespmem:s31+$0xFFFFFFC0] =	vst v4;
	v4 =	vld [tilespmem:s9+$0x40]  }
0x250: {  	v5 =	vld [tilespmem:s8+$0xFFFFFFD0]  }
0x251: {  	[tilespmem:s31+$0xFFFFFF40] =	vst v1;
	v1 =	vld [tilespmem:s9+$0xFFFFFFD0]  }
0x252: {  	v7 =	vld [tilespmem:s8+$0xFFFFFF50];
	v0 =	vadd.f32 v2, v0  }
0x253: {  	v2 =	vld [tilespmem:s9+$0xFFFFFF50]  }
0x254: {  	v4 =	vadd.f32 v4, v6;
	[tilespmem:s31+$0xD0] =	vst v0;
	v6 =	vld [tilespmem:s30+$0x70];
	s30 =	smov.u32 s9  }
0x255: {  	v8 =	vld [tilespmem:s8+$0xE0]  }
0x256: {  	v0 =	vadd.f32 v1, v5;
	[tilespmem:s31+$0x40] =	vst v4;
	v5 =	vld [tilespmem:s9+$0xE0]  }
0x257: {  	v1 =	vld [tilespmem:s8+$0x50]  }
.Ltmp3:
0x258: {  	v2 =	vadd.f32 v2, v7;
	[tilespmem:s31+$0xFFFFFFD0] =	vst v0;
	v4 =	vld [tilespmem:s9+$0x50];
	(pc) =	sbr.rel @p0 .LBB2_9-.Ltmp3, $4  }
0x259: {  	v0 =	vld [tilespmem:s8+$0xFFFFFFE0];
	v7 =	vadd.f32 v6, v3  }
0x25a: {  	[tilespmem:s31+$0xFFFFFF50] =	vst v2;
	v3 =	vld [tilespmem:s9+$0xFFFFFFE0]  }
0x25b: {  	v2 =	vld [tilespmem:s8+$0xFFFFFF60];
	v6 =	vadd.f32 v5, v8;
	[tilespmem:s2+$0x70] =	vst v7;
	s2 =	smov.u32 s31  }
0x25c: {  	s8 =	sadd.s32 $0x200, s8;
	v5 =	vld [tilespmem:s9+$0xFFFFFF60]  }
0x25d: {  	v1 =	vadd.f32 v4, v1;
	_ =	sdelay $0x1  }
0x25e: {  	[tilespmem:s31+$0x50] =	vst v1  }
0x25f: {  	v1 =	vld [tilespmem:s29+$0x60]  }
0x260: {  	v55 =	vld [tilespmem:s30+$0x60]  }
0x261: {  	[tilespmem:s31+$0xE0] =	vst v6;
	v0 =	vadd.f32 v3, v0  }
0x262: {  	v56 =	vld [tilespmem:s29+$0xF0]  }
0x263: {  	v57 =	vld [tilespmem:s30+$0xF0];
	v2 =	vadd.f32 v5, v2;
	[tilespmem:s31+$0xFFFFFFE0] =	vst v0  }
0x264: {  	v60 =	vld [tilespmem:s29+$0xFFFFFFF0]  }
0x265: {  	v61 =	vld [tilespmem:s30+$0xFFFFFFF0];
	[tilespmem:s31+$0xFFFFFF60] =	vst v2;
	v58 =	vadd.f32 v55, v1  }
0x266: {  	v2 =	vld [tilespmem:s29+$0xFFFFFF70]  }
0x267: {  	v59 =	vld [tilespmem:s30+$0xFFFFFF70];
	[tilespmem:s2+$0x60] =	vst v58  }
0x268: {  	v62 =	vld [tilespmem:s29+$0x70]  }
0x269: {  	v7 =	vld [tilespmem:s30+$0x70];
	_ =	sdelay $0x1  }
0x26a: {  	v3 =	vadd.f32 v57, v56  }
0x26b: {  	v0 =	vadd.f32 v61, v60  }
0x26c: {  	s26 =	sadd.s32 $0x1, s26;
	[tilespmem:s2+$0xF0] =	vst v3;
	v1 =	vadd.f32 v59, v2  }
0x26d: {  	p0 =	sne.s32 s26, $0x3E;
	[tilespmem:s2+$0xFFFFFFF0] =	vst v0;
	v63 =	vadd.f32 v7, v62  }
.Ltmp4:
0x26e: {  	[tilespmem:s2+$0xFFFFFF70] =	vst v1;
	(pc) =	sbr.rel @p0 .LBB2_6-.Ltmp4, $4  }
0x26f: {  	[tilespmem:s2+$0x70] =	vst v63  }
0x270: {  	[hbm4b:s0+s5] =	stream.linear.scatter [tilespmem:s22], [sflag:$0x4], $0x6400, $0x38;
	[tilespmem:$0x1F400] =	vst v63  }
0x271: {  	s31 =	sadd.s32 $0x2580, s28  }
0x272: {  	[tilespmem:s18], [sflag:$0x2] =	stream.linear.gather [hbm4b:s31+s5], $0x6400, $0x38;
	[tilespmem:$0x1F400] =	vst v63  }
0x273: {  	_ =	swait.ge [sflag:s19], $0x6400  }
0x274: {  	[sflag:s19] =	ssyncset.done $0x0  }
0x275: {  	[sflag:s19] =	ssyncadd.s32 $0xFFFF9C00  }
0x276: {  	_ =	swait.ge [sflag:s23], $0x6400  }
0x277: {  	[sflag:s23] =	ssyncset.done $0x0  }
0x278: {  	s26 =	simm.s32 $0x6500;
	[sflag:s23] =	ssyncadd.s32 $0xFFFF9C00  }
0x279: {  	s28 =	simm.s32 $0x100;
	v0 =	vld [tilespmem:s26+$0x80]  }
0x27a: {  	v1 =	vld [tilespmem:s28+$0x80];
	_ =	sdelay $0x2  }
0x27b: {  	v2 =	vld [tilespmem:s26+$0xFFFFFF80]  }
0x27c: {  	v3 =	vld [tilespmem:s28+$0xFFFFFF80]  }
0x27d: {  	v4 =	vld [tilespmem:s28+$0xFFFFFF00];
	v0 =	vadd.f32 v1, v0  }
0x27e: {  	s29 =	simm.s32 $0x12D00;
	v1 =	vld [tilespmem:s26+$0xFFFFFF00]  }
0x27f: {  	[tilespmem:s29+$0x80] =	vst v0  }
0x280: {  	v0 =	vld [tilespmem:s26+$0x90]  }
0x281: {  	v2 =	vadd.f32 v3, v2;
	v3 =	vld [tilespmem:s28+$0x90]  }
0x282: {  	v5 =	vld [tilespmem:s26+$0x0]  }
0x283: {  	v6 =	vld [tilespmem:s28+$0x0];
	[tilespmem:s29+$0xFFFFFF80] =	vst v2;
	v1 =	vadd.f32 v4, v1  }
0x284: {  	v2 =	vld [tilespmem:s26+$0xFFFFFF90]  }
0x285: {  	v4 =	vld [tilespmem:s28+$0xFFFFFF90];
	[tilespmem:s29+$0xFFFFFF00] =	vst v1  }
0x286: {  	v1 =	vld [tilespmem:s26+$0xFFFFFF10];
	v0 =	vadd.f32 v3, v0  }
0x287: {  	v3 =	vld [tilespmem:s28+$0xFFFFFF10]  }
0x288: {  	v5 =	vadd.f32 v6, v5;
	[tilespmem:s29+$0x90] =	vst v0  }
0x289: {  	v0 =	vld [tilespmem:s26+$0xA0]  }
0x28a: {  	[tilespmem:s29+$0x0] =	vst v5;
	v2 =	vadd.f32 v4, v2;
	v4 =	vld [tilespmem:s28+$0xA0]  }
0x28b: {  	v5 =	vld [tilespmem:s26+$0x10]  }
0x28c: {  	v6 =	vld [tilespmem:s28+$0x10];
	[tilespmem:s29+$0xFFFFFF90] =	vst v2;
	v1 =	vadd.f32 v3, v1  }
0x28d: {  	v2 =	vld [tilespmem:s26+$0xFFFFFFA0]  }
0x28e: {  	v3 =	vld [tilespmem:s28+$0xFFFFFFA0];
	[tilespmem:s29+$0xFFFFFF10] =	vst v1  }
0x28f: {  	v1 =	vld [tilespmem:s26+$0xFFFFFF20];
	v0 =	vadd.f32 v4, v0  }
0x290: {  	v4 =	vld [tilespmem:s28+$0xFFFFFF20]  }
0x291: {  	v5 =	vadd.f32 v6, v5;
	[tilespmem:s29+$0xA0] =	vst v0  }
0x292: {  	v0 =	vld [tilespmem:s26+$0xB0]  }
0x293: {  	[tilespmem:s29+$0x10] =	vst v5;
	v2 =	vadd.f32 v3, v2;
	v3 =	vld [tilespmem:s28+$0xB0]  }
0x294: {  	v5 =	vld [tilespmem:s26+$0x20]  }
0x295: {  	[tilespmem:s29+$0xFFFFFFA0] =	vst v2;
	v2 =	vld [tilespmem:s28+$0x20];
	v1 =	vadd.f32 v4, v1  }
0x296: {  	v4 =	vld [tilespmem:s26+$0xFFFFFFB0]  }
0x297: {  	v6 =	vld [tilespmem:s28+$0xFFFFFFB0];
	[tilespmem:s29+$0xFFFFFF20] =	vst v1  }
0x298: {  	v1 =	vld [tilespmem:s26+$0xFFFFFF30];
	v0 =	vadd.f32 v3, v0  }
0x299: {  	v3 =	vld [tilespmem:s28+$0xFFFFFF30]  }
0x29a: {  	v2 =	vadd.f32 v2, v5;
	[tilespmem:s29+$0xB0] =	vst v0  }
0x29b: {  	v0 =	vld [tilespmem:s26+$0xC0]  }
0x29c: {  	v4 =	vadd.f32 v6, v4;
	[tilespmem:s29+$0x20] =	vst v2;
	v2 =	vld [tilespmem:s28+$0xC0]  }
0x29d: {  	v5 =	vld [tilespmem:s26+$0x30]  }
0x29e: {  	[tilespmem:s29+$0xFFFFFFB0] =	vst v4;
	v1 =	vadd.f32 v3, v1;
	v3 =	vld [tilespmem:s28+$0x30]  }
0x29f: {  	v4 =	vld [tilespmem:s26+$0xFFFFFFC0]  }
0x2a0: {  	[tilespmem:s29+$0xFFFFFF30] =	vst v1;
	v1 =	vld [tilespmem:s28+$0xFFFFFFC0]  }
0x2a1: {  	v6 =	vld [tilespmem:s26+$0xFFFFFF40];
	v0 =	vadd.f32 v2, v0  }
0x2a2: {  	v2 =	vld [tilespmem:s28+$0xFFFFFF40]  }
0x2a3: {  	v3 =	vadd.f32 v3, v5;
	[tilespmem:s29+$0xC0] =	vst v0  }
0x2a4: {  	v0 =	vld [tilespmem:s26+$0xD0]  }
0x2a5: {  	v1 =	vadd.f32 v1, v4;
	[tilespmem:s29+$0x30] =	vst v3;
	v3 =	vld [tilespmem:s28+$0xD0]  }
0x2a6: {  	v4 =	vld [tilespmem:s26+$0x40]  }
0x2a7: {  	v2 =	vadd.f32 v2, v6;
	[tilespmem:s29+$0xFFFFFFC0] =	vst v1;
	v1 =	vld [tilespmem:s28+$0x40]  }
0x2a8: {  	v5 =	vld [tilespmem:s26+$0xFFFFFFD0]  }
0x2a9: {  	[tilespmem:s29+$0xFFFFFF40] =	vst v2;
	v2 =	vld [tilespmem:s28+$0xFFFFFFD0]  }
0x2aa: {  	v6 =	vld [tilespmem:s26+$0xFFFFFF50];
	v0 =	vadd.f32 v3, v0  }
0x2ab: {  	v3 =	vld [tilespmem:s28+$0xFFFFFF50]  }
0x2ac: {  	v1 =	vadd.f32 v1, v4;
	[tilespmem:s29+$0xD0] =	vst v0  }
0x2ad: {  	v7 =	vld [tilespmem:s26+$0xE0]  }
0x2ae: {  	v0 =	vadd.f32 v2, v5;
	v5 =	vld [tilespmem:s28+$0xE0];
	[tilespmem:s29+$0x40] =	vst v1  }
0x2af: {  	v1 =	vld [tilespmem:s26+$0x50]  }
0x2b0: {  	v2 =	vadd.f32 v3, v6;
	[tilespmem:s29+$0xFFFFFFD0] =	vst v0;
	v4 =	vld [tilespmem:s28+$0x50]  }
0x2b1: {  	v0 =	vld [tilespmem:s26+$0xFFFFFFE0]  }
0x2b2: {  	v3 =	vld [tilespmem:s28+$0xFFFFFFE0];
	[tilespmem:s29+$0xFFFFFF50] =	vst v2  }
0x2b3: {  	s2 =	simm.s32 $0x0;
	v2 =	vld [tilespmem:s26+$0xFFFFFF60];
	v6 =	vadd.f32 v5, v7  }
0x2b4: {  	s3 =	simm.s32 $0x6700;
	s8 =	simm.s32 $0x100;
	s0 =	simm.s32 $0x12D00;
	v5 =	vld [tilespmem:s28+$0xFFFFFF60]  }
.LBB2_12:
0x2b5: {  	v7 =	vld [tilespmem:s3+$0x80];
	v1 =	vadd.f32 v4, v1;
	[tilespmem:s29+$0xE0] =	vst v6  }
0x2b6: {  	v4 =	vld [tilespmem:s26+$0xF0]  }
0x2b7: {  	s8 =	sadd.s32 $0x200, s8;
	v0 =	vadd.f32 v3, v0;
	[tilespmem:s29+$0x50] =	vst v1;
	v1 =	vld [tilespmem:s28+$0xF0]  }
0x2b8: {  	v3 =	vld [tilespmem:s8+$0x80]  }
0x2b9: {  	v6 =	vld [tilespmem:s8+$0xFFFFFF00];
	v2 =	vadd.f32 v5, v2;
	[tilespmem:s29+$0xFFFFFFE0] =	vst v0  }
0x2ba: {  	v0 =	vld [tilespmem:s3+$0xFFFFFF80]  }
0x2bb: {  	v5 =	vld [tilespmem:s8+$0xFFFFFF80];
	[tilespmem:s29+$0xFFFFFF60] =	vst v2  }
0x2bc: {  	v2 =	vld [tilespmem:s3+$0x0];
	v1 =	vadd.f32 v1, v4  }
0x2bd: {  	v4 =	vld [tilespmem:s8+$0x0];
	v3 =	vadd.f32 v3, v7  }
0x2be: {  	s29 =	sadd.s32 $0x200, s29;
	v7 =	vld [tilespmem:s3+$0xFFFFFF00];
	[tilespmem:s0+$0xF0] =	vst v1  }
0x2bf: {  	s2 =	sadd.s32 $0x4, s2;
	[tilespmem:s29+$0x80] =	vst v3;
	v1 =	vld [tilespmem:s26+$0x60]  }
0x2c0: {  	p0 =	slt.u32 s2, $0xC4;
	v0 =	vadd.f32 v5, v0;
	v3 =	vld [tilespmem:s3+$0x90]  }
0x2c1: {  	v5 =	vld [tilespmem:s8+$0x90]  }
0x2c2: {  	[tilespmem:s29+$0xFFFFFF80] =	vst v0;
	v0 =	vadd.f32 v4, v2;
	v2 =	vld [tilespmem:s28+$0x60]  }
0x2c3: {  	v4 =	vadd.f32 v6, v7;
	v6 =	vld [tilespmem:s3+$0xFFFFFF90]  }
0x2c4: {  	v7 =	vld [tilespmem:s8+$0xFFFFFF90];
	[tilespmem:s29+$0x0] =	vst v0  }
0x2c5: {  	[tilespmem:s29+$0xFFFFFF00] =	vst v4;
	v0 =	vld [tilespmem:s3+$0x10]  }
0x2c6: {  	v4 =	vld [tilespmem:s3+$0xFFFFFF10];
	v3 =	vadd.f32 v5, v3  }
0x2c7: {  	v5 =	vld [tilespmem:s8+$0xFFFFFF10];
	v1 =	vadd.f32 v2, v1  }
0x2c8: {  	v2 =	vld [tilespmem:s8+$0x10];
	[tilespmem:s29+$0x90] =	vst v3  }
0x2c9: {  	v3 =	vadd.f32 v7, v6;
	v6 =	vld [tilespmem:s3+$0xA0];
	[tilespmem:s0+$0x60] =	vst v1  }
0x2ca: {  	v1 =	vld [tilespmem:s8+$0xA0]  }
0x2cb: {  	[tilespmem:s29+$0xFFFFFF90] =	vst v3;
	v3 =	vld [tilespmem:s26+$0xFFFFFF70]  }
0x2cc: {  	v4 =	vadd.f32 v5, v4;
	v5 =	vld [tilespmem:s3+$0xFFFFFFA0]  }
0x2cd: {  	v7 =	vld [tilespmem:s8+$0xFFFFFFA0];
	v0 =	vadd.f32 v2, v0  }
0x2ce: {  	[tilespmem:s29+$0xFFFFFF10] =	vst v4;
	v2 =	vld [tilespmem:s28+$0xFFFFFF70]  }
0x2cf: {  	v4 =	vld [tilespmem:s3+$0xFFFFFF20];
	[tilespmem:s29+$0x10] =	vst v0;
	v0 =	vadd.f32 v1, v6  }
0x2d0: {  	v1 =	vld [tilespmem:s8+$0xFFFFFF20]  }
0x2d1: {  	v6 =	vld [tilespmem:s3+$0x20];
	[tilespmem:s29+$0xA0] =	vst v0  }
0x2d2: {  	v0 =	vadd.f32 v7, v5;
	v5 =	vld [tilespmem:s3+$0xB0]  }
0x2d3: {  	v7 =	vld [tilespmem:s8+$0xB0];
	v2 =	vadd.f32 v2, v3  }
0x2d4: {  	[tilespmem:s29+$0xFFFFFFA0] =	vst v0;
	v0 =	vld [tilespmem:s8+$0x20]  }
0x2d5: {  	v1 =	vadd.f32 v1, v4;
	v3 =	vld [tilespmem:s3+$0xFFFFFFB0];
	[tilespmem:s0+$0xFFFFFF70] =	vst v2  }
0x2d6: {  	v2 =	vld [tilespmem:s8+$0xFFFFFFB0]  }
0x2d7: {  	[tilespmem:s29+$0xFFFFFF20] =	vst v1;
	v1 =	vld [tilespmem:s26+$0xFFFFFFF0]  }
0x2d8: {  	v4 =	vld [tilespmem:s3+$0xFFFFFF30];
	v5 =	vadd.f32 v7, v5  }
0x2d9: {  	v7 =	vld [tilespmem:s8+$0xFFFFFF30];
	v0 =	vadd.f32 v0, v6  }
0x2da: {  	[tilespmem:s29+$0xB0] =	vst v5;
	v5 =	vld [tilespmem:s28+$0xFFFFFFF0]  }
0x2db: {  	v2 =	vadd.f32 v2, v3;
	[tilespmem:s29+$0x20] =	vst v0;
	v0 =	vld [tilespmem:s3+$0xC0]  }
0x2dc: {  	v3 =	vld [tilespmem:s8+$0xC0]  }
0x2dd: {  	[tilespmem:s29+$0xFFFFFFB0] =	vst v2;
	v2 =	vld [tilespmem:s3+$0x30]  }
0x2de: {  	v4 =	vadd.f32 v7, v4;
	v6 =	vld [tilespmem:s8+$0x30]  }
0x2df: {  	v7 =	vld [tilespmem:s3+$0xFFFFFFC0];
	v1 =	vadd.f32 v5, v1  }
0x2e0: {  	[tilespmem:s29+$0xFFFFFF30] =	vst v4;
	v4 =	vld [tilespmem:s8+$0xFFFFFFC0]  }
0x2e1: {  	v5 =	vld [tilespmem:s3+$0xFFFFFF40];
	v0 =	vadd.f32 v3, v0;
	[tilespmem:s0+$0xFFFFFFF0] =	vst v1  }
0x2e2: {  	v1 =	vld [tilespmem:s8+$0xFFFFFF40]  }
0x2e3: {  	v2 =	vadd.f32 v6, v2;
	[tilespmem:s29+$0xC0] =	vst v0;
	v3 =	vld [tilespmem:s26+$0x70];
	s26 =	smov.u32 s3  }
0x2e4: {  	v0 =	vld [tilespmem:s3+$0xD0]  }
0x2e5: {  	v4 =	vadd.f32 v4, v7;
	[tilespmem:s29+$0x30] =	vst v2;
	v2 =	vld [tilespmem:s8+$0xD0]  }
0x2e6: {  	v6 =	vld [tilespmem:s3+$0x40]  }
0x2e7: {  	v1 =	vadd.f32 v1, v5;
	[tilespmem:s29+$0xFFFFFFC0] =	vst v4;
	v4 =	vld [tilespmem:s8+$0x40]  }
0x2e8: {  	v5 =	vld [tilespmem:s3+$0xFFFFFFD0]  }
0x2e9: {  	[tilespmem:s29+$0xFFFFFF40] =	vst v1;
	v1 =	vld [tilespmem:s8+$0xFFFFFFD0]  }
0x2ea: {  	v7 =	vld [tilespmem:s3+$0xFFFFFF50];
	v0 =	vadd.f32 v2, v0  }
0x2eb: {  	v2 =	vld [tilespmem:s8+$0xFFFFFF50]  }
0x2ec: {  	v4 =	vadd.f32 v4, v6;
	[tilespmem:s29+$0xD0] =	vst v0;
	v6 =	vld [tilespmem:s28+$0x70];
	s28 =	smov.u32 s8  }
0x2ed: {  	v8 =	vld [tilespmem:s3+$0xE0]  }
0x2ee: {  	v0 =	vadd.f32 v1, v5;
	[tilespmem:s29+$0x40] =	vst v4;
	v5 =	vld [tilespmem:s8+$0xE0]  }
0x2ef: {  	v1 =	vld [tilespmem:s3+$0x50]  }
.Ltmp5:
0x2f0: {  	v2 =	vadd.f32 v2, v7;
	[tilespmem:s29+$0xFFFFFFD0] =	vst v0;
	v4 =	vld [tilespmem:s8+$0x50];
	(pc) =	sbr.rel @p0 .LBB2_12-.Ltmp5, $4  }
0x2f1: {  	v0 =	vld [tilespmem:s3+$0xFFFFFFE0];
	v7 =	vadd.f32 v6, v3  }
0x2f2: {  	[tilespmem:s29+$0xFFFFFF50] =	vst v2;
	v3 =	vld [tilespmem:s8+$0xFFFFFFE0]  }
0x2f3: {  	v2 =	vld [tilespmem:s3+$0xFFFFFF60];
	v6 =	vadd.f32 v5, v8;
	[tilespmem:s0+$0x70] =	vst v7;
	s0 =	smov.u32 s29  }
0x2f4: {  	s3 =	sadd.s32 $0x200, s3;
	v5 =	vld [tilespmem:s8+$0xFFFFFF60]  }
0x2f5: {  	v1 =	vadd.f32 v4, v1;
	_ =	sdelay $0x1  }
0x2f6: {  	[tilespmem:s29+$0x50] =	vst v1  }
0x2f7: {  	v1 =	vld [tilespmem:s26+$0x60]  }
0x2f8: {  	v4 =	vld [tilespmem:s28+$0x60]  }
0x2f9: {  	[tilespmem:s29+$0xE0] =	vst v6;
	v2 =	vadd.f32 v5, v2  }
0x2fa: {  	v0 =	vadd.f32 v3, v0;
	v3 =	vld [tilespmem:s28+$0xF0]  }
0x2fb: {  	v5 =	vld [tilespmem:s26+$0xF0];
	[tilespmem:s29+$0xFFFFFF60] =	vst v2  }
0x2fc: {  	v2 =	vld [tilespmem:s26+$0xFFFFFF70]  }
0x2fd: {  	[tilespmem:s29+$0xFFFFFFE0] =	vst v0;
	v0 =	vadd.f32 v4, v1;
	v1 =	vld [tilespmem:s28+$0xFFFFFF70]  }
0x2fe: {  	v4 =	vld [tilespmem:s26+$0xFFFFFFF0]  }
0x2ff: {  	[tilespmem:s0+$0x60] =	vst v0;
	v0 =	vld [tilespmem:s28+$0xFFFFFFF0]  }
0x300: {  	v6 =	vld [tilespmem:s26+$0x70]  }
0x301: {  	v7 =	vld [tilespmem:s28+$0x70];
	_ =	sdelay $0x1  }
0x302: {  	v3 =	vadd.f32 v3, v5  }
0x303: {  	v1 =	vadd.f32 v1, v2  }
0x304: {  	[tilespmem:s0+$0xF0] =	vst v3;
	v0 =	vadd.f32 v0, v4  }
0x305: {  	[tilespmem:s0+$0xFFFFFF70] =	vst v1;
	v1 =	vadd.f32 v7, v6  }
0x306: {  	[tilespmem:s0+$0xFFFFFFF0] =	vst v0  }
0x307: {  	[tilespmem:s0+$0x70] =	vst v1  }
0x308: {  	[hbm4b:s13+s5] =	stream.linear.scatter [tilespmem:s20], [sflag:$0x3], $0x6400, $0x38;
	[tilespmem:$0x1F400] =	vst v63  }
0x309: {  	_ =	swait.ge [sflag:s21], $0x6400  }
0x30a: {  	[sflag:s21] =	ssyncset.done $0x0  }
0x30b: {  	[sflag:s21] =	ssyncadd.s32 $0xFFFF9C00  }
0x30c: {  	_ =	swait.ge [sflag:s24], $0x6400  }
0x30d: {  	[sflag:s24] =	ssyncset.done $0x0  }
0x30e: {  	s26 =	simm.s32 $0xC900;
	[sflag:s24] =	ssyncadd.s32 $0xFFFF9C00  }
0x30f: {  	s28 =	simm.s32 $0x100;
	v0 =	vld [tilespmem:s26+$0x80]  }
0x310: {  	v1 =	vld [tilespmem:s28+$0x80];
	_ =	sdelay $0x2  }
0x311: {  	v2 =	vld [tilespmem:s26+$0xFFFFFF80]  }
0x312: {  	v3 =	vld [tilespmem:s28+$0xFFFFFF80]  }
0x313: {  	v4 =	vld [tilespmem:s28+$0xFFFFFF00];
	v0 =	vadd.f32 v1, v0  }
0x314: {  	s29 =	simm.s32 $0x19100;
	v1 =	vld [tilespmem:s26+$0xFFFFFF00]  }
0x315: {  	[tilespmem:s29+$0x80] =	vst v0  }
0x316: {  	v0 =	vld [tilespmem:s26+$0x90]  }
0x317: {  	v2 =	vadd.f32 v3, v2;
	v3 =	vld [tilespmem:s28+$0x90]  }
0x318: {  	v5 =	vld [tilespmem:s26+$0x0]  }
0x319: {  	v6 =	vld [tilespmem:s28+$0x0];
	[tilespmem:s29+$0xFFFFFF80] =	vst v2;
	v1 =	vadd.f32 v4, v1  }
0x31a: {  	v2 =	vld [tilespmem:s26+$0xFFFFFF90]  }
0x31b: {  	v4 =	vld [tilespmem:s28+$0xFFFFFF90];
	[tilespmem:s29+$0xFFFFFF00] =	vst v1  }
0x31c: {  	v1 =	vld [tilespmem:s26+$0xFFFFFF10];
	v0 =	vadd.f32 v3, v0  }
0x31d: {  	v3 =	vld [tilespmem:s28+$0xFFFFFF10]  }
0x31e: {  	v5 =	vadd.f32 v6, v5;
	[tilespmem:s29+$0x90] =	vst v0  }
0x31f: {  	v0 =	vld [tilespmem:s26+$0xA0]  }
0x320: {  	[tilespmem:s29+$0x0] =	vst v5;
	v2 =	vadd.f32 v4, v2;
	v4 =	vld [tilespmem:s28+$0xA0]  }
0x321: {  	v5 =	vld [tilespmem:s26+$0x10]  }
0x322: {  	v6 =	vld [tilespmem:s28+$0x10];
	[tilespmem:s29+$0xFFFFFF90] =	vst v2;
	v1 =	vadd.f32 v3, v1  }
0x323: {  	v2 =	vld [tilespmem:s26+$0xFFFFFFA0]  }
0x324: {  	v3 =	vld [tilespmem:s28+$0xFFFFFFA0];
	[tilespmem:s29+$0xFFFFFF10] =	vst v1  }
0x325: {  	v1 =	vld [tilespmem:s26+$0xFFFFFF20];
	v0 =	vadd.f32 v4, v0  }
0x326: {  	v4 =	vld [tilespmem:s28+$0xFFFFFF20]  }
0x327: {  	v5 =	vadd.f32 v6, v5;
	[tilespmem:s29+$0xA0] =	vst v0  }
0x328: {  	v0 =	vld [tilespmem:s26+$0xB0]  }
0x329: {  	[tilespmem:s29+$0x10] =	vst v5;
	v2 =	vadd.f32 v3, v2;
	v3 =	vld [tilespmem:s28+$0xB0]  }
0x32a: {  	v5 =	vld [tilespmem:s26+$0x20]  }
0x32b: {  	[tilespmem:s29+$0xFFFFFFA0] =	vst v2;
	v2 =	vld [tilespmem:s28+$0x20];
	v1 =	vadd.f32 v4, v1  }
0x32c: {  	v4 =	vld [tilespmem:s26+$0xFFFFFFB0]  }
0x32d: {  	v6 =	vld [tilespmem:s28+$0xFFFFFFB0];
	[tilespmem:s29+$0xFFFFFF20] =	vst v1  }
0x32e: {  	v1 =	vld [tilespmem:s26+$0xFFFFFF30];
	v0 =	vadd.f32 v3, v0  }
0x32f: {  	v3 =	vld [tilespmem:s28+$0xFFFFFF30]  }
0x330: {  	v2 =	vadd.f32 v2, v5;
	[tilespmem:s29+$0xB0] =	vst v0  }
0x331: {  	v0 =	vld [tilespmem:s26+$0xC0]  }
0x332: {  	v4 =	vadd.f32 v6, v4;
	[tilespmem:s29+$0x20] =	vst v2;
	v2 =	vld [tilespmem:s28+$0xC0]  }
0x333: {  	v5 =	vld [tilespmem:s26+$0x30]  }
0x334: {  	[tilespmem:s29+$0xFFFFFFB0] =	vst v4;
	v1 =	vadd.f32 v3, v1;
	v3 =	vld [tilespmem:s28+$0x30]  }
0x335: {  	v4 =	vld [tilespmem:s26+$0xFFFFFFC0]  }
0x336: {  	[tilespmem:s29+$0xFFFFFF30] =	vst v1;
	v1 =	vld [tilespmem:s28+$0xFFFFFFC0]  }
0x337: {  	v6 =	vld [tilespmem:s26+$0xFFFFFF40];
	v0 =	vadd.f32 v2, v0  }
0x338: {  	v2 =	vld [tilespmem:s28+$0xFFFFFF40]  }
0x339: {  	v3 =	vadd.f32 v3, v5;
	[tilespmem:s29+$0xC0] =	vst v0  }
0x33a: {  	v0 =	vld [tilespmem:s26+$0xD0]  }
0x33b: {  	v1 =	vadd.f32 v1, v4;
	[tilespmem:s29+$0x30] =	vst v3;
	v3 =	vld [tilespmem:s28+$0xD0]  }
0x33c: {  	v4 =	vld [tilespmem:s26+$0x40]  }
0x33d: {  	v2 =	vadd.f32 v2, v6;
	[tilespmem:s29+$0xFFFFFFC0] =	vst v1;
	v1 =	vld [tilespmem:s28+$0x40]  }
0x33e: {  	v5 =	vld [tilespmem:s26+$0xFFFFFFD0]  }
0x33f: {  	[tilespmem:s29+$0xFFFFFF40] =	vst v2;
	v2 =	vld [tilespmem:s28+$0xFFFFFFD0]  }
0x340: {  	v6 =	vld [tilespmem:s26+$0xFFFFFF50];
	v0 =	vadd.f32 v3, v0  }
0x341: {  	v3 =	vld [tilespmem:s28+$0xFFFFFF50]  }
0x342: {  	v1 =	vadd.f32 v1, v4;
	[tilespmem:s29+$0xD0] =	vst v0  }
0x343: {  	v7 =	vld [tilespmem:s26+$0xE0]  }
0x344: {  	v0 =	vadd.f32 v2, v5;
	v5 =	vld [tilespmem:s28+$0xE0];
	[tilespmem:s29+$0x40] =	vst v1  }
0x345: {  	v1 =	vld [tilespmem:s26+$0x50]  }
0x346: {  	v2 =	vadd.f32 v3, v6;
	[tilespmem:s29+$0xFFFFFFD0] =	vst v0;
	v4 =	vld [tilespmem:s28+$0x50]  }
0x347: {  	v0 =	vld [tilespmem:s26+$0xFFFFFFE0]  }
0x348: {  	v3 =	vld [tilespmem:s28+$0xFFFFFFE0];
	[tilespmem:s29+$0xFFFFFF50] =	vst v2  }
0x349: {  	s2 =	simm.s32 $0x0;
	v2 =	vld [tilespmem:s26+$0xFFFFFF60];
	v6 =	vadd.f32 v5, v7  }
0x34a: {  	s3 =	simm.s32 $0xCB00;
	s8 =	simm.s32 $0x100;
	s0 =	simm.s32 $0x19100;
	v5 =	vld [tilespmem:s28+$0xFFFFFF60]  }
.LBB2_14:
0x34b: {  	v7 =	vld [tilespmem:s3+$0x80];
	v1 =	vadd.f32 v4, v1;
	[tilespmem:s29+$0xE0] =	vst v6  }
0x34c: {  	v4 =	vld [tilespmem:s26+$0xF0]  }
0x34d: {  	s8 =	sadd.s32 $0x200, s8;
	v0 =	vadd.f32 v3, v0;
	[tilespmem:s29+$0x50] =	vst v1;
	v1 =	vld [tilespmem:s28+$0xF0]  }
0x34e: {  	v3 =	vld [tilespmem:s8+$0x80]  }
0x34f: {  	v6 =	vld [tilespmem:s8+$0xFFFFFF00];
	v2 =	vadd.f32 v5, v2;
	[tilespmem:s29+$0xFFFFFFE0] =	vst v0  }
0x350: {  	v0 =	vld [tilespmem:s3+$0xFFFFFF80]  }
0x351: {  	v5 =	vld [tilespmem:s8+$0xFFFFFF80];
	[tilespmem:s29+$0xFFFFFF60] =	vst v2  }
0x352: {  	v2 =	vld [tilespmem:s3+$0x0];
	v1 =	vadd.f32 v1, v4  }
0x353: {  	v4 =	vld [tilespmem:s8+$0x0];
	v3 =	vadd.f32 v3, v7  }
0x354: {  	s29 =	sadd.s32 $0x200, s29;
	v7 =	vld [tilespmem:s3+$0xFFFFFF00];
	[tilespmem:s0+$0xF0] =	vst v1  }
0x355: {  	s2 =	sadd.s32 $0x4, s2;
	[tilespmem:s29+$0x80] =	vst v3;
	v1 =	vld [tilespmem:s26+$0x60]  }
0x356: {  	p0 =	slt.u32 s2, $0xC4;
	v0 =	vadd.f32 v5, v0;
	v3 =	vld [tilespmem:s3+$0x90]  }
0x357: {  	v5 =	vld [tilespmem:s8+$0x90]  }
0x358: {  	[tilespmem:s29+$0xFFFFFF80] =	vst v0;
	v0 =	vadd.f32 v4, v2;
	v2 =	vld [tilespmem:s28+$0x60]  }
0x359: {  	v4 =	vadd.f32 v6, v7;
	v6 =	vld [tilespmem:s3+$0xFFFFFF90]  }
0x35a: {  	v7 =	vld [tilespmem:s8+$0xFFFFFF90];
	[tilespmem:s29+$0x0] =	vst v0  }
0x35b: {  	[tilespmem:s29+$0xFFFFFF00] =	vst v4;
	v0 =	vld [tilespmem:s3+$0x10]  }
0x35c: {  	v4 =	vld [tilespmem:s3+$0xFFFFFF10];
	v3 =	vadd.f32 v5, v3  }
0x35d: {  	v5 =	vld [tilespmem:s8+$0xFFFFFF10];
	v1 =	vadd.f32 v2, v1  }
0x35e: {  	v2 =	vld [tilespmem:s8+$0x10];
	[tilespmem:s29+$0x90] =	vst v3  }
0x35f: {  	v3 =	vadd.f32 v7, v6;
	v6 =	vld [tilespmem:s3+$0xA0];
	[tilespmem:s0+$0x60] =	vst v1  }
0x360: {  	v1 =	vld [tilespmem:s8+$0xA0]  }
0x361: {  	[tilespmem:s29+$0xFFFFFF90] =	vst v3;
	v3 =	vld [tilespmem:s26+$0xFFFFFF70]  }
0x362: {  	v4 =	vadd.f32 v5, v4;
	v5 =	vld [tilespmem:s3+$0xFFFFFFA0]  }
0x363: {  	v7 =	vld [tilespmem:s8+$0xFFFFFFA0];
	v0 =	vadd.f32 v2, v0  }
0x364: {  	[tilespmem:s29+$0xFFFFFF10] =	vst v4;
	v2 =	vld [tilespmem:s28+$0xFFFFFF70]  }
0x365: {  	v4 =	vld [tilespmem:s3+$0xFFFFFF20];
	[tilespmem:s29+$0x10] =	vst v0;
	v0 =	vadd.f32 v1, v6  }
0x366: {  	v1 =	vld [tilespmem:s8+$0xFFFFFF20]  }
0x367: {  	v6 =	vld [tilespmem:s3+$0x20];
	[tilespmem:s29+$0xA0] =	vst v0  }
0x368: {  	v0 =	vadd.f32 v7, v5;
	v5 =	vld [tilespmem:s3+$0xB0]  }
0x369: {  	v7 =	vld [tilespmem:s8+$0xB0];
	v2 =	vadd.f32 v2, v3  }
0x36a: {  	[tilespmem:s29+$0xFFFFFFA0] =	vst v0;
	v0 =	vld [tilespmem:s8+$0x20]  }
0x36b: {  	v1 =	vadd.f32 v1, v4;
	v3 =	vld [tilespmem:s3+$0xFFFFFFB0];
	[tilespmem:s0+$0xFFFFFF70] =	vst v2  }
0x36c: {  	v2 =	vld [tilespmem:s8+$0xFFFFFFB0]  }
0x36d: {  	[tilespmem:s29+$0xFFFFFF20] =	vst v1;
	v1 =	vld [tilespmem:s26+$0xFFFFFFF0]  }
0x36e: {  	v4 =	vld [tilespmem:s3+$0xFFFFFF30];
	v5 =	vadd.f32 v7, v5  }
0x36f: {  	v7 =	vld [tilespmem:s8+$0xFFFFFF30];
	v0 =	vadd.f32 v0, v6  }
0x370: {  	[tilespmem:s29+$0xB0] =	vst v5;
	v5 =	vld [tilespmem:s28+$0xFFFFFFF0]  }
0x371: {  	v2 =	vadd.f32 v2, v3;
	[tilespmem:s29+$0x20] =	vst v0;
	v0 =	vld [tilespmem:s3+$0xC0]  }
0x372: {  	v3 =	vld [tilespmem:s8+$0xC0]  }
0x373: {  	[tilespmem:s29+$0xFFFFFFB0] =	vst v2;
	v2 =	vld [tilespmem:s3+$0x30]  }
0x374: {  	v4 =	vadd.f32 v7, v4;
	v6 =	vld [tilespmem:s8+$0x30]  }
0x375: {  	v7 =	vld [tilespmem:s3+$0xFFFFFFC0];
	v1 =	vadd.f32 v5, v1  }
0x376: {  	[tilespmem:s29+$0xFFFFFF30] =	vst v4;
	v4 =	vld [tilespmem:s8+$0xFFFFFFC0]  }
0x377: {  	v5 =	vld [tilespmem:s3+$0xFFFFFF40];
	v0 =	vadd.f32 v3, v0;
	[tilespmem:s0+$0xFFFFFFF0] =	vst v1  }
0x378: {  	v1 =	vld [tilespmem:s8+$0xFFFFFF40]  }
0x379: {  	v2 =	vadd.f32 v6, v2;
	[tilespmem:s29+$0xC0] =	vst v0;
	v3 =	vld [tilespmem:s26+$0x70];
	s26 =	smov.u32 s3  }
0x37a: {  	v0 =	vld [tilespmem:s3+$0xD0]  }
0x37b: {  	v4 =	vadd.f32 v4, v7;
	[tilespmem:s29+$0x30] =	vst v2;
	v2 =	vld [tilespmem:s8+$0xD0]  }
0x37c: {  	v6 =	vld [tilespmem:s3+$0x40]  }
0x37d: {  	v1 =	vadd.f32 v1, v5;
	[tilespmem:s29+$0xFFFFFFC0] =	vst v4;
	v4 =	vld [tilespmem:s8+$0x40]  }
0x37e: {  	v5 =	vld [tilespmem:s3+$0xFFFFFFD0]  }
0x37f: {  	[tilespmem:s29+$0xFFFFFF40] =	vst v1;
	v1 =	vld [tilespmem:s8+$0xFFFFFFD0]  }
0x380: {  	v7 =	vld [tilespmem:s3+$0xFFFFFF50];
	v0 =	vadd.f32 v2, v0  }
0x381: {  	v2 =	vld [tilespmem:s8+$0xFFFFFF50]  }
0x382: {  	v4 =	vadd.f32 v4, v6;
	[tilespmem:s29+$0xD0] =	vst v0;
	v6 =	vld [tilespmem:s28+$0x70];
	s28 =	smov.u32 s8  }
0x383: {  	v8 =	vld [tilespmem:s3+$0xE0]  }
0x384: {  	v0 =	vadd.f32 v1, v5;
	[tilespmem:s29+$0x40] =	vst v4;
	v5 =	vld [tilespmem:s8+$0xE0]  }
0x385: {  	v1 =	vld [tilespmem:s3+$0x50]  }
.Ltmp6:
0x386: {  	v2 =	vadd.f32 v2, v7;
	[tilespmem:s29+$0xFFFFFFD0] =	vst v0;
	v4 =	vld [tilespmem:s8+$0x50];
	(pc) =	sbr.rel @p0 .LBB2_14-.Ltmp6, $4  }
0x387: {  	v0 =	vld [tilespmem:s3+$0xFFFFFFE0];
	v7 =	vadd.f32 v6, v3  }
0x388: {  	[tilespmem:s29+$0xFFFFFF50] =	vst v2;
	v3 =	vld [tilespmem:s8+$0xFFFFFFE0]  }
0x389: {  	v2 =	vld [tilespmem:s3+$0xFFFFFF60];
	v6 =	vadd.f32 v5, v8;
	[tilespmem:s0+$0x70] =	vst v7;
	s0 =	smov.u32 s29  }
0x38a: {  	s3 =	sadd.s32 $0x200, s3;
	v5 =	vld [tilespmem:s8+$0xFFFFFF60]  }
0x38b: {  	v1 =	vadd.f32 v4, v1;
	_ =	sdelay $0x1  }
0x38c: {  	[tilespmem:s29+$0x50] =	vst v1  }
0x38d: {  	v1 =	vld [tilespmem:s26+$0x60]  }
0x38e: {  	v55 =	vld [tilespmem:s28+$0x60]  }
0x38f: {  	[tilespmem:s29+$0xE0] =	vst v6;
	v0 =	vadd.f32 v3, v0  }
0x390: {  	v56 =	vld [tilespmem:s26+$0xF0]  }
0x391: {  	v57 =	vld [tilespmem:s28+$0xF0];
	v2 =	vadd.f32 v5, v2;
	[tilespmem:s29+$0xFFFFFFE0] =	vst v0  }
0x392: {  	v60 =	vld [tilespmem:s26+$0xFFFFFFF0]  }
0x393: {  	v61 =	vld [tilespmem:s28+$0xFFFFFFF0];
	[tilespmem:s29+$0xFFFFFF60] =	vst v2;
	v58 =	vadd.f32 v55, v1  }
0x394: {  	v2 =	vld [tilespmem:s26+$0xFFFFFF70]  }
0x395: {  	v59 =	vld [tilespmem:s28+$0xFFFFFF70];
	[tilespmem:s0+$0x60] =	vst v58  }
0x396: {  	v62 =	vld [tilespmem:s26+$0x70]  }
0x397: {  	v7 =	vld [tilespmem:s28+$0x70];
	_ =	sdelay $0x1  }
0x398: {  	v3 =	vadd.f32 v57, v56  }
0x399: {  	v0 =	vadd.f32 v61, v60  }
0x39a: {  	[tilespmem:s0+$0xF0] =	vst v3;
	v1 =	vadd.f32 v59, v2  }
0x39b: {  	[tilespmem:s0+$0xFFFFFFF0] =	vst v0;
	v63 =	vadd.f32 v7, v62  }
0x39c: {  	[tilespmem:s0+$0xFFFFFF70] =	vst v1  }
0x39d: {  	s25 =	sadd.s32 $0x1, s25;
	[tilespmem:s0+$0x70] =	vst v63  }
0x39e: {  	[hbm4b:s14+s5] =	stream.linear.scatter [tilespmem:s22], [sflag:$0x4], $0x6400, $0x38;
	[tilespmem:$0x1F400] =	vst v63  }
0x39f: {  	p0 =	sne.s32 s25, s15;
	_ =	swait.ge [sflag:s23], $0x6400  }
.Ltmp7:
0x3a0: {  	[sflag:s23] =	ssyncset.done $0x0;
	(pc) =	sbr.rel @p0 .LBB2_1-.Ltmp7, $4  }
0x3a1: {  	[sflag:s23] =	ssyncadd.s32 $0xFFFF9C00  }
0x3a2: {  	_ =	swait.ge [sflag:s24], $0x6400  }
0x3a3: {  	[sflag:s24] =	ssyncset.done $0x0  }
0x3a4: {  	[sflag:s24] =	ssyncadd.s32 $0xFFFF9C00  }
0x3a5: {  	_ =	sfence.sel $0x180000  }
0x3a6: {  	[bflag:$0x0] =	sbarrier.arrive $0xFFFF  }
0x3a7: {  	_ =	strace $0x90000047  }
0x3a8: {  	s0 =	stileid.u32;
	[bflag:$0x2] =	sbarrier.arrive $0xFFFF  }
0x3a9: {  	p0 =	sne.s32 s0, $0x0;
	s0 =	rddreg [dreg:$0x3]  }
0x3aa: {  	s0 =	sadd.s32 @!p0 $0x100000, s0  }
0x3ab: {  	[sflag:s0] =	ssyncadd.tile.s32 @!p0 $0x1;
	_ =	shalt  }
.Lfunc_end2:
_tile_overlayer_lowered:
.L_overlay_start_2:
0x3ac: {  	(tag) =	ssettag $0x2  }
0x3ad: {  	s0 =	rddreg [dreg:$0x0];
	s2 =	stileid.u32  }
0x3ae: {  	s1 =	rddreg [dreg:$0x1];
	p0 =	sne.s32 s2, $0x0  }
0x3af: {  	s3 =	rddreg [dreg:$0x2];
	[bflag:$0x3] =	sbarrier.arrive $0xFFFF;
	s2 =	simm.s32 @!p0 $0x1C05  }
0x3b0: {  	[timem:s3], [sflag:s2] =	dma.local @!p0 [hbm:s0], s1  }
0x3b1: {  	s0 =	simm.s32 @!p0 $0x5  }
0x3b2: {  	_ =	swait.ge @!p0 [sflag:s0], s1  }
0x3b3: {  	s1 =	ssub.s32 @!p0 $0x0, s1;
	[sflag:s0] =	ssyncset.done @!p0 $0x0  }
0x3b4: {  	[sflag:s0] =	ssyncadd.s32 @!p0 s1  }
0x3b5: {  	[bflag:$0x3] =	sbarrier.arrive $0xFFFF  }
0x3b6: {  	_ =	shalt  }

</sc_bundles>
